<compile_context>
chip_gen: v7x
topology: tpu7x:2x2x1
jax: 0.10.2.dev20260603
libtpu: 0.0.44.dev20260713+nightly
codegen_flags: <defaults>
</compile_context>

<pallas_src>
import functools

import jax
import jax.numpy as jnp
from jax import lax
from jax.experimental import pallas as pl
from jax.experimental.pallas import tpu as pltpu
from jax.experimental.pallas import tpu_sc as plsc

K_PER_ROW = 64

_NC, _NS, _L = 2, 16, 16
_NW = _NC * _NS

_BINS1 = 1 << 16
_BINS2 = 1 << 15
_W = 16384


def _zero_i32(ref, n):
  zeros = jnp.zeros((_L,), jnp.int32)

  @plsc.parallel_loop(0, n // _L, unroll=8)
  def _(i):
    ref[pl.ds(i * _L, _L)] = zeros


def _keys_from(v):
  bits = lax.bitcast_convert_type(v, jnp.int32)
  return lax.bitwise_and(bits, jnp.int32(0x7FFFFFFF))


def _sc_hist_kernel(n_elems, level2):
  ew = n_elems // _NW
  nwin = ew // _W
  assert ew % _W == 0
  bins = _BINS2 if level2 else _BINS1

  mesh = plsc.VectorSubcoreMesh(
      core_axis_name="c", subcore_axis_name="s",
      num_cores=_NC, num_subcores=_NS)
  scratch = [
      pltpu.VMEM((2, _W), jnp.float32),
      pltpu.VMEM((bins,), jnp.int32),
      pltpu.SemaphoreType.DMA,
      pltpu.SemaphoreType.DMA,
  ]
  if level2:
    scratch.insert(0, pltpu.VMEM((_L,), jnp.int32))

  def body_l1(x_hbm, h_hbm, inbuf, hist, sem0, sem1):
    _run(x_hbm, h_hbm, inbuf, hist, (sem0, sem1), None)

  def body_l2(x_hbm, b_hbm, h_hbm, bbuf, inbuf, hist, sem0, sem1):
    pltpu.sync_copy(b_hbm, bbuf)
    bvec = bbuf[...]
    _run(x_hbm, h_hbm, inbuf, hist, (sem0, sem1), bvec)

  def _run(x_hbm, h_hbm, inbuf, hist, sems, bvec):
    wid = lax.axis_index("s") * _NC + lax.axis_index("c")
    base = wid * ew
    _zero_i32(hist, bins)

    ones = jnp.ones((_L,), jnp.int32)

    def accum(b):
      @plsc.parallel_loop(0, _W // _L, unroll=8)
      def _(j):
        v = inbuf[b, pl.ds(j * _L, _L)]
        key = _keys_from(v)
        if bvec is None:
          idx = lax.shift_right_logical(key, 15)
          plsc.addupdate_scatter(hist, [idx], ones)
        else:
          hi = lax.shift_right_logical(key, 15)
          idx = lax.bitwise_and(key, jnp.int32(0x7FFF))
          plsc.addupdate_scatter(hist, [idx], ones, mask=hi == bvec)

    cps = [None, None]
    cps[0] = pltpu.async_copy(x_hbm.at[pl.ds(base, _W)], inbuf.at[0], sems[0])
    for w in range(nwin):
      b = w % 2
      nb = (w + 1) % 2
      if w + 1 < nwin:
        cps[nb] = pltpu.async_copy(
            x_hbm.at[pl.ds(base + (w + 1) * _W, _W)], inbuf.at[nb], sems[nb])
      cps[b].wait()
      accum(b)
    pltpu.sync_copy(hist, h_hbm.at[pl.ds(wid * bins, bins)])

  body = body_l2 if level2 else body_l1
  return pl.kernel(
      body,
      out_type=jax.ShapeDtypeStruct((_NW * bins,), jnp.int32),
      mesh=mesh,
      scratch_types=scratch,
      compiler_params=pltpu.CompilerParams(needs_layout_passes=False),
  )


def _suffix_excl(h):
  rows, cols = h.shape
  jc = lax.broadcasted_iota(jnp.int32, (cols, cols), 0)
  kc = lax.broadcasted_iota(jnp.int32, (cols, cols), 1)
  mcol = (jc > kc).astype(jnp.float32)
  in_row = jnp.dot(h, mcol, preferred_element_type=jnp.float32,
                   precision=lax.Precision.HIGHEST)
  rowtot = jnp.sum(h, axis=1, keepdims=True)
  jr = lax.broadcasted_iota(jnp.int32, (rows, rows), 0)
  kr = lax.broadcasted_iota(jnp.int32, (rows, rows), 1)
  mrow = (kr > jr).astype(jnp.float32)
  rows_after = jnp.dot(mrow, rowtot, preferred_element_type=jnp.float32,
                   precision=lax.Precision.HIGHEST)
  return in_row + rows_after


def _select_bin(h, above):
  k = jnp.float32(_K_TOTAL)
  cond = (above < k) & (above + h >= k)
  rows, cols = h.shape
  ri = lax.broadcasted_iota(jnp.int32, (rows, cols), 0)
  ci = lax.broadcasted_iota(jnp.int32, (rows, cols), 1)
  binidx = (ri * cols + ci).astype(jnp.float32)
  b = jnp.sum(jnp.where(cond, binidx, 0.0))
  c = jnp.sum(jnp.where(cond, above, 0.0))
  return b, c


_K_TOTAL = None


def _scan1_body(h_ref, out_ref):
  h = jnp.sum(h_ref[...].astype(jnp.float32), axis=0)
  above = _suffix_excl(h)
  b, c = _select_bin(h, above)
  row = lax.broadcasted_iota(jnp.int32, (8, 128), 0)
  col = lax.broadcasted_iota(jnp.int32, (8, 128), 1)
  o = jnp.where((row == 0) & (col == 0), b.astype(jnp.int32), 0)
  o = o + jnp.where((row == 0) & (col == 1), c.astype(jnp.int32), 0)
  out_ref[...] = o


def _scan2_body(h_ref, prior_ref, out_ref):
  h = jnp.sum(h_ref[...].astype(jnp.float32), axis=0)
  c_base = prior_ref[0, 1].astype(jnp.float32)
  b_hi = prior_ref[0, 0]
  above = _suffix_excl(h) + c_base
  t_lo, c_sel = _select_bin(h, above)
  t = lax.shift_left(b_hi, 15) | t_lo.astype(jnp.int32)
  r = jnp.float32(_K_TOTAL) - c_sel
  row = lax.broadcasted_iota(jnp.int32, (8, 128), 0)
  col = lax.broadcasted_iota(jnp.int32, (8, 128), 1)
  o = jnp.where((row == 0) & (col == 0), t, 0)
  o = o + jnp.where((row == 0) & (col == 1), r.astype(jnp.int32), 0)
  out_ref[...] = o


def _mask_body(x_ref, td_ref, out_ref, consumed):
  g = pl.program_id(0)

  @pl.when(g == 0)
  def _():
    consumed[0] = 0

  xb = x_ref[...]
  key = _keys_from(xb)
  t = td_ref[0, 0]
  r = td_ref[0, 1]
  gt = key > t
  eq = key == t
  c = jnp.sum(eq.astype(jnp.int32))
  rem = r - consumed[0]
  take_none = (c == 0) | (rem <= 0)
  take_all = jnp.logical_not(take_none) & (c <= rem)
  take_some = jnp.logical_not(take_none) & (c > rem)

  @pl.when(take_none)
  def _():
    out_ref[...] = jnp.where(gt, xb, 0.0)

  @pl.when(take_all)
  def _():
    out_ref[...] = jnp.where(gt | eq, xb, 0.0)

  @pl.when(take_some)
  def _():
    rows, cols = eq.shape
    e = eq.astype(jnp.float32)
    jc = lax.broadcasted_iota(jnp.int32, (cols, cols), 0)
    kc = lax.broadcasted_iota(jnp.int32, (cols, cols), 1)
    incl = (jc <= kc).astype(jnp.float32)
    pr_row = jnp.dot(e, incl, preferred_element_type=jnp.float32,
                   precision=lax.Precision.HIGHEST)
    rowtot = jnp.sum(e, axis=1, keepdims=True)
    jr = lax.broadcasted_iota(jnp.int32, (rows, rows), 0)
    kr = lax.broadcasted_iota(jnp.int32, (rows, rows), 1)
    strict = (kr < jr).astype(jnp.float32)
    rows_before = jnp.dot(strict, rowtot, preferred_element_type=jnp.float32,
                   precision=lax.Precision.HIGHEST)
    prefix = pr_row + rows_before
    keep = eq & (prefix <= rem.astype(jnp.float32))
    out_ref[...] = jnp.where(gt | keep, xb, 0.0)

  consumed[0] = consumed[0] + c


def kernel(x):
  global _K_TOTAL
  batch, feat = x.shape
  n = batch * feat
  _K_TOTAL = K_PER_ROW * batch

  x_flat = x.reshape(-1)

  hist1 = _sc_hist_kernel(n, level2=False)(x_flat)
  h1 = hist1.reshape(_NW, _BINS1 // 128, 128)

  bd = pl.pallas_call(
      _scan1_body,
      out_shape=jax.ShapeDtypeStruct((8, 128), jnp.int32),
  )(h1)

  b_vec = jnp.broadcast_to(bd[0, 0], (_L,)).astype(jnp.int32)

  hist2 = _sc_hist_kernel(n, level2=True)(x_flat, b_vec)
  h2 = hist2.reshape(_NW, _BINS2 // 128, 128)

  td = pl.pallas_call(
      _scan2_body,
      in_specs=[
          pl.BlockSpec(memory_space=pltpu.VMEM),
          pl.BlockSpec(memory_space=pltpu.SMEM),
      ],
      out_shape=jax.ShapeDtypeStruct((8, 128), jnp.int32),
  )(h2, bd[:1, :2])

  rows = n // 1024
  blk = 512
  x2d = x_flat.reshape(rows, 1024)
  out = pl.pallas_call(
      _mask_body,
      grid=(rows // blk,),
      in_specs=[
          pl.BlockSpec((blk, 1024), lambda g: (g, 0)),
          pl.BlockSpec(memory_space=pltpu.SMEM),
      ],
      out_specs=pl.BlockSpec((blk, 1024), lambda g: (g, 0)),
      out_shape=jax.ShapeDtypeStruct((rows, 1024), jnp.float32),
      scratch_shapes=[pltpu.SMEM((1,), jnp.int32)],
      compiler_params=pltpu.CompilerParams(
          dimension_semantics=("arbitrary",)),
  )(x2d, td[:1, :2])

  return out.reshape(batch, feat)

# --- scband reference (transcript-rebuilt; emitter-appended) ---
"""Pipeline reference for scband-torch-compile-batch-top-k-76192719831802 (READ-ONLY COPY).

The authoritative reference and input builder live on the scoring server;
editing this copy changes nothing except your own understanding.
"""

import jax, jax.numpy as jnp
import numpy as np

K_PER_TOKEN = 64

def setup_inputs(seed: int = 0) -> dict:
    key = jax.random.key(seed)
    x = jax.random.normal(key, (128, 32768), dtype=jnp.float32)
    return {"x": x}

def reference(x):
    batch_size, num_features = x.shape
    k_total = K_PER_TOKEN * batch_size
    x_flat = x.reshape(-1)
    ranking_flat = x_flat
    _, indices = jax.lax.top_k(jnp.abs(ranking_flat), k_total)
    mask = jnp.zeros(x_flat.shape, dtype=x_flat.dtype).at[indices].set(1.0)
    output = x_flat * mask
    return output.reshape(batch_size, num_features)

if __name__ == "__main__":
    import jax
    _d = setup_inputs()
    print(jax.jit(kernel)(*tuple(_d.values())))

</pallas_src>

<mosaic_0001>
#map = affine_map<(d0, d1) -> (0)>
module attributes {stable_mosaic.version = 14 : i64} {
  func.func @body_l2(%arg0: i32, %arg1: i32, %arg2: memref<4194304xf32, #tpu.memory_space<hbm>>, %arg3: memref<16xi32, #tpu.memory_space<hbm>>, %arg4: memref<1048576xi32, #tpu.memory_space<hbm>>, %arg5: memref<16xi32, #tpu.memory_space<vmem>>, %arg6: memref<2x16384xf32, #tpu.memory_space<vmem>>, %arg7: memref<32768xi32, #tpu.memory_space<vmem>>, %arg8: memref<!tpu.dma_semaphore, #tpu.memory_space<semaphore_mem>>, %arg9: memref<!tpu.dma_semaphore, #tpu.memory_space<semaphore_mem>>) attributes {dimension_semantics = [#tpu.dimension_semantics<core_parallel>, #tpu.dimension_semantics<subcore_parallel>], iteration_bounds = array<i64: 2, 16>, scalar_prefetch = 0 : i64, scratch_operands = 5 : i64, tpu.core_type = #tpu.core_type<sc_vector_subcore>, window_params = [{transform_indices = #map}, {transform_indices = #map}, {transform_indices = #map}]} {
    "tpu.region"() ({
      %run_scoped3A = tpu.sem_alloc : memref<!tpu.dma_semaphore, #tpu.memory_space<semaphore_mem>>
      tpu.enqueue_dma source(%arg3 : memref<16xi32, #tpu.memory_space<hbm>>) target(%arg5 : memref<16xi32, #tpu.memory_space<vmem>>) target_semaphore(%run_scoped3A : memref<!tpu.dma_semaphore, #tpu.memory_space<semaphore_mem>>)
      tpu.wait_dma2 semaphore(%run_scoped3A : memref<!tpu.dma_semaphore, #tpu.memory_space<semaphore_mem>>) src(%arg3 : memref<16xi32, #tpu.memory_space<hbm>>) dst(%arg5 : memref<16xi32, #tpu.memory_space<vmem>>)
      tpu.yield
    }) : () -> ()
    %get3A = arith.constant 0 : index
    %get3A_0 = tpu.vector_load %arg5[%get3A] {strides = array<i32>} : memref<16xi32, #tpu.memory_space<vmem>>, vector<16xi32>,
    %mul3A = arith.constant 2 : i32
    %mul3A_1 = arith.muli %arg1, %mul3A : i32
    %add3A = arith.addi %mul3A_1, %arg0 : i32
    %mul3A_2 = arith.constant 131072 : i32
    %mul3A_3 = arith.muli %add3A, %mul3A_2 : i32
    %broadcast_in_dim3A = arith.constant 0 : i32
    %broadcast_in_dim3A_4 = vector.broadcast %broadcast_in_dim3A : i32 to vector<16xi32>
    %parallel_loop3A = arith.constant 0 : i32
    %parallel_loop3A_5 = arith.constant 2048 : i32
    %parallel_loop3A_6 = arith.constant 1 : i32
    scf.for %parallel_loop3A_191 = %parallel_loop3A to %parallel_loop3A_5 step %parallel_loop3A_6  : i32 {
      %parallel_loop3A_192 = arith.constant 16 : i32
      %parallel_loop3A_193 = arith.muli %parallel_loop3A_191, %parallel_loop3A_192 : i32
      %parallel_loop3A_194 = arith.index_cast %parallel_loop3A_193 : i32 to index
      %parallel_loop3A_195 = tpu.vector_load %arg7[%parallel_loop3A_194] {strides = array<i32>} : memref<32768xi32, #tpu.memory_space<vmem>>, vector<16xi32>,
      tpu.vector_store %arg7[%parallel_loop3A_194], %broadcast_in_dim3A_4 {strides = array<i32>} : memref<32768xi32, #tpu.memory_space<vmem>>, vector<16xi32>,
    } {sc.loop_unroll_factor = 8 : i64, sc.parallel_access}
    %broadcast_in_dim3A_7 = arith.constant 1 : i32
    %broadcast_in_dim3A_8 = vector.broadcast %broadcast_in_dim3A_7 : i32 to vector<16xi32>
    %dma_start3A = arith.constant 0 : i32
    %dma_start3A_9 = arith.constant 0 : i32
    %dma_start3A_10 = tpu.memref_slice %arg6[%dma_start3A, %dma_start3A_9] : memref<2x16384xf32, #tpu.memory_space<vmem>> -> memref<1x16384xf32, #tpu.memory_space<vmem>>
    %dma_start3A_11 = tpu.memref_squeeze %dma_start3A_10 : memref<1x16384xf32, #tpu.memory_space<vmem>> -> memref<16384xf32, #tpu.memory_space<vmem>>
    %dma_start3A_12 = tpu.memref_slice %arg2[%mul3A_3] : memref<4194304xf32, #tpu.memory_space<hbm>> -> memref<16384xf32, #tpu.memory_space<hbm>>
    %dma_start3A_13 = arith.constant 0 : i32
    %dma_start3A_14 = tpu.memref_slice %arg6[%dma_start3A, %dma_start3A_13] : memref<2x16384xf32, #tpu.memory_space<vmem>> -> memref<1x16384xf32, #tpu.memory_space<vmem>>
    %dma_start3A_15 = tpu.memref_squeeze %dma_start3A_14 : memref<1x16384xf32, #tpu.memory_space<vmem>> -> memref<16384xf32, #tpu.memory_space<vmem>>
    %dma_start3A_16 = tpu.memref_slice %arg2[%mul3A_3] : memref<4194304xf32, #tpu.memory_space<hbm>> -> memref<16384xf32, #tpu.memory_space<hbm>>
    tpu.enqueue_dma source(%dma_start3A_16 : memref<16384xf32, #tpu.memory_space<hbm>>) target(%dma_start3A_15 : memref<16384xf32, #tpu.memory_space<vmem>>) target_semaphore(%arg8 : memref<!tpu.dma_semaphore, #tpu.memory_space<semaphore_mem>>)
    %add3A_17 = arith.constant 16384 : i32
    %add3A_18 = arith.addi %mul3A_3, %add3A_17 : i32
    %dma_start3A_19 = arith.constant 1 : i32
    %dma_start3A_20 = arith.constant 0 : i32
    %dma_start3A_21 = tpu.memref_slice %arg6[%dma_start3A_19, %dma_start3A_20] : memref<2x16384xf32, #tpu.memory_space<vmem>> -> memref<1x16384xf32, #tpu.memory_space<vmem>>
    %dma_start3A_22 = tpu.memref_squeeze %dma_start3A_21 : memref<1x16384xf32, #tpu.memory_space<vmem>> -> memref<16384xf32, #tpu.memory_space<vmem>>
    %dma_start3A_23 = tpu.memref_slice %arg2[%add3A_18] : memref<4194304xf32, #tpu.memory_space<hbm>> -> memref<16384xf32, #tpu.memory_space<hbm>>
    %dma_start3A_24 = arith.constant 0 : i32
    %dma_start3A_25 = tpu.memref_slice %arg6[%dma_start3A_19, %dma_start3A_24] : memref<2x16384xf32, #tpu.memory_space<vmem>> -> memref<1x16384xf32, #tpu.memory_space<vmem>>
    %dma_start3A_26 = tpu.memref_squeeze %dma_start3A_25 : memref<1x16384xf32, #tpu.memory_space<vmem>> -> memref<16384xf32, #tpu.memory_space<vmem>>
    %dma_start3A_27 = tpu.memref_slice %arg2[%add3A_18] : memref<4194304xf32, #tpu.memory_space<hbm>> -> memref<16384xf32, #tpu.memory_space<hbm>>
    tpu.enqueue_dma source(%dma_start3A_27 : memref<16384xf32, #tpu.memory_space<hbm>>) target(%dma_start3A_26 : memref<16384xf32, #tpu.memory_space<vmem>>) target_semaphore(%arg9 : memref<!tpu.dma_semaphore, #tpu.memory_space<semaphore_mem>>)
    %dma_wait3A = arith.constant 0 : i32
    %dma_wait3A_28 = arith.constant 0 : i32
    %dma_wait3A_29 = tpu.memref_slice %arg6[%dma_wait3A, %dma_wait3A_28] : memref<2x16384xf32, #tpu.memory_space<vmem>> -> memref<1x16384xf32, #tpu.memory_space<vmem>>
    %dma_wait3A_30 = tpu.memref_squeeze %dma_wait3A_29 : memref<1x16384xf32, #tpu.memory_space<vmem>> -> memref<16384xf32, #tpu.memory_space<vmem>>
    %dma_wait3A_31 = tpu.memref_slice %arg2[%mul3A_3] : memref<4194304xf32, #tpu.memory_space<hbm>> -> memref<16384xf32, #tpu.memory_space<hbm>>
    %dma_wait3A_32 = arith.constant 0 : i32
    %dma_wait3A_33 = tpu.memref_slice %arg6[%dma_wait3A, %dma_wait3A_32] : memref<2x16384xf32, #tpu.memory_space<vmem>> -> memref<1x16384xf32, #tpu.memory_space<vmem>>
    %dma_wait3A_34 = tpu.memref_squeeze %dma_wait3A_33 : memref<1x16384xf32, #tpu.memory_space<vmem>> -> memref<16384xf32, #tpu.memory_space<vmem>>
    %dma_wait3A_35 = tpu.memref_slice %arg2[%mul3A_3] : memref<4194304xf32, #tpu.memory_space<hbm>> -> memref<16384xf32, #tpu.memory_space<hbm>>
    tpu.wait_dma2 semaphore(%arg8 : memref<!tpu.dma_semaphore, #tpu.memory_space<semaphore_mem>>) src(%dma_wait3A_35 : memref<16384xf32, #tpu.memory_space<hbm>>) dst(%dma_wait3A_34 : memref<16384xf32, #tpu.memory_space<vmem>>)
    %parallel_loop3A_36 = arith.constant 0 : i32
    %parallel_loop3A_37 = arith.constant 1024 : i32
    %parallel_loop3A_38 = arith.constant 1 : i32
    scf.for %parallel_loop3A_191 = %parallel_loop3A_36 to %parallel_loop3A_37 step %parallel_loop3A_38  : i32 {
      %parallel_loop3A_192 = arith.constant 16 : i32
      %parallel_loop3A_193 = arith.muli %parallel_loop3A_191, %parallel_loop3A_192 : i32
      %parallel_loop3A_194 = arith.constant 0 : i32
      %parallel_loop3A_195 = arith.index_cast %parallel_loop3A_194 : i32 to index
      %parallel_loop3A_196 = arith.index_cast %parallel_loop3A_193 : i32 to index
      %parallel_loop3A_197 = tpu.vector_load %arg6[%parallel_loop3A_195, %parallel_loop3A_196] {strides = array<i32>} : memref<2x16384xf32, #tpu.memory_space<vmem>>, vector<16xf32>,
      %parallel_loop3A_198 = tpu.bitcast %parallel_loop3A_197 : vector<16xf32> -> vector<16xi32>
      %parallel_loop3A_199 = arith.constant 2147483647 : i32
      %parallel_loop3A_200 = vector.broadcast %parallel_loop3A_199 : i32 to vector<16xi32>
      %parallel_loop3A_201 = arith.andi %parallel_loop3A_198, %parallel_loop3A_200 : vector<16xi32>
      %parallel_loop3A_202 = arith.constant 15 : i32
      %parallel_loop3A_203 = vector.broadcast %parallel_loop3A_202 : i32 to vector<16xi32>
      %parallel_loop3A_204 = arith.shrui %parallel_loop3A_201, %parallel_loop3A_203 : vector<16xi32>
      %parallel_loop3A_205 = arith.constant 32767 : i32
      %parallel_loop3A_206 = vector.broadcast %parallel_loop3A_205 : i32 to vector<16xi32>
      %parallel_loop3A_207 = arith.andi %parallel_loop3A_201, %parallel_loop3A_206 : vector<16xi32>
      %parallel_loop3A_208 = arith.cmpi eq, %parallel_loop3A_204, %get3A_0 : vector<16xi32>
      tpu.vector_store_idx %arg7[%parallel_loop3A_207], %broadcast_in_dim3A_8 masked %parallel_loop3A_208 {add = true} : memref<32768xi32, #tpu.memory_space<vmem>>[vector<16xi32>], vector<16xi32>, vector<16xi1>
    } {sc.loop_unroll_factor = 8 : i64, sc.parallel_access}
    %add3A_39 = arith.constant 32768 : i32
    %add3A_40 = arith.addi %mul3A_3, %add3A_39 : i32
    %dma_start3A_41 = arith.constant 0 : i32
    %dma_start3A_42 = arith.constant 0 : i32
    %dma_start3A_43 = tpu.memref_slice %arg6[%dma_start3A_41, %dma_start3A_42] : memref<2x16384xf32, #tpu.memory_space<vmem>> -> memref<1x16384xf32, #tpu.memory_space<vmem>>
    %dma_start3A_44 = tpu.memref_squeeze %dma_start3A_43 : memref<1x16384xf32, #tpu.memory_space<vmem>> -> memref<16384xf32, #tpu.memory_space<vmem>>
    %dma_start3A_45 = tpu.memref_slice %arg2[%add3A_40] : memref<4194304xf32, #tpu.memory_space<hbm>> -> memref<16384xf32, #tpu.memory_space<hbm>>
    %dma_start3A_46 = arith.constant 0 : i32
    %dma_start3A_47 = tpu.memref_slice %arg6[%dma_start3A_41, %dma_start3A_46] : memref<2x16384xf32, #tpu.memory_space<vmem>> -> memref<1x16384xf32, #tpu.memory_space<vmem>>
    %dma_start3A_48 = tpu.memref_squeeze %dma_start3A_47 : memref<1x16384xf32, #tpu.memory_space<vmem>> -> memref<16384xf32, #tpu.memory_space<vmem>>
    %dma_start3A_49 = tpu.memref_slice %arg2[%add3A_40] : memref<4194304xf32, #tpu.memory_space<hbm>> -> memref<16384xf32, #tpu.memory_space<hbm>>
    tpu.enqueue_dma source(%dma_start3A_49 : memref<16384xf32, #tpu.memory_space<hbm>>) target(%dma_start3A_48 : memref<16384xf32, #tpu.memory_space<vmem>>) target_semaphore(%arg8 : memref<!tpu.dma_semaphore, #tpu.memory_space<semaphore_mem>>)
    %dma_wait3A_50 = arith.constant 1 : i32
    %dma_wait3A_51 = arith.constant 0 : i32
    %dma_wait3A_52 = tpu.memref_slice %arg6[%dma_wait3A_50, %dma_wait3A_51] : memref<2x16384xf32, #tpu.memory_space<vmem>> -> memref<1x16384xf32, #tpu.memory_space<vmem>>
    %dma_wait3A_53 = tpu.memref_squeeze %dma_wait3A_52 : memref<1x16384xf32, #tpu.memory_space<vmem>> -> memref<16384xf32, #tpu.memory_space<vmem>>
    %dma_wait3A_54 = tpu.memref_slice %arg2[%add3A_18] : memref<4194304xf32, #tpu.memory_space<hbm>> -> memref<16384xf32, #tpu.memory_space<hbm>>
    %dma_wait3A_55 = arith.constant 0 : i32
    %dma_wait3A_56 = tpu.memref_slice %arg6[%dma_wait3A_50, %dma_wait3A_55] : memref<2x16384xf32, #tpu.memory_space<vmem>> -> memref<1x16384xf32, #tpu.memory_space<vmem>>
    %dma_wait3A_57 = tpu.memref_squeeze %dma_wait3A_56 : memref<1x16384xf32, #tpu.memory_space<vmem>> -> memref<16384xf32, #tpu.memory_space<vmem>>
    %dma_wait3A_58 = tpu.memref_slice %arg2[%add3A_18] : memref<4194304xf32, #tpu.memory_space<hbm>> -> memref<16384xf32, #tpu.memory_space<hbm>>
    tpu.wait_dma2 semaphore(%arg9 : memref<!tpu.dma_semaphore, #tpu.memory_space<semaphore_mem>>) src(%dma_wait3A_58 : memref<16384xf32, #tpu.memory_space<hbm>>) dst(%dma_wait3A_57 : memref<16384xf32, #tpu.memory_space<vmem>>)
    %parallel_loop3A_59 = arith.constant 0 : i32
    %parallel_loop3A_60 = arith.constant 1024 : i32
    %parallel_loop3A_61 = arith.constant 1 : i32
    scf.for %parallel_loop3A_191 = %parallel_loop3A_59 to %parallel_loop3A_60 step %parallel_loop3A_61  : i32 {
      %parallel_loop3A_192 = arith.constant 16 : i32
      %parallel_loop3A_193 = arith.muli %parallel_loop3A_191, %parallel_loop3A_192 : i32
      %parallel_loop3A_194 = arith.constant 1 : i32
      %parallel_loop3A_195 = arith.index_cast %parallel_loop3A_194 : i32 to index
      %parallel_loop3A_196 = arith.index_cast %parallel_loop3A_193 : i32 to index
      %parallel_loop3A_197 = tpu.vector_load %arg6[%parallel_loop3A_195, %parallel_loop3A_196] {strides = array<i32>} : memref<2x16384xf32, #tpu.memory_space<vmem>>, vector<16xf32>,
      %parallel_loop3A_198 = tpu.bitcast %parallel_loop3A_197 : vector<16xf32> -> vector<16xi32>
      %parallel_loop3A_199 = arith.constant 2147483647 : i32
      %parallel_loop3A_200 = vector.broadcast %parallel_loop3A_199 : i32 to vector<16xi32>
      %parallel_loop3A_201 = arith.andi %parallel_loop3A_198, %parallel_loop3A_200 : vector<16xi32>
      %parallel_loop3A_202 = arith.constant 15 : i32
      %parallel_loop3A_203 = vector.broadcast %parallel_loop3A_202 : i32 to vector<16xi32>
      %parallel_loop3A_204 = arith.shrui %parallel_loop3A_201, %parallel_loop3A_203 : vector<16xi32>
      %parallel_loop3A_205 = arith.constant 32767 : i32
      %parallel_loop3A_206 = vector.broadcast %parallel_loop3A_205 : i32 to vector<16xi32>
      %parallel_loop3A_207 = arith.andi %parallel_loop3A_201, %parallel_loop3A_206 : vector<16xi32>
      %parallel_loop3A_208 = arith.cmpi eq, %parallel_loop3A_204, %get3A_0 : vector<16xi32>
      tpu.vector_store_idx %arg7[%parallel_loop3A_207], %broadcast_in_dim3A_8 masked %parallel_loop3A_208 {add = true} : memref<32768xi32, #tpu.memory_space<vmem>>[vector<16xi32>], vector<16xi32>, vector<16xi1>
    } {sc.loop_unroll_factor = 8 : i64, sc.parallel_access}
    %add3A_62 = arith.constant 49152 : i32
    %add3A_63 = arith.addi %mul3A_3, %add3A_62 : i32
    %dma_start3A_64 = arith.constant 1 : i32
    %dma_start3A_65 = arith.constant 0 : i32
    %dma_start3A_66 = tpu.memref_slice %arg6[%dma_start3A_64, %dma_start3A_65] : memref<2x16384xf32, #tpu.memory_space<vmem>> -> memref<1x16384xf32, #tpu.memory_space<vmem>>
    %dma_start3A_67 = tpu.memref_squeeze %dma_start3A_66 : memref<1x16384xf32, #tpu.memory_space<vmem>> -> memref<16384xf32, #tpu.memory_space<vmem>>
    %dma_start3A_68 = tpu.memref_slice %arg2[%add3A_63] : memref<4194304xf32, #tpu.memory_space<hbm>> -> memref<16384xf32, #tpu.memory_space<hbm>>
    %dma_start3A_69 = arith.constant 0 : i32
    %dma_start3A_70 = tpu.memref_slice %arg6[%dma_start3A_64, %dma_start3A_69] : memref<2x16384xf32, #tpu.memory_space<vmem>> -> memref<1x16384xf32, #tpu.memory_space<vmem>>
    %dma_start3A_71 = tpu.memref_squeeze %dma_start3A_70 : memref<1x16384xf32, #tpu.memory_space<vmem>> -> memref<16384xf32, #tpu.memory_space<vmem>>
    %dma_start3A_72 = tpu.memref_slice %arg2[%add3A_63] : memref<4194304xf32, #tpu.memory_space<hbm>> -> memref<16384xf32, #tpu.memory_space<hbm>>
    tpu.enqueue_dma source(%dma_start3A_72 : memref<16384xf32, #tpu.memory_space<hbm>>) target(%dma_start3A_71 : memref<16384xf32, #tpu.memory_space<vmem>>) target_semaphore(%arg9 : memref<!tpu.dma_semaphore, #tpu.memory_space<semaphore_mem>>)
    %dma_wait3A_73 = arith.constant 0 : i32
    %dma_wait3A_74 = arith.constant 0 : i32
    %dma_wait3A_75 = tpu.memref_slice %arg6[%dma_wait3A_73, %dma_wait3A_74] : memref<2x16384xf32, #tpu.memory_space<vmem>> -> memref<1x16384xf32, #tpu.memory_space<vmem>>
    %dma_wait3A_76 = tpu.memref_squeeze %dma_wait3A_75 : memref<1x16384xf32, #tpu.memory_space<vmem>> -> memref<16384xf32, #tpu.memory_space<vmem>>
    %dma_wait3A_77 = tpu.memref_slice %arg2[%add3A_40] : memref<4194304xf32, #tpu.memory_space<hbm>> -> memref<16384xf32, #tpu.memory_space<hbm>>
    %dma_wait3A_78 = arith.constant 0 : i32
    %dma_wait3A_79 = tpu.memref_slice %arg6[%dma_wait3A_73, %dma_wait3A_78] : memref<2x16384xf32, #tpu.memory_space<vmem>> -> memref<1x16384xf32, #tpu.memory_space<vmem>>
    %dma_wait3A_80 = tpu.memref_squeeze %dma_wait3A_79 : memref<1x16384xf32, #tpu.memory_space<vmem>> -> memref<16384xf32, #tpu.memory_space<vmem>>
    %dma_wait3A_81 = tpu.memref_slice %arg2[%add3A_40] : memref<4194304xf32, #tpu.memory_space<hbm>> -> memref<16384xf32, #tpu.memory_space<hbm>>
    tpu.wait_dma2 semaphore(%arg8 : memref<!tpu.dma_semaphore, #tpu.memory_space<semaphore_mem>>) src(%dma_wait3A_81 : memref<16384xf32, #tpu.memory_space<hbm>>) dst(%dma_wait3A_80 : memref<16384xf32, #tpu.memory_space<vmem>>)
    %parallel_loop3A_82 = arith.constant 0 : i32
    %parallel_loop3A_83 = arith.constant 1024 : i32
    %parallel_loop3A_84 = arith.constant 1 : i32
    scf.for %parallel_loop3A_191 = %parallel_loop3A_82 to %parallel_loop3A_83 step %parallel_loop3A_84  : i32 {
      %parallel_loop3A_192 = arith.constant 16 : i32
      %parallel_loop3A_193 = arith.muli %parallel_loop3A_191, %parallel_loop3A_192 : i32
      %parallel_loop3A_194 = arith.constant 0 : i32
      %parallel_loop3A_195 = arith.index_cast %parallel_loop3A_194 : i32 to index
      %parallel_loop3A_196 = arith.index_cast %parallel_loop3A_193 : i32 to index
      %parallel_loop3A_197 = tpu.vector_load %arg6[%parallel_loop3A_195, %parallel_loop3A_196] {strides = array<i32>} : memref<2x16384xf32, #tpu.memory_space<vmem>>, vector<16xf32>,
      %parallel_loop3A_198 = tpu.bitcast %parallel_loop3A_197 : vector<16xf32> -> vector<16xi32>
      %parallel_loop3A_199 = arith.constant 2147483647 : i32
      %parallel_loop3A_200 = vector.broadcast %parallel_loop3A_199 : i32 to vector<16xi32>
      %parallel_loop3A_201 = arith.andi %parallel_loop3A_198, %parallel_loop3A_200 : vector<16xi32>
      %parallel_loop3A_202 = arith.constant 15 : i32
      %parallel_loop3A_203 = vector.broadcast %parallel_loop3A_202 : i32 to vector<16xi32>
      %parallel_loop3A_204 = arith.shrui %parallel_loop3A_201, %parallel_loop3A_203 : vector<16xi32>
      %parallel_loop3A_205 = arith.constant 32767 : i32
      %parallel_loop3A_206 = vector.broadcast %parallel_loop3A_205 : i32 to vector<16xi32>
      %parallel_loop3A_207 = arith.andi %parallel_loop3A_201, %parallel_loop3A_206 : vector<16xi32>
      %parallel_loop3A_208 = arith.cmpi eq, %parallel_loop3A_204, %get3A_0 : vector<16xi32>
      tpu.vector_store_idx %arg7[%parallel_loop3A_207], %broadcast_in_dim3A_8 masked %parallel_loop3A_208 {add = true} : memref<32768xi32, #tpu.memory_space<vmem>>[vector<16xi32>], vector<16xi32>, vector<16xi1>
    } {sc.loop_unroll_factor = 8 : i64, sc.parallel_access}
    %add3A_85 = arith.constant 65536 : i32
    %add3A_86 = arith.addi %mul3A_3, %add3A_85 : i32
    %dma_start3A_87 = arith.constant 0 : i32
    %dma_start3A_88 = arith.constant 0 : i32
    %dma_start3A_89 = tpu.memref_slice %arg6[%dma_start3A_87, %dma_start3A_88] : memref<2x16384xf32, #tpu.memory_space<vmem>> -> memref<1x16384xf32, #tpu.memory_space<vmem>>
    %dma_start3A_90 = tpu.memref_squeeze %dma_start3A_89 : memref<1x16384xf32, #tpu.memory_space<vmem>> -> memref<16384xf32, #tpu.memory_space<vmem>>
    %dma_start3A_91 = tpu.memref_slice %arg2[%add3A_86] : memref<4194304xf32, #tpu.memory_space<hbm>> -> memref<16384xf32, #tpu.memory_space<hbm>>
    %dma_start3A_92 = arith.constant 0 : i32
    %dma_start3A_93 = tpu.memref_slice %arg6[%dma_start3A_87, %dma_start3A_92] : memref<2x16384xf32, #tpu.memory_space<vmem>> -> memref<1x16384xf32, #tpu.memory_space<vmem>>
    %dma_start3A_94 = tpu.memref_squeeze %dma_start3A_93 : memref<1x16384xf32, #tpu.memory_space<vmem>> -> memref<16384xf32, #tpu.memory_space<vmem>>
    %dma_start3A_95 = tpu.memref_slice %arg2[%add3A_86] : memref<4194304xf32, #tpu.memory_space<hbm>> -> memref<16384xf32, #tpu.memory_space<hbm>>
    tpu.enqueue_dma source(%dma_start3A_95 : memref<16384xf32, #tpu.memory_space<hbm>>) target(%dma_start3A_94 : memref<16384xf32, #tpu.memory_space<vmem>>) target_semaphore(%arg8 : memref<!tpu.dma_semaphore, #tpu.memory_space<semaphore_mem>>)
    %dma_wait3A_96 = arith.constant 1 : i32
    %dma_wait3A_97 = arith.constant 0 : i32
    %dma_wait3A_98 = tpu.memref_slice %arg6[%dma_wait3A_96, %dma_wait3A_97] : memref<2x16384xf32, #tpu.memory_space<vmem>> -> memref<1x16384xf32, #tpu.memory_space<vmem>>
    %dma_wait3A_99 = tpu.memref_squeeze %dma_wait3A_98 : memref<1x16384xf32, #tpu.memory_space<vmem>> -> memref<16384xf32, #tpu.memory_space<vmem>>
    %dma_wait3A_100 = tpu.memref_slice %arg2[%add3A_63] : memref<4194304xf32, #tpu.memory_space<hbm>> -> memref<16384xf32, #tpu.memory_space<hbm>>
    %dma_wait3A_101 = arith.constant 0 : i32
    %dma_wait3A_102 = tpu.memref_slice %arg6[%dma_wait3A_96, %dma_wait3A_101] : memref<2x16384xf32, #tpu.memory_space<vmem>> -> memref<1x16384xf32, #tpu.memory_space<vmem>>
    %dma_wait3A_103 = tpu.memref_squeeze %dma_wait3A_102 : memref<1x16384xf32, #tpu.memory_space<vmem>> -> memref<16384xf32, #tpu.memory_space<vmem>>
    %dma_wait3A_104 = tpu.memref_slice %arg2[%add3A_63] : memref<4194304xf32, #tpu.memory_space<hbm>> -> memref<16384xf32, #tpu.memory_space<hbm>>
    tpu.wait_dma2 semaphore(%arg9 : memref<!tpu.dma_semaphore, #tpu.memory_space<semaphore_mem>>) src(%dma_wait3A_104 : memref<16384xf32, #tpu.memory_space<hbm>>) dst(%dma_wait3A_103 : memref<16384xf32, #tpu.memory_space<vmem>>)
    %parallel_loop3A_105 = arith.constant 0 : i32
    %parallel_loop3A_106 = arith.constant 1024 : i32
    %parallel_loop3A_107 = arith.constant 1 : i32
    scf.for %parallel_loop3A_191 = %parallel_loop3A_105 to %parallel_loop3A_106 step %parallel_loop3A_107  : i32 {
      %parallel_loop3A_192 = arith.constant 16 : i32
      %parallel_loop3A_193 = arith.muli %parallel_loop3A_191, %parallel_loop3A_192 : i32
      %parallel_loop3A_194 = arith.constant 1 : i32
      %parallel_loop3A_195 = arith.index_cast %parallel_loop3A_194 : i32 to index
      %parallel_loop3A_196 = arith.index_cast %parallel_loop3A_193 : i32 to index
      %parallel_loop3A_197 = tpu.vector_load %arg6[%parallel_loop3A_195, %parallel_loop3A_196] {strides = array<i32>} : memref<2x16384xf32, #tpu.memory_space<vmem>>, vector<16xf32>,
      %parallel_loop3A_198 = tpu.bitcast %parallel_loop3A_197 : vector<16xf32> -> vector<16xi32>
      %parallel_loop3A_199 = arith.constant 2147483647 : i32
      %parallel_loop3A_200 = vector.broadcast %parallel_loop3A_199 : i32 to vector<16xi32>
      %parallel_loop3A_201 = arith.andi %parallel_loop3A_198, %parallel_loop3A_200 : vector<16xi32>
      %parallel_loop3A_202 = arith.constant 15 : i32
      %parallel_loop3A_203 = vector.broadcast %parallel_loop3A_202 : i32 to vector<16xi32>
      %parallel_loop3A_204 = arith.shrui %parallel_loop3A_201, %parallel_loop3A_203 : vector<16xi32>
      %parallel_loop3A_205 = arith.constant 32767 : i32
      %parallel_loop3A_206 = vector.broadcast %parallel_loop3A_205 : i32 to vector<16xi32>
      %parallel_loop3A_207 = arith.andi %parallel_loop3A_201, %parallel_loop3A_206 : vector<16xi32>
      %parallel_loop3A_208 = arith.cmpi eq, %parallel_loop3A_204, %get3A_0 : vector<16xi32>
      tpu.vector_store_idx %arg7[%parallel_loop3A_207], %broadcast_in_dim3A_8 masked %parallel_loop3A_208 {add = true} : memref<32768xi32, #tpu.memory_space<vmem>>[vector<16xi32>], vector<16xi32>, vector<16xi1>
    } {sc.loop_unroll_factor = 8 : i64, sc.parallel_access}
    %add3A_108 = arith.constant 81920 : i32
    %add3A_109 = arith.addi %mul3A_3, %add3A_108 : i32
    %dma_start3A_110 = arith.constant 1 : i32
    %dma_start3A_111 = arith.constant 0 : i32
    %dma_start3A_112 = tpu.memref_slice %arg6[%dma_start3A_110, %dma_start3A_111] : memref<2x16384xf32, #tpu.memory_space<vmem>> -> memref<1x16384xf32, #tpu.memory_space<vmem>>
    %dma_start3A_113 = tpu.memref_squeeze %dma_start3A_112 : memref<1x16384xf32, #tpu.memory_space<vmem>> -> memref<16384xf32, #tpu.memory_space<vmem>>
    %dma_start3A_114 = tpu.memref_slice %arg2[%add3A_109] : memref<4194304xf32, #tpu.memory_space<hbm>> -> memref<16384xf32, #tpu.memory_space<hbm>>
    %dma_start3A_115 = arith.constant 0 : i32
    %dma_start3A_116 = tpu.memref_slice %arg6[%dma_start3A_110, %dma_start3A_115] : memref<2x16384xf32, #tpu.memory_space<vmem>> -> memref<1x16384xf32, #tpu.memory_space<vmem>>
    %dma_start3A_117 = tpu.memref_squeeze %dma_start3A_116 : memref<1x16384xf32, #tpu.memory_space<vmem>> -> memref<16384xf32, #tpu.memory_space<vmem>>
    %dma_start3A_118 = tpu.memref_slice %arg2[%add3A_109] : memref<4194304xf32, #tpu.memory_space<hbm>> -> memref<16384xf32, #tpu.memory_space<hbm>>
    tpu.enqueue_dma source(%dma_start3A_118 : memref<16384xf32, #tpu.memory_space<hbm>>) target(%dma_start3A_117 : memref<16384xf32, #tpu.memory_space<vmem>>) target_semaphore(%arg9 : memref<!tpu.dma_semaphore, #tpu.memory_space<semaphore_mem>>)
    %dma_wait3A_119 = arith.constant 0 : i32
    %dma_wait3A_120 = arith.constant 0 : i32
    %dma_wait3A_121 = tpu.memref_slice %arg6[%dma_wait3A_119, %dma_wait3A_120] : memref<2x16384xf32, #tpu.memory_space<vmem>> -> memref<1x16384xf32, #tpu.memory_space<vmem>>
    %dma_wait3A_122 = tpu.memref_squeeze %dma_wait3A_121 : memref<1x16384xf32, #tpu.memory_space<vmem>> -> memref<16384xf32, #tpu.memory_space<vmem>>
    %dma_wait3A_123 = tpu.memref_slice %arg2[%add3A_86] : memref<4194304xf32, #tpu.memory_space<hbm>> -> memref<16384xf32, #tpu.memory_space<hbm>>
    %dma_wait3A_124 = arith.constant 0 : i32
    %dma_wait3A_125 = tpu.memref_slice %arg6[%dma_wait3A_119, %dma_wait3A_124] : memref<2x16384xf32, #tpu.memory_space<vmem>> -> memref<1x16384xf32, #tpu.memory_space<vmem>>
    %dma_wait3A_126 = tpu.memref_squeeze %dma_wait3A_125 : memref<1x16384xf32, #tpu.memory_space<vmem>> -> memref<16384xf32, #tpu.memory_space<vmem>>
    %dma_wait3A_127 = tpu.memref_slice %arg2[%add3A_86] : memref<4194304xf32, #tpu.memory_space<hbm>> -> memref<16384xf32, #tpu.memory_space<hbm>>
    tpu.wait_dma2 semaphore(%arg8 : memref<!tpu.dma_semaphore, #tpu.memory_space<semaphore_mem>>) src(%dma_wait3A_127 : memref<16384xf32, #tpu.memory_space<hbm>>) dst(%dma_wait3A_126 : memref<16384xf32, #tpu.memory_space<vmem>>)
    %parallel_loop3A_128 = arith.constant 0 : i32
    %parallel_loop3A_129 = arith.constant 1024 : i32
    %parallel_loop3A_130 = arith.constant 1 : i32
    scf.for %parallel_loop3A_191 = %parallel_loop3A_128 to %parallel_loop3A_129 step %parallel_loop3A_130  : i32 {
      %parallel_loop3A_192 = arith.constant 16 : i32
      %parallel_loop3A_193 = arith.muli %parallel_loop3A_191, %parallel_loop3A_192 : i32
      %parallel_loop3A_194 = arith.constant 0 : i32
      %parallel_loop3A_195 = arith.index_cast %parallel_loop3A_194 : i32 to index
      %parallel_loop3A_196 = arith.index_cast %parallel_loop3A_193 : i32 to index
      %parallel_loop3A_197 = tpu.vector_load %arg6[%parallel_loop3A_195, %parallel_loop3A_196] {strides = array<i32>} : memref<2x16384xf32, #tpu.memory_space<vmem>>, vector<16xf32>,
      %parallel_loop3A_198 = tpu.bitcast %parallel_loop3A_197 : vector<16xf32> -> vector<16xi32>
      %parallel_loop3A_199 = arith.constant 2147483647 : i32
      %parallel_loop3A_200 = vector.broadcast %parallel_loop3A_199 : i32 to vector<16xi32>
      %parallel_loop3A_201 = arith.andi %parallel_loop3A_198, %parallel_loop3A_200 : vector<16xi32>
      %parallel_loop3A_202 = arith.constant 15 : i32
      %parallel_loop3A_203 = vector.broadcast %parallel_loop3A_202 : i32 to vector<16xi32>
      %parallel_loop3A_204 = arith.shrui %parallel_loop3A_201, %parallel_loop3A_203 : vector<16xi32>
      %parallel_loop3A_205 = arith.constant 32767 : i32
      %parallel_loop3A_206 = vector.broadcast %parallel_loop3A_205 : i32 to vector<16xi32>
      %parallel_loop3A_207 = arith.andi %parallel_loop3A_201, %parallel_loop3A_206 : vector<16xi32>
      %parallel_loop3A_208 = arith.cmpi eq, %parallel_loop3A_204, %get3A_0 : vector<16xi32>
      tpu.vector_store_idx %arg7[%parallel_loop3A_207], %broadcast_in_dim3A_8 masked %parallel_loop3A_208 {add = true} : memref<32768xi32, #tpu.memory_space<vmem>>[vector<16xi32>], vector<16xi32>, vector<16xi1>
    } {sc.loop_unroll_factor = 8 : i64, sc.parallel_access}
    %add3A_131 = arith.constant 98304 : i32
    %add3A_132 = arith.addi %mul3A_3, %add3A_131 : i32
    %dma_start3A_133 = arith.constant 0 : i32
    %dma_start3A_134 = arith.constant 0 : i32
    %dma_start3A_135 = tpu.memref_slice %arg6[%dma_start3A_133, %dma_start3A_134] : memref<2x16384xf32, #tpu.memory_space<vmem>> -> memref<1x16384xf32, #tpu.memory_space<vmem>>
    %dma_start3A_136 = tpu.memref_squeeze %dma_start3A_135 : memref<1x16384xf32, #tpu.memory_space<vmem>> -> memref<16384xf32, #tpu.memory_space<vmem>>
    %dma_start3A_137 = tpu.memref_slice %arg2[%add3A_132] : memref<4194304xf32, #tpu.memory_space<hbm>> -> memref<16384xf32, #tpu.memory_space<hbm>>
    %dma_start3A_138 = arith.constant 0 : i32
    %dma_start3A_139 = tpu.memref_slice %arg6[%dma_start3A_133, %dma_start3A_138] : memref<2x16384xf32, #tpu.memory_space<vmem>> -> memref<1x16384xf32, #tpu.memory_space<vmem>>
    %dma_start3A_140 = tpu.memref_squeeze %dma_start3A_139 : memref<1x16384xf32, #tpu.memory_space<vmem>> -> memref<16384xf32, #tpu.memory_space<vmem>>
    %dma_start3A_141 = tpu.memref_slice %arg2[%add3A_132] : memref<4194304xf32, #tpu.memory_space<hbm>> -> memref<16384xf32, #tpu.memory_space<hbm>>
    tpu.enqueue_dma source(%dma_start3A_141 : memref<16384xf32, #tpu.memory_space<hbm>>) target(%dma_start3A_140 : memref<16384xf32, #tpu.memory_space<vmem>>) target_semaphore(%arg8 : memref<!tpu.dma_semaphore, #tpu.memory_space<semaphore_mem>>)
    %dma_wait3A_142 = arith.constant 1 : i32
    %dma_wait3A_143 = arith.constant 0 : i32
    %dma_wait3A_144 = tpu.memref_slice %arg6[%dma_wait3A_142, %dma_wait3A_143] : memref<2x16384xf32, #tpu.memory_space<vmem>> -> memref<1x16384xf32, #tpu.memory_space<vmem>>
    %dma_wait3A_145 = tpu.memref_squeeze %dma_wait3A_144 : memref<1x16384xf32, #tpu.memory_space<vmem>> -> memref<16384xf32, #tpu.memory_space<vmem>>
    %dma_wait3A_146 = tpu.memref_slice %arg2[%add3A_109] : memref<4194304xf32, #tpu.memory_space<hbm>> -> memref<16384xf32, #tpu.memory_space<hbm>>
    %dma_wait3A_147 = arith.constant 0 : i32
    %dma_wait3A_148 = tpu.memref_slice %arg6[%dma_wait3A_142, %dma_wait3A_147] : memref<2x16384xf32, #tpu.memory_space<vmem>> -> memref<1x16384xf32, #tpu.memory_space<vmem>>
    %dma_wait3A_149 = tpu.memref_squeeze %dma_wait3A_148 : memref<1x16384xf32, #tpu.memory_space<vmem>> -> memref<16384xf32, #tpu.memory_space<vmem>>
    %dma_wait3A_150 = tpu.memref_slice %arg2[%add3A_109] : memref<4194304xf32, #tpu.memory_space<hbm>> -> memref<16384xf32, #tpu.memory_space<hbm>>
    tpu.wait_dma2 semaphore(%arg9 : memref<!tpu.dma_semaphore, #tpu.memory_space<semaphore_mem>>) src(%dma_wait3A_150 : memref<16384xf32, #tpu.memory_space<hbm>>) dst(%dma_wait3A_149 : memref<16384xf32, #tpu.memory_space<vmem>>)
    %parallel_loop3A_151 = arith.constant 0 : i32
    %parallel_loop3A_152 = arith.constant 1024 : i32
    %parallel_loop3A_153 = arith.constant 1 : i32
    scf.for %parallel_loop3A_191 = %parallel_loop3A_151 to %parallel_loop3A_152 step %parallel_loop3A_153  : i32 {
      %parallel_loop3A_192 = arith.constant 16 : i32
      %parallel_loop3A_193 = arith.muli %parallel_loop3A_191, %parallel_loop3A_192 : i32
      %parallel_loop3A_194 = arith.constant 1 : i32
      %parallel_loop3A_195 = arith.index_cast %parallel_loop3A_194 : i32 to index
      %parallel_loop3A_196 = arith.index_cast %parallel_loop3A_193 : i32 to index
      %parallel_loop3A_197 = tpu.vector_load %arg6[%parallel_loop3A_195, %parallel_loop3A_196] {strides = array<i32>} : memref<2x16384xf32, #tpu.memory_space<vmem>>, vector<16xf32>,
      %parallel_loop3A_198 = tpu.bitcast %parallel_loop3A_197 : vector<16xf32> -> vector<16xi32>
      %parallel_loop3A_199 = arith.constant 2147483647 : i32
      %parallel_loop3A_200 = vector.broadcast %parallel_loop3A_199 : i32 to vector<16xi32>
      %parallel_loop3A_201 = arith.andi %parallel_loop3A_198, %parallel_loop3A_200 : vector<16xi32>
      %parallel_loop3A_202 = arith.constant 15 : i32
      %parallel_loop3A_203 = vector.broadcast %parallel_loop3A_202 : i32 to vector<16xi32>
      %parallel_loop3A_204 = arith.shrui %parallel_loop3A_201, %parallel_loop3A_203 : vector<16xi32>
      %parallel_loop3A_205 = arith.constant 32767 : i32
      %parallel_loop3A_206 = vector.broadcast %parallel_loop3A_205 : i32 to vector<16xi32>
      %parallel_loop3A_207 = arith.andi %parallel_loop3A_201, %parallel_loop3A_206 : vector<16xi32>
      %parallel_loop3A_208 = arith.cmpi eq, %parallel_loop3A_204, %get3A_0 : vector<16xi32>
      tpu.vector_store_idx %arg7[%parallel_loop3A_207], %broadcast_in_dim3A_8 masked %parallel_loop3A_208 {add = true} : memref<32768xi32, #tpu.memory_space<vmem>>[vector<16xi32>], vector<16xi32>, vector<16xi1>
    } {sc.loop_unroll_factor = 8 : i64, sc.parallel_access}
    %add3A_154 = arith.constant 114688 : i32
    %add3A_155 = arith.addi %mul3A_3, %add3A_154 : i32
    %dma_start3A_156 = arith.constant 1 : i32
    %dma_start3A_157 = arith.constant 0 : i32
    %dma_start3A_158 = tpu.memref_slice %arg6[%dma_start3A_156, %dma_start3A_157] : memref<2x16384xf32, #tpu.memory_space<vmem>> -> memref<1x16384xf32, #tpu.memory_space<vmem>>
    %dma_start3A_159 = tpu.memref_squeeze %dma_start3A_158 : memref<1x16384xf32, #tpu.memory_space<vmem>> -> memref<16384xf32, #tpu.memory_space<vmem>>
    %dma_start3A_160 = tpu.memref_slice %arg2[%add3A_155] : memref<4194304xf32, #tpu.memory_space<hbm>> -> memref<16384xf32, #tpu.memory_space<hbm>>
    %dma_start3A_161 = arith.constant 0 : i32
    %dma_start3A_162 = tpu.memref_slice %arg6[%dma_start3A_156, %dma_start3A_161] : memref<2x16384xf32, #tpu.memory_space<vmem>> -> memref<1x16384xf32, #tpu.memory_space<vmem>>
    %dma_start3A_163 = tpu.memref_squeeze %dma_start3A_162 : memref<1x16384xf32, #tpu.memory_space<vmem>> -> memref<16384xf32, #tpu.memory_space<vmem>>
    %dma_start3A_164 = tpu.memref_slice %arg2[%add3A_155] : memref<4194304xf32, #tpu.memory_space<hbm>> -> memref<16384xf32, #tpu.memory_space<hbm>>
    tpu.enqueue_dma source(%dma_start3A_164 : memref<16384xf32, #tpu.memory_space<hbm>>) target(%dma_start3A_163 : memref<16384xf32, #tpu.memory_space<vmem>>) target_semaphore(%arg9 : memref<!tpu.dma_semaphore, #tpu.memory_space<semaphore_mem>>)
    %dma_wait3A_165 = arith.constant 0 : i32
    %dma_wait3A_166 = arith.constant 0 : i32
    %dma_wait3A_167 = tpu.memref_slice %arg6[%dma_wait3A_165, %dma_wait3A_166] : memref<2x16384xf32, #tpu.memory_space<vmem>> -> memref<1x16384xf32, #tpu.memory_space<vmem>>
    %dma_wait3A_168 = tpu.memref_squeeze %dma_wait3A_167 : memref<1x16384xf32, #tpu.memory_space<vmem>> -> memref<16384xf32, #tpu.memory_space<vmem>>
    %dma_wait3A_169 = tpu.memref_slice %arg2[%add3A_132] : memref<4194304xf32, #tpu.memory_space<hbm>> -> memref<16384xf32, #tpu.memory_space<hbm>>
    %dma_wait3A_170 = arith.constant 0 : i32
    %dma_wait3A_171 = tpu.memref_slice %arg6[%dma_wait3A_165, %dma_wait3A_170] : memref<2x16384xf32, #tpu.memory_space<vmem>> -> memref<1x16384xf32, #tpu.memory_space<vmem>>
    %dma_wait3A_172 = tpu.memref_squeeze %dma_wait3A_171 : memref<1x16384xf32, #tpu.memory_space<vmem>> -> memref<16384xf32, #tpu.memory_space<vmem>>
    %dma_wait3A_173 = tpu.memref_slice %arg2[%add3A_132] : memref<4194304xf32, #tpu.memory_space<hbm>> -> memref<16384xf32, #tpu.memory_space<hbm>>
    tpu.wait_dma2 semaphore(%arg8 : memref<!tpu.dma_semaphore, #tpu.memory_space<semaphore_mem>>) src(%dma_wait3A_173 : memref<16384xf32, #tpu.memory_space<hbm>>) dst(%dma_wait3A_172 : memref<16384xf32, #tpu.memory_space<vmem>>)
    %parallel_loop3A_174 = arith.constant 0 : i32
    %parallel_loop3A_175 = arith.constant 1024 : i32
    %parallel_loop3A_176 = arith.constant 1 : i32
    scf.for %parallel_loop3A_191 = %parallel_loop3A_174 to %parallel_loop3A_175 step %parallel_loop3A_176  : i32 {
      %parallel_loop3A_192 = arith.constant 16 : i32
      %parallel_loop3A_193 = arith.muli %parallel_loop3A_191, %parallel_loop3A_192 : i32
      %parallel_loop3A_194 = arith.constant 0 : i32
      %parallel_loop3A_195 = arith.index_cast %parallel_loop3A_194 : i32 to index
      %parallel_loop3A_196 = arith.index_cast %parallel_loop3A_193 : i32 to index
      %parallel_loop3A_197 = tpu.vector_load %arg6[%parallel_loop3A_195, %parallel_loop3A_196] {strides = array<i32>} : memref<2x16384xf32, #tpu.memory_space<vmem>>, vector<16xf32>,
      %parallel_loop3A_198 = tpu.bitcast %parallel_loop3A_197 : vector<16xf32> -> vector<16xi32>
      %parallel_loop3A_199 = arith.constant 2147483647 : i32
      %parallel_loop3A_200 = vector.broadcast %parallel_loop3A_199 : i32 to vector<16xi32>
      %parallel_loop3A_201 = arith.andi %parallel_loop3A_198, %parallel_loop3A_200 : vector<16xi32>
      %parallel_loop3A_202 = arith.constant 15 : i32
      %parallel_loop3A_203 = vector.broadcast %parallel_loop3A_202 : i32 to vector<16xi32>
      %parallel_loop3A_204 = arith.shrui %parallel_loop3A_201, %parallel_loop3A_203 : vector<16xi32>
      %parallel_loop3A_205 = arith.constant 32767 : i32
      %parallel_loop3A_206 = vector.broadcast %parallel_loop3A_205 : i32 to vector<16xi32>
      %parallel_loop3A_207 = arith.andi %parallel_loop3A_201, %parallel_loop3A_206 : vector<16xi32>
      %parallel_loop3A_208 = arith.cmpi eq, %parallel_loop3A_204, %get3A_0 : vector<16xi32>
      tpu.vector_store_idx %arg7[%parallel_loop3A_207], %broadcast_in_dim3A_8 masked %parallel_loop3A_208 {add = true} : memref<32768xi32, #tpu.memory_space<vmem>>[vector<16xi32>], vector<16xi32>, vector<16xi1>
    } {sc.loop_unroll_factor = 8 : i64, sc.parallel_access}
    %dma_wait3A_177 = arith.constant 1 : i32
    %dma_wait3A_178 = arith.constant 0 : i32
    %dma_wait3A_179 = tpu.memref_slice %arg6[%dma_wait3A_177, %dma_wait3A_178] : memref<2x16384xf32, #tpu.memory_space<vmem>> -> memref<1x16384xf32, #tpu.memory_space<vmem>>
    %dma_wait3A_180 = tpu.memref_squeeze %dma_wait3A_179 : memref<1x16384xf32, #tpu.memory_space<vmem>> -> memref<16384xf32, #tpu.memory_space<vmem>>
    %dma_wait3A_181 = tpu.memref_slice %arg2[%add3A_155] : memref<4194304xf32, #tpu.memory_space<hbm>> -> memref<16384xf32, #tpu.memory_space<hbm>>
    %dma_wait3A_182 = arith.constant 0 : i32
    %dma_wait3A_183 = tpu.memref_slice %arg6[%dma_wait3A_177, %dma_wait3A_182] : memref<2x16384xf32, #tpu.memory_space<vmem>> -> memref<1x16384xf32, #tpu.memory_space<vmem>>
    %dma_wait3A_184 = tpu.memref_squeeze %dma_wait3A_183 : memref<1x16384xf32, #tpu.memory_space<vmem>> -> memref<16384xf32, #tpu.memory_space<vmem>>
    %dma_wait3A_185 = tpu.memref_slice %arg2[%add3A_155] : memref<4194304xf32, #tpu.memory_space<hbm>> -> memref<16384xf32, #tpu.memory_space<hbm>>
    tpu.wait_dma2 semaphore(%arg9 : memref<!tpu.dma_semaphore, #tpu.memory_space<semaphore_mem>>) src(%dma_wait3A_185 : memref<16384xf32, #tpu.memory_space<hbm>>) dst(%dma_wait3A_184 : memref<16384xf32, #tpu.memory_space<vmem>>)
    %parallel_loop3A_186 = arith.constant 0 : i32
    %parallel_loop3A_187 = arith.constant 1024 : i32
    %parallel_loop3A_188 = arith.constant 1 : i32
    scf.for %parallel_loop3A_191 = %parallel_loop3A_186 to %parallel_loop3A_187 step %parallel_loop3A_188  : i32 {
      %parallel_loop3A_192 = arith.constant 16 : i32
      %parallel_loop3A_193 = arith.muli %parallel_loop3A_191, %parallel_loop3A_192 : i32
      %parallel_loop3A_194 = arith.constant 1 : i32
      %parallel_loop3A_195 = arith.index_cast %parallel_loop3A_194 : i32 to index
      %parallel_loop3A_196 = arith.index_cast %parallel_loop3A_193 : i32 to index
      %parallel_loop3A_197 = tpu.vector_load %arg6[%parallel_loop3A_195, %parallel_loop3A_196] {strides = array<i32>} : memref<2x16384xf32, #tpu.memory_space<vmem>>, vector<16xf32>,
      %parallel_loop3A_198 = tpu.bitcast %parallel_loop3A_197 : vector<16xf32> -> vector<16xi32>
      %parallel_loop3A_199 = arith.constant 2147483647 : i32
      %parallel_loop3A_200 = vector.broadcast %parallel_loop3A_199 : i32 to vector<16xi32>
      %parallel_loop3A_201 = arith.andi %parallel_loop3A_198, %parallel_loop3A_200 : vector<16xi32>
      %parallel_loop3A_202 = arith.constant 15 : i32
      %parallel_loop3A_203 = vector.broadcast %parallel_loop3A_202 : i32 to vector<16xi32>
      %parallel_loop3A_204 = arith.shrui %parallel_loop3A_201, %parallel_loop3A_203 : vector<16xi32>
      %parallel_loop3A_205 = arith.constant 32767 : i32
      %parallel_loop3A_206 = vector.broadcast %parallel_loop3A_205 : i32 to vector<16xi32>
      %parallel_loop3A_207 = arith.andi %parallel_loop3A_201, %parallel_loop3A_206 : vector<16xi32>
      %parallel_loop3A_208 = arith.cmpi eq, %parallel_loop3A_204, %get3A_0 : vector<16xi32>
      tpu.vector_store_idx %arg7[%parallel_loop3A_207], %broadcast_in_dim3A_8 masked %parallel_loop3A_208 {add = true} : memref<32768xi32, #tpu.memory_space<vmem>>[vector<16xi32>], vector<16xi32>, vector<16xi1>
    } {sc.loop_unroll_factor = 8 : i64, sc.parallel_access}
    %mul3A_189 = arith.constant 32768 : i32
    %mul3A_190 = arith.muli %add3A, %mul3A_189 : i32
    "tpu.region"() ({
      %run_scoped3A = tpu.sem_alloc : memref<!tpu.dma_semaphore, #tpu.memory_space<semaphore_mem>>
      %dma_start3A_191 = tpu.memref_slice %arg4[%mul3A_190] : memref<1048576xi32, #tpu.memory_space<hbm>> -> memref<32768xi32, #tpu.memory_space<hbm>>
      %dma_start3A_192 = tpu.memref_slice %arg4[%mul3A_190] : memref<1048576xi32, #tpu.memory_space<hbm>> -> memref<32768xi32, #tpu.memory_space<hbm>>
      tpu.enqueue_dma source(%arg7 : memref<32768xi32, #tpu.memory_space<vmem>>) target(%dma_start3A_192 : memref<32768xi32, #tpu.memory_space<hbm>>) target_semaphore(%run_scoped3A : memref<!tpu.dma_semaphore, #tpu.memory_space<semaphore_mem>>)
      %dma_wait3A_193 = tpu.memref_slice %arg4[%mul3A_190] : memref<1048576xi32, #tpu.memory_space<hbm>> -> memref<32768xi32, #tpu.memory_space<hbm>>
      %dma_wait3A_194 = tpu.memref_slice %arg4[%mul3A_190] : memref<1048576xi32, #tpu.memory_space<hbm>> -> memref<32768xi32, #tpu.memory_space<hbm>>
      tpu.wait_dma2 semaphore(%run_scoped3A : memref<!tpu.dma_semaphore, #tpu.memory_space<semaphore_mem>>) src(%arg7 : memref<32768xi32, #tpu.memory_space<vmem>>) dst(%dma_wait3A_194 : memref<32768xi32, #tpu.memory_space<hbm>>)
      tpu.yield
    }) : () -> ()
    return
  }
}

#map = affine_map<(d0, d1) -> (0)>
module attributes {stable_mosaic.version = 14 : i64} {
  func.func @body_l1(%arg0: i32, %arg1: i32, %arg2: memref<4194304xf32, #tpu.memory_space<hbm>>, %arg3: memref<2097152xi32, #tpu.memory_space<hbm>>, %arg4: memref<2x16384xf32, #tpu.memory_space<vmem>>, %arg5: memref<65536xi32, #tpu.memory_space<vmem>>, %arg6: memref<!tpu.dma_semaphore, #tpu.memory_space<semaphore_mem>>, %arg7: memref<!tpu.dma_semaphore, #tpu.memory_space<semaphore_mem>>) attributes {dimension_semantics = [#tpu.dimension_semantics<core_parallel>, #tpu.dimension_semantics<subcore_parallel>], iteration_bounds = array<i64: 2, 16>, scalar_prefetch = 0 : i64, scratch_operands = 4 : i64, tpu.core_type = #tpu.core_type<sc_vector_subcore>, window_params = [{transform_indices = #map}, {transform_indices = #map}]} {
    %mul3A = arith.constant 2 : i32
    %mul3A_0 = arith.muli %arg1, %mul3A : i32
    %add3A = arith.addi %mul3A_0, %arg0 : i32
    %mul3A_1 = arith.constant 131072 : i32
    %mul3A_2 = arith.muli %add3A, %mul3A_1 : i32
    %broadcast_in_dim3A = arith.constant 0 : i32
    %broadcast_in_dim3A_3 = vector.broadcast %broadcast_in_dim3A : i32 to vector<16xi32>
    %parallel_loop3A = arith.constant 0 : i32
    %parallel_loop3A_4 = arith.constant 4096 : i32
    %parallel_loop3A_5 = arith.constant 1 : i32
    scf.for %parallel_loop3A_190 = %parallel_loop3A to %parallel_loop3A_4 step %parallel_loop3A_5  : i32 {
      %parallel_loop3A_191 = arith.constant 16 : i32
      %parallel_loop3A_192 = arith.muli %parallel_loop3A_190, %parallel_loop3A_191 : i32
      %parallel_loop3A_193 = arith.index_cast %parallel_loop3A_192 : i32 to index
      %parallel_loop3A_194 = tpu.vector_load %arg5[%parallel_loop3A_193] {strides = array<i32>} : memref<65536xi32, #tpu.memory_space<vmem>>, vector<16xi32>,
      tpu.vector_store %arg5[%parallel_loop3A_193], %broadcast_in_dim3A_3 {strides = array<i32>} : memref<65536xi32, #tpu.memory_space<vmem>>, vector<16xi32>,
    } {sc.loop_unroll_factor = 8 : i64, sc.parallel_access}
    %broadcast_in_dim3A_6 = arith.constant 1 : i32
    %broadcast_in_dim3A_7 = vector.broadcast %broadcast_in_dim3A_6 : i32 to vector<16xi32>
    %dma_start3A = arith.constant 0 : i32
    %dma_start3A_8 = arith.constant 0 : i32
    %dma_start3A_9 = tpu.memref_slice %arg4[%dma_start3A, %dma_start3A_8] : memref<2x16384xf32, #tpu.memory_space<vmem>> -> memref<1x16384xf32, #tpu.memory_space<vmem>>
    %dma_start3A_10 = tpu.memref_squeeze %dma_start3A_9 : memref<1x16384xf32, #tpu.memory_space<vmem>> -> memref<16384xf32, #tpu.memory_space<vmem>>
    %dma_start3A_11 = tpu.memref_slice %arg2[%mul3A_2] : memref<4194304xf32, #tpu.memory_space<hbm>> -> memref<16384xf32, #tpu.memory_space<hbm>>
    %dma_start3A_12 = arith.constant 0 : i32
    %dma_start3A_13 = tpu.memref_slice %arg4[%dma_start3A, %dma_start3A_12] : memref<2x16384xf32, #tpu.memory_space<vmem>> -> memref<1x16384xf32, #tpu.memory_space<vmem>>
    %dma_start3A_14 = tpu.memref_squeeze %dma_start3A_13 : memref<1x16384xf32, #tpu.memory_space<vmem>> -> memref<16384xf32, #tpu.memory_space<vmem>>
    %dma_start3A_15 = tpu.memref_slice %arg2[%mul3A_2] : memref<4194304xf32, #tpu.memory_space<hbm>> -> memref<16384xf32, #tpu.memory_space<hbm>>
    tpu.enqueue_dma source(%dma_start3A_15 : memref<16384xf32, #tpu.memory_space<hbm>>) target(%dma_start3A_14 : memref<16384xf32, #tpu.memory_space<vmem>>) target_semaphore(%arg6 : memref<!tpu.dma_semaphore, #tpu.memory_space<semaphore_mem>>)
    %add3A_16 = arith.constant 16384 : i32
    %add3A_17 = arith.addi %mul3A_2, %add3A_16 : i32
    %dma_start3A_18 = arith.constant 1 : i32
    %dma_start3A_19 = arith.constant 0 : i32
    %dma_start3A_20 = tpu.memref_slice %arg4[%dma_start3A_18, %dma_start3A_19] : memref<2x16384xf32, #tpu.memory_space<vmem>> -> memref<1x16384xf32, #tpu.memory_space<vmem>>
    %dma_start3A_21 = tpu.memref_squeeze %dma_start3A_20 : memref<1x16384xf32, #tpu.memory_space<vmem>> -> memref<16384xf32, #tpu.memory_space<vmem>>
    %dma_start3A_22 = tpu.memref_slice %arg2[%add3A_17] : memref<4194304xf32, #tpu.memory_space<hbm>> -> memref<16384xf32, #tpu.memory_space<hbm>>
    %dma_start3A_23 = arith.constant 0 : i32
    %dma_start3A_24 = tpu.memref_slice %arg4[%dma_start3A_18, %dma_start3A_23] : memref<2x16384xf32, #tpu.memory_space<vmem>> -> memref<1x16384xf32, #tpu.memory_space<vmem>>
    %dma_start3A_25 = tpu.memref_squeeze %dma_start3A_24 : memref<1x16384xf32, #tpu.memory_space<vmem>> -> memref<16384xf32, #tpu.memory_space<vmem>>
    %dma_start3A_26 = tpu.memref_slice %arg2[%add3A_17] : memref<4194304xf32, #tpu.memory_space<hbm>> -> memref<16384xf32, #tpu.memory_space<hbm>>
    tpu.enqueue_dma source(%dma_start3A_26 : memref<16384xf32, #tpu.memory_space<hbm>>) target(%dma_start3A_25 : memref<16384xf32, #tpu.memory_space<vmem>>) target_semaphore(%arg7 : memref<!tpu.dma_semaphore, #tpu.memory_space<semaphore_mem>>)
    %dma_wait3A = arith.constant 0 : i32
    %dma_wait3A_27 = arith.constant 0 : i32
    %dma_wait3A_28 = tpu.memref_slice %arg4[%dma_wait3A, %dma_wait3A_27] : memref<2x16384xf32, #tpu.memory_space<vmem>> -> memref<1x16384xf32, #tpu.memory_space<vmem>>
    %dma_wait3A_29 = tpu.memref_squeeze %dma_wait3A_28 : memref<1x16384xf32, #tpu.memory_space<vmem>> -> memref<16384xf32, #tpu.memory_space<vmem>>
    %dma_wait3A_30 = tpu.memref_slice %arg2[%mul3A_2] : memref<4194304xf32, #tpu.memory_space<hbm>> -> memref<16384xf32, #tpu.memory_space<hbm>>
    %dma_wait3A_31 = arith.constant 0 : i32
    %dma_wait3A_32 = tpu.memref_slice %arg4[%dma_wait3A, %dma_wait3A_31] : memref<2x16384xf32, #tpu.memory_space<vmem>> -> memref<1x16384xf32, #tpu.memory_space<vmem>>
    %dma_wait3A_33 = tpu.memref_squeeze %dma_wait3A_32 : memref<1x16384xf32, #tpu.memory_space<vmem>> -> memref<16384xf32, #tpu.memory_space<vmem>>
    %dma_wait3A_34 = tpu.memref_slice %arg2[%mul3A_2] : memref<4194304xf32, #tpu.memory_space<hbm>> -> memref<16384xf32, #tpu.memory_space<hbm>>
    tpu.wait_dma2 semaphore(%arg6 : memref<!tpu.dma_semaphore, #tpu.memory_space<semaphore_mem>>) src(%dma_wait3A_34 : memref<16384xf32, #tpu.memory_space<hbm>>) dst(%dma_wait3A_33 : memref<16384xf32, #tpu.memory_space<vmem>>)
    %parallel_loop3A_35 = arith.constant 0 : i32
    %parallel_loop3A_36 = arith.constant 1024 : i32
    %parallel_loop3A_37 = arith.constant 1 : i32
    scf.for %parallel_loop3A_190 = %parallel_loop3A_35 to %parallel_loop3A_36 step %parallel_loop3A_37  : i32 {
      %parallel_loop3A_191 = arith.constant 16 : i32
      %parallel_loop3A_192 = arith.muli %parallel_loop3A_190, %parallel_loop3A_191 : i32
      %parallel_loop3A_193 = arith.constant 0 : i32
      %parallel_loop3A_194 = arith.index_cast %parallel_loop3A_193 : i32 to index
      %parallel_loop3A_195 = arith.index_cast %parallel_loop3A_192 : i32 to index
      %parallel_loop3A_196 = tpu.vector_load %arg4[%parallel_loop3A_194, %parallel_loop3A_195] {strides = array<i32>} : memref<2x16384xf32, #tpu.memory_space<vmem>>, vector<16xf32>,
      %parallel_loop3A_197 = tpu.bitcast %parallel_loop3A_196 : vector<16xf32> -> vector<16xi32>
      %parallel_loop3A_198 = arith.constant 2147483647 : i32
      %parallel_loop3A_199 = vector.broadcast %parallel_loop3A_198 : i32 to vector<16xi32>
      %parallel_loop3A_200 = arith.andi %parallel_loop3A_197, %parallel_loop3A_199 : vector<16xi32>
      %parallel_loop3A_201 = arith.constant 15 : i32
      %parallel_loop3A_202 = vector.broadcast %parallel_loop3A_201 : i32 to vector<16xi32>
      %parallel_loop3A_203 = arith.shrui %parallel_loop3A_200, %parallel_loop3A_202 : vector<16xi32>
      tpu.vector_store_idx %arg5[%parallel_loop3A_203], %broadcast_in_dim3A_7 {add = true} : memref<65536xi32, #tpu.memory_space<vmem>>[vector<16xi32>], vector<16xi32>,
    } {sc.loop_unroll_factor = 8 : i64, sc.parallel_access}
    %add3A_38 = arith.constant 32768 : i32
    %add3A_39 = arith.addi %mul3A_2, %add3A_38 : i32
    %dma_start3A_40 = arith.constant 0 : i32
    %dma_start3A_41 = arith.constant 0 : i32
    %dma_start3A_42 = tpu.memref_slice %arg4[%dma_start3A_40, %dma_start3A_41] : memref<2x16384xf32, #tpu.memory_space<vmem>> -> memref<1x16384xf32, #tpu.memory_space<vmem>>
    %dma_start3A_43 = tpu.memref_squeeze %dma_start3A_42 : memref<1x16384xf32, #tpu.memory_space<vmem>> -> memref<16384xf32, #tpu.memory_space<vmem>>
    %dma_start3A_44 = tpu.memref_slice %arg2[%add3A_39] : memref<4194304xf32, #tpu.memory_space<hbm>> -> memref<16384xf32, #tpu.memory_space<hbm>>
    %dma_start3A_45 = arith.constant 0 : i32
    %dma_start3A_46 = tpu.memref_slice %arg4[%dma_start3A_40, %dma_start3A_45] : memref<2x16384xf32, #tpu.memory_space<vmem>> -> memref<1x16384xf32, #tpu.memory_space<vmem>>
    %dma_start3A_47 = tpu.memref_squeeze %dma_start3A_46 : memref<1x16384xf32, #tpu.memory_space<vmem>> -> memref<16384xf32, #tpu.memory_space<vmem>>
    %dma_start3A_48 = tpu.memref_slice %arg2[%add3A_39] : memref<4194304xf32, #tpu.memory_space<hbm>> -> memref<16384xf32, #tpu.memory_space<hbm>>
    tpu.enqueue_dma source(%dma_start3A_48 : memref<16384xf32, #tpu.memory_space<hbm>>) target(%dma_start3A_47 : memref<16384xf32, #tpu.memory_space<vmem>>) target_semaphore(%arg6 : memref<!tpu.dma_semaphore, #tpu.memory_space<semaphore_mem>>)
    %dma_wait3A_49 = arith.constant 1 : i32
    %dma_wait3A_50 = arith.constant 0 : i32
    %dma_wait3A_51 = tpu.memref_slice %arg4[%dma_wait3A_49, %dma_wait3A_50] : memref<2x16384xf32, #tpu.memory_space<vmem>> -> memref<1x16384xf32, #tpu.memory_space<vmem>>
    %dma_wait3A_52 = tpu.memref_squeeze %dma_wait3A_51 : memref<1x16384xf32, #tpu.memory_space<vmem>> -> memref<16384xf32, #tpu.memory_space<vmem>>
    %dma_wait3A_53 = tpu.memref_slice %arg2[%add3A_17] : memref<4194304xf32, #tpu.memory_space<hbm>> -> memref<16384xf32, #tpu.memory_space<hbm>>
    %dma_wait3A_54 = arith.constant 0 : i32
    %dma_wait3A_55 = tpu.memref_slice %arg4[%dma_wait3A_49, %dma_wait3A_54] : memref<2x16384xf32, #tpu.memory_space<vmem>> -> memref<1x16384xf32, #tpu.memory_space<vmem>>
    %dma_wait3A_56 = tpu.memref_squeeze %dma_wait3A_55 : memref<1x16384xf32, #tpu.memory_space<vmem>> -> memref<16384xf32, #tpu.memory_space<vmem>>
    %dma_wait3A_57 = tpu.memref_slice %arg2[%add3A_17] : memref<4194304xf32, #tpu.memory_space<hbm>> -> memref<16384xf32, #tpu.memory_space<hbm>>
    tpu.wait_dma2 semaphore(%arg7 : memref<!tpu.dma_semaphore, #tpu.memory_space<semaphore_mem>>) src(%dma_wait3A_57 : memref<16384xf32, #tpu.memory_space<hbm>>) dst(%dma_wait3A_56 : memref<16384xf32, #tpu.memory_space<vmem>>)
    %parallel_loop3A_58 = arith.constant 0 : i32
    %parallel_loop3A_59 = arith.constant 1024 : i32
    %parallel_loop3A_60 = arith.constant 1 : i32
    scf.for %parallel_loop3A_190 = %parallel_loop3A_58 to %parallel_loop3A_59 step %parallel_loop3A_60  : i32 {
      %parallel_loop3A_191 = arith.constant 16 : i32
      %parallel_loop3A_192 = arith.muli %parallel_loop3A_190, %parallel_loop3A_191 : i32
      %parallel_loop3A_193 = arith.constant 1 : i32
      %parallel_loop3A_194 = arith.index_cast %parallel_loop3A_193 : i32 to index
      %parallel_loop3A_195 = arith.index_cast %parallel_loop3A_192 : i32 to index
      %parallel_loop3A_196 = tpu.vector_load %arg4[%parallel_loop3A_194, %parallel_loop3A_195] {strides = array<i32>} : memref<2x16384xf32, #tpu.memory_space<vmem>>, vector<16xf32>,
      %parallel_loop3A_197 = tpu.bitcast %parallel_loop3A_196 : vector<16xf32> -> vector<16xi32>
      %parallel_loop3A_198 = arith.constant 2147483647 : i32
      %parallel_loop3A_199 = vector.broadcast %parallel_loop3A_198 : i32 to vector<16xi32>
      %parallel_loop3A_200 = arith.andi %parallel_loop3A_197, %parallel_loop3A_199 : vector<16xi32>
      %parallel_loop3A_201 = arith.constant 15 : i32
      %parallel_loop3A_202 = vector.broadcast %parallel_loop3A_201 : i32 to vector<16xi32>
      %parallel_loop3A_203 = arith.shrui %parallel_loop3A_200, %parallel_loop3A_202 : vector<16xi32>
      tpu.vector_store_idx %arg5[%parallel_loop3A_203], %broadcast_in_dim3A_7 {add = true} : memref<65536xi32, #tpu.memory_space<vmem>>[vector<16xi32>], vector<16xi32>,
    } {sc.loop_unroll_factor = 8 : i64, sc.parallel_access}
    %add3A_61 = arith.constant 49152 : i32
    %add3A_62 = arith.addi %mul3A_2, %add3A_61 : i32
    %dma_start3A_63 = arith.constant 1 : i32
    %dma_start3A_64 = arith.constant 0 : i32
    %dma_start3A_65 = tpu.memref_slice %arg4[%dma_start3A_63, %dma_start3A_64] : memref<2x16384xf32, #tpu.memory_space<vmem>> -> memref<1x16384xf32, #tpu.memory_space<vmem>>
    %dma_start3A_66 = tpu.memref_squeeze %dma_start3A_65 : memref<1x16384xf32, #tpu.memory_space<vmem>> -> memref<16384xf32, #tpu.memory_space<vmem>>
    %dma_start3A_67 = tpu.memref_slice %arg2[%add3A_62] : memref<4194304xf32, #tpu.memory_space<hbm>> -> memref<16384xf32, #tpu.memory_space<hbm>>
    %dma_start3A_68 = arith.constant 0 : i32
    %dma_start3A_69 = tpu.memref_slice %arg4[%dma_start3A_63, %dma_start3A_68] : memref<2x16384xf32, #tpu.memory_space<vmem>> -> memref<1x16384xf32, #tpu.memory_space<vmem>>
    %dma_start3A_70 = tpu.memref_squeeze %dma_start3A_69 : memref<1x16384xf32, #tpu.memory_space<vmem>> -> memref<16384xf32, #tpu.memory_space<vmem>>
    %dma_start3A_71 = tpu.memref_slice %arg2[%add3A_62] : memref<4194304xf32, #tpu.memory_space<hbm>> -> memref<16384xf32, #tpu.memory_space<hbm>>
    tpu.enqueue_dma source(%dma_start3A_71 : memref<16384xf32, #tpu.memory_space<hbm>>) target(%dma_start3A_70 : memref<16384xf32, #tpu.memory_space<vmem>>) target_semaphore(%arg7 : memref<!tpu.dma_semaphore, #tpu.memory_space<semaphore_mem>>)
    %dma_wait3A_72 = arith.constant 0 : i32
    %dma_wait3A_73 = arith.constant 0 : i32
    %dma_wait3A_74 = tpu.memref_slice %arg4[%dma_wait3A_72, %dma_wait3A_73] : memref<2x16384xf32, #tpu.memory_space<vmem>> -> memref<1x16384xf32, #tpu.memory_space<vmem>>
    %dma_wait3A_75 = tpu.memref_squeeze %dma_wait3A_74 : memref<1x16384xf32, #tpu.memory_space<vmem>> -> memref<16384xf32, #tpu.memory_space<vmem>>
    %dma_wait3A_76 = tpu.memref_slice %arg2[%add3A_39] : memref<4194304xf32, #tpu.memory_space<hbm>> -> memref<16384xf32, #tpu.memory_space<hbm>>
    %dma_wait3A_77 = arith.constant 0 : i32
    %dma_wait3A_78 = tpu.memref_slice %arg4[%dma_wait3A_72, %dma_wait3A_77] : memref<2x16384xf32, #tpu.memory_space<vmem>> -> memref<1x16384xf32, #tpu.memory_space<vmem>>
    %dma_wait3A_79 = tpu.memref_squeeze %dma_wait3A_78 : memref<1x16384xf32, #tpu.memory_space<vmem>> -> memref<16384xf32, #tpu.memory_space<vmem>>
    %dma_wait3A_80 = tpu.memref_slice %arg2[%add3A_39] : memref<4194304xf32, #tpu.memory_space<hbm>> -> memref<16384xf32, #tpu.memory_space<hbm>>
    tpu.wait_dma2 semaphore(%arg6 : memref<!tpu.dma_semaphore, #tpu.memory_space<semaphore_mem>>) src(%dma_wait3A_80 : memref<16384xf32, #tpu.memory_space<hbm>>) dst(%dma_wait3A_79 : memref<16384xf32, #tpu.memory_space<vmem>>)
    %parallel_loop3A_81 = arith.constant 0 : i32
    %parallel_loop3A_82 = arith.constant 1024 : i32
    %parallel_loop3A_83 = arith.constant 1 : i32
    scf.for %parallel_loop3A_190 = %parallel_loop3A_81 to %parallel_loop3A_82 step %parallel_loop3A_83  : i32 {
      %parallel_loop3A_191 = arith.constant 16 : i32
      %parallel_loop3A_192 = arith.muli %parallel_loop3A_190, %parallel_loop3A_191 : i32
      %parallel_loop3A_193 = arith.constant 0 : i32
      %parallel_loop3A_194 = arith.index_cast %parallel_loop3A_193 : i32 to index
      %parallel_loop3A_195 = arith.index_cast %parallel_loop3A_192 : i32 to index
      %parallel_loop3A_196 = tpu.vector_load %arg4[%parallel_loop3A_194, %parallel_loop3A_195] {strides = array<i32>} : memref<2x16384xf32, #tpu.memory_space<vmem>>, vector<16xf32>,
      %parallel_loop3A_197 = tpu.bitcast %parallel_loop3A_196 : vector<16xf32> -> vector<16xi32>
      %parallel_loop3A_198 = arith.constant 2147483647 : i32
      %parallel_loop3A_199 = vector.broadcast %parallel_loop3A_198 : i32 to vector<16xi32>
      %parallel_loop3A_200 = arith.andi %parallel_loop3A_197, %parallel_loop3A_199 : vector<16xi32>
      %parallel_loop3A_201 = arith.constant 15 : i32
      %parallel_loop3A_202 = vector.broadcast %parallel_loop3A_201 : i32 to vector<16xi32>
      %parallel_loop3A_203 = arith.shrui %parallel_loop3A_200, %parallel_loop3A_202 : vector<16xi32>
      tpu.vector_store_idx %arg5[%parallel_loop3A_203], %broadcast_in_dim3A_7 {add = true} : memref<65536xi32, #tpu.memory_space<vmem>>[vector<16xi32>], vector<16xi32>,
    } {sc.loop_unroll_factor = 8 : i64, sc.parallel_access}
    %add3A_84 = arith.constant 65536 : i32
    %add3A_85 = arith.addi %mul3A_2, %add3A_84 : i32
    %dma_start3A_86 = arith.constant 0 : i32
    %dma_start3A_87 = arith.constant 0 : i32
    %dma_start3A_88 = tpu.memref_slice %arg4[%dma_start3A_86, %dma_start3A_87] : memref<2x16384xf32, #tpu.memory_space<vmem>> -> memref<1x16384xf32, #tpu.memory_space<vmem>>
    %dma_start3A_89 = tpu.memref_squeeze %dma_start3A_88 : memref<1x16384xf32, #tpu.memory_space<vmem>> -> memref<16384xf32, #tpu.memory_space<vmem>>
    %dma_start3A_90 = tpu.memref_slice %arg2[%add3A_85] : memref<4194304xf32, #tpu.memory_space<hbm>> -> memref<16384xf32, #tpu.memory_space<hbm>>
    %dma_start3A_91 = arith.constant 0 : i32
    %dma_start3A_92 = tpu.memref_slice %arg4[%dma_start3A_86, %dma_start3A_91] : memref<2x16384xf32, #tpu.memory_space<vmem>> -> memref<1x16384xf32, #tpu.memory_space<vmem>>
    %dma_start3A_93 = tpu.memref_squeeze %dma_start3A_92 : memref<1x16384xf32, #tpu.memory_space<vmem>> -> memref<16384xf32, #tpu.memory_space<vmem>>
    %dma_start3A_94 = tpu.memref_slice %arg2[%add3A_85] : memref<4194304xf32, #tpu.memory_space<hbm>> -> memref<16384xf32, #tpu.memory_space<hbm>>
    tpu.enqueue_dma source(%dma_start3A_94 : memref<16384xf32, #tpu.memory_space<hbm>>) target(%dma_start3A_93 : memref<16384xf32, #tpu.memory_space<vmem>>) target_semaphore(%arg6 : memref<!tpu.dma_semaphore, #tpu.memory_space<semaphore_mem>>)
    %dma_wait3A_95 = arith.constant 1 : i32
    %dma_wait3A_96 = arith.constant 0 : i32
    %dma_wait3A_97 = tpu.memref_slice %arg4[%dma_wait3A_95, %dma_wait3A_96] : memref<2x16384xf32, #tpu.memory_space<vmem>> -> memref<1x16384xf32, #tpu.memory_space<vmem>>
    %dma_wait3A_98 = tpu.memref_squeeze %dma_wait3A_97 : memref<1x16384xf32, #tpu.memory_space<vmem>> -> memref<16384xf32, #tpu.memory_space<vmem>>
    %dma_wait3A_99 = tpu.memref_slice %arg2[%add3A_62] : memref<4194304xf32, #tpu.memory_space<hbm>> -> memref<16384xf32, #tpu.memory_space<hbm>>
    %dma_wait3A_100 = arith.constant 0 : i32
    %dma_wait3A_101 = tpu.memref_slice %arg4[%dma_wait3A_95, %dma_wait3A_100] : memref<2x16384xf32, #tpu.memory_space<vmem>> -> memref<1x16384xf32, #tpu.memory_space<vmem>>
    %dma_wait3A_102 = tpu.memref_squeeze %dma_wait3A_101 : memref<1x16384xf32, #tpu.memory_space<vmem>> -> memref<16384xf32, #tpu.memory_space<vmem>>
    %dma_wait3A_103 = tpu.memref_slice %arg2[%add3A_62] : memref<4194304xf32, #tpu.memory_space<hbm>> -> memref<16384xf32, #tpu.memory_space<hbm>>
    tpu.wait_dma2 semaphore(%arg7 : memref<!tpu.dma_semaphore, #tpu.memory_space<semaphore_mem>>) src(%dma_wait3A_103 : memref<16384xf32, #tpu.memory_space<hbm>>) dst(%dma_wait3A_102 : memref<16384xf32, #tpu.memory_space<vmem>>)
    %parallel_loop3A_104 = arith.constant 0 : i32
    %parallel_loop3A_105 = arith.constant 1024 : i32
    %parallel_loop3A_106 = arith.constant 1 : i32
    scf.for %parallel_loop3A_190 = %parallel_loop3A_104 to %parallel_loop3A_105 step %parallel_loop3A_106  : i32 {
      %parallel_loop3A_191 = arith.constant 16 : i32
      %parallel_loop3A_192 = arith.muli %parallel_loop3A_190, %parallel_loop3A_191 : i32
      %parallel_loop3A_193 = arith.constant 1 : i32
      %parallel_loop3A_194 = arith.index_cast %parallel_loop3A_193 : i32 to index
      %parallel_loop3A_195 = arith.index_cast %parallel_loop3A_192 : i32 to index
      %parallel_loop3A_196 = tpu.vector_load %arg4[%parallel_loop3A_194, %parallel_loop3A_195] {strides = array<i32>} : memref<2x16384xf32, #tpu.memory_space<vmem>>, vector<16xf32>,
      %parallel_loop3A_197 = tpu.bitcast %parallel_loop3A_196 : vector<16xf32> -> vector<16xi32>
      %parallel_loop3A_198 = arith.constant 2147483647 : i32
      %parallel_loop3A_199 = vector.broadcast %parallel_loop3A_198 : i32 to vector<16xi32>
      %parallel_loop3A_200 = arith.andi %parallel_loop3A_197, %parallel_loop3A_199 : vector<16xi32>
      %parallel_loop3A_201 = arith.constant 15 : i32
      %parallel_loop3A_202 = vector.broadcast %parallel_loop3A_201 : i32 to vector<16xi32>
      %parallel_loop3A_203 = arith.shrui %parallel_loop3A_200, %parallel_loop3A_202 : vector<16xi32>
      tpu.vector_store_idx %arg5[%parallel_loop3A_203], %broadcast_in_dim3A_7 {add = true} : memref<65536xi32, #tpu.memory_space<vmem>>[vector<16xi32>], vector<16xi32>,
    } {sc.loop_unroll_factor = 8 : i64, sc.parallel_access}
    %add3A_107 = arith.constant 81920 : i32
    %add3A_108 = arith.addi %mul3A_2, %add3A_107 : i32
    %dma_start3A_109 = arith.constant 1 : i32
    %dma_start3A_110 = arith.constant 0 : i32
    %dma_start3A_111 = tpu.memref_slice %arg4[%dma_start3A_109, %dma_start3A_110] : memref<2x16384xf32, #tpu.memory_space<vmem>> -> memref<1x16384xf32, #tpu.memory_space<vmem>>
    %dma_start3A_112 = tpu.memref_squeeze %dma_start3A_111 : memref<1x16384xf32, #tpu.memory_space<vmem>> -> memref<16384xf32, #tpu.memory_space<vmem>>
    %dma_start3A_113 = tpu.memref_slice %arg2[%add3A_108] : memref<4194304xf32, #tpu.memory_space<hbm>> -> memref<16384xf32, #tpu.memory_space<hbm>>
    %dma_start3A_114 = arith.constant 0 : i32
    %dma_start3A_115 = tpu.memref_slice %arg4[%dma_start3A_109, %dma_start3A_114] : memref<2x16384xf32, #tpu.memory_space<vmem>> -> memref<1x16384xf32, #tpu.memory_space<vmem>>
    %dma_start3A_116 = tpu.memref_squeeze %dma_start3A_115 : memref<1x16384xf32, #tpu.memory_space<vmem>> -> memref<16384xf32, #tpu.memory_space<vmem>>
    %dma_start3A_117 = tpu.memref_slice %arg2[%add3A_108] : memref<4194304xf32, #tpu.memory_space<hbm>> -> memref<16384xf32, #tpu.memory_space<hbm>>
    tpu.enqueue_dma source(%dma_start3A_117 : memref<16384xf32, #tpu.memory_space<hbm>>) target(%dma_start3A_116 : memref<16384xf32, #tpu.memory_space<vmem>>) target_semaphore(%arg7 : memref<!tpu.dma_semaphore, #tpu.memory_space<semaphore_mem>>)
    %dma_wait3A_118 = arith.constant 0 : i32
    %dma_wait3A_119 = arith.constant 0 : i32
    %dma_wait3A_120 = tpu.memref_slice %arg4[%dma_wait3A_118, %dma_wait3A_119] : memref<2x16384xf32, #tpu.memory_space<vmem>> -> memref<1x16384xf32, #tpu.memory_space<vmem>>
    %dma_wait3A_121 = tpu.memref_squeeze %dma_wait3A_120 : memref<1x16384xf32, #tpu.memory_space<vmem>> -> memref<16384xf32, #tpu.memory_space<vmem>>
    %dma_wait3A_122 = tpu.memref_slice %arg2[%add3A_85] : memref<4194304xf32, #tpu.memory_space<hbm>> -> memref<16384xf32, #tpu.memory_space<hbm>>
    %dma_wait3A_123 = arith.constant 0 : i32
    %dma_wait3A_124 = tpu.memref_slice %arg4[%dma_wait3A_118, %dma_wait3A_123] : memref<2x16384xf32, #tpu.memory_space<vmem>> -> memref<1x16384xf32, #tpu.memory_space<vmem>>
    %dma_wait3A_125 = tpu.memref_squeeze %dma_wait3A_124 : memref<1x16384xf32, #tpu.memory_space<vmem>> -> memref<16384xf32, #tpu.memory_space<vmem>>
    %dma_wait3A_126 = tpu.memref_slice %arg2[%add3A_85] : memref<4194304xf32, #tpu.memory_space<hbm>> -> memref<16384xf32, #tpu.memory_space<hbm>>
    tpu.wait_dma2 semaphore(%arg6 : memref<!tpu.dma_semaphore, #tpu.memory_space<semaphore_mem>>) src(%dma_wait3A_126 : memref<16384xf32, #tpu.memory_space<hbm>>) dst(%dma_wait3A_125 : memref<16384xf32, #tpu.memory_space<vmem>>)
    %parallel_loop3A_127 = arith.constant 0 : i32
    %parallel_loop3A_128 = arith.constant 1024 : i32
    %parallel_loop3A_129 = arith.constant 1 : i32
    scf.for %parallel_loop3A_190 = %parallel_loop3A_127 to %parallel_loop3A_128 step %parallel_loop3A_129  : i32 {
      %parallel_loop3A_191 = arith.constant 16 : i32
      %parallel_loop3A_192 = arith.muli %parallel_loop3A_190, %parallel_loop3A_191 : i32
      %parallel_loop3A_193 = arith.constant 0 : i32
      %parallel_loop3A_194 = arith.index_cast %parallel_loop3A_193 : i32 to index
      %parallel_loop3A_195 = arith.index_cast %parallel_loop3A_192 : i32 to index
      %parallel_loop3A_196 = tpu.vector_load %arg4[%parallel_loop3A_194, %parallel_loop3A_195] {strides = array<i32>} : memref<2x16384xf32, #tpu.memory_space<vmem>>, vector<16xf32>,
      %parallel_loop3A_197 = tpu.bitcast %parallel_loop3A_196 : vector<16xf32> -> vector<16xi32>
      %parallel_loop3A_198 = arith.constant 2147483647 : i32
      %parallel_loop3A_199 = vector.broadcast %parallel_loop3A_198 : i32 to vector<16xi32>
      %parallel_loop3A_200 = arith.andi %parallel_loop3A_197, %parallel_loop3A_199 : vector<16xi32>
      %parallel_loop3A_201 = arith.constant 15 : i32
      %parallel_loop3A_202 = vector.broadcast %parallel_loop3A_201 : i32 to vector<16xi32>
      %parallel_loop3A_203 = arith.shrui %parallel_loop3A_200, %parallel_loop3A_202 : vector<16xi32>
      tpu.vector_store_idx %arg5[%parallel_loop3A_203], %broadcast_in_dim3A_7 {add = true} : memref<65536xi32, #tpu.memory_space<vmem>>[vector<16xi32>], vector<16xi32>,
    } {sc.loop_unroll_factor = 8 : i64, sc.parallel_access}
    %add3A_130 = arith.constant 98304 : i32
    %add3A_131 = arith.addi %mul3A_2, %add3A_130 : i32
    %dma_start3A_132 = arith.constant 0 : i32
    %dma_start3A_133 = arith.constant 0 : i32
    %dma_start3A_134 = tpu.memref_slice %arg4[%dma_start3A_132, %dma_start3A_133] : memref<2x16384xf32, #tpu.memory_space<vmem>> -> memref<1x16384xf32, #tpu.memory_space<vmem>>
    %dma_start3A_135 = tpu.memref_squeeze %dma_start3A_134 : memref<1x16384xf32, #tpu.memory_space<vmem>> -> memref<16384xf32, #tpu.memory_space<vmem>>
    %dma_start3A_136 = tpu.memref_slice %arg2[%add3A_131] : memref<4194304xf32, #tpu.memory_space<hbm>> -> memref<16384xf32, #tpu.memory_space<hbm>>
    %dma_start3A_137 = arith.constant 0 : i32
    %dma_start3A_138 = tpu.memref_slice %arg4[%dma_start3A_132, %dma_start3A_137] : memref<2x16384xf32, #tpu.memory_space<vmem>> -> memref<1x16384xf32, #tpu.memory_space<vmem>>
    %dma_start3A_139 = tpu.memref_squeeze %dma_start3A_138 : memref<1x16384xf32, #tpu.memory_space<vmem>> -> memref<16384xf32, #tpu.memory_space<vmem>>
    %dma_start3A_140 = tpu.memref_slice %arg2[%add3A_131] : memref<4194304xf32, #tpu.memory_space<hbm>> -> memref<16384xf32, #tpu.memory_space<hbm>>
    tpu.enqueue_dma source(%dma_start3A_140 : memref<16384xf32, #tpu.memory_space<hbm>>) target(%dma_start3A_139 : memref<16384xf32, #tpu.memory_space<vmem>>) target_semaphore(%arg6 : memref<!tpu.dma_semaphore, #tpu.memory_space<semaphore_mem>>)
    %dma_wait3A_141 = arith.constant 1 : i32
    %dma_wait3A_142 = arith.constant 0 : i32
    %dma_wait3A_143 = tpu.memref_slice %arg4[%dma_wait3A_141, %dma_wait3A_142] : memref<2x16384xf32, #tpu.memory_space<vmem>> -> memref<1x16384xf32, #tpu.memory_space<vmem>>
    %dma_wait3A_144 = tpu.memref_squeeze %dma_wait3A_143 : memref<1x16384xf32, #tpu.memory_space<vmem>> -> memref<16384xf32, #tpu.memory_space<vmem>>
    %dma_wait3A_145 = tpu.memref_slice %arg2[%add3A_108] : memref<4194304xf32, #tpu.memory_space<hbm>> -> memref<16384xf32, #tpu.memory_space<hbm>>
    %dma_wait3A_146 = arith.constant 0 : i32
    %dma_wait3A_147 = tpu.memref_slice %arg4[%dma_wait3A_141, %dma_wait3A_146] : memref<2x16384xf32, #tpu.memory_space<vmem>> -> memref<1x16384xf32, #tpu.memory_space<vmem>>
    %dma_wait3A_148 = tpu.memref_squeeze %dma_wait3A_147 : memref<1x16384xf32, #tpu.memory_space<vmem>> -> memref<16384xf32, #tpu.memory_space<vmem>>
    %dma_wait3A_149 = tpu.memref_slice %arg2[%add3A_108] : memref<4194304xf32, #tpu.memory_space<hbm>> -> memref<16384xf32, #tpu.memory_space<hbm>>
    tpu.wait_dma2 semaphore(%arg7 : memref<!tpu.dma_semaphore, #tpu.memory_space<semaphore_mem>>) src(%dma_wait3A_149 : memref<16384xf32, #tpu.memory_space<hbm>>) dst(%dma_wait3A_148 : memref<16384xf32, #tpu.memory_space<vmem>>)
    %parallel_loop3A_150 = arith.constant 0 : i32
    %parallel_loop3A_151 = arith.constant 1024 : i32
    %parallel_loop3A_152 = arith.constant 1 : i32
    scf.for %parallel_loop3A_190 = %parallel_loop3A_150 to %parallel_loop3A_151 step %parallel_loop3A_152  : i32 {
      %parallel_loop3A_191 = arith.constant 16 : i32
      %parallel_loop3A_192 = arith.muli %parallel_loop3A_190, %parallel_loop3A_191 : i32
      %parallel_loop3A_193 = arith.constant 1 : i32
      %parallel_loop3A_194 = arith.index_cast %parallel_loop3A_193 : i32 to index
      %parallel_loop3A_195 = arith.index_cast %parallel_loop3A_192 : i32 to index
      %parallel_loop3A_196 = tpu.vector_load %arg4[%parallel_loop3A_194, %parallel_loop3A_195] {strides = array<i32>} : memref<2x16384xf32, #tpu.memory_space<vmem>>, vector<16xf32>,
      %parallel_loop3A_197 = tpu.bitcast %parallel_loop3A_196 : vector<16xf32> -> vector<16xi32>
      %parallel_loop3A_198 = arith.constant 2147483647 : i32
      %parallel_loop3A_199 = vector.broadcast %parallel_loop3A_198 : i32 to vector<16xi32>
      %parallel_loop3A_200 = arith.andi %parallel_loop3A_197, %parallel_loop3A_199 : vector<16xi32>
      %parallel_loop3A_201 = arith.constant 15 : i32
      %parallel_loop3A_202 = vector.broadcast %parallel_loop3A_201 : i32 to vector<16xi32>
      %parallel_loop3A_203 = arith.shrui %parallel_loop3A_200, %parallel_loop3A_202 : vector<16xi32>
      tpu.vector_store_idx %arg5[%parallel_loop3A_203], %broadcast_in_dim3A_7 {add = true} : memref<65536xi32, #tpu.memory_space<vmem>>[vector<16xi32>], vector<16xi32>,
    } {sc.loop_unroll_factor = 8 : i64, sc.parallel_access}
    %add3A_153 = arith.constant 114688 : i32
    %add3A_154 = arith.addi %mul3A_2, %add3A_153 : i32
    %dma_start3A_155 = arith.constant 1 : i32
    %dma_start3A_156 = arith.constant 0 : i32
    %dma_start3A_157 = tpu.memref_slice %arg4[%dma_start3A_155, %dma_start3A_156] : memref<2x16384xf32, #tpu.memory_space<vmem>> -> memref<1x16384xf32, #tpu.memory_space<vmem>>
    %dma_start3A_158 = tpu.memref_squeeze %dma_start3A_157 : memref<1x16384xf32, #tpu.memory_space<vmem>> -> memref<16384xf32, #tpu.memory_space<vmem>>
    %dma_start3A_159 = tpu.memref_slice %arg2[%add3A_154] : memref<4194304xf32, #tpu.memory_space<hbm>> -> memref<16384xf32, #tpu.memory_space<hbm>>
    %dma_start3A_160 = arith.constant 0 : i32
    %dma_start3A_161 = tpu.memref_slice %arg4[%dma_start3A_155, %dma_start3A_160] : memref<2x16384xf32, #tpu.memory_space<vmem>> -> memref<1x16384xf32, #tpu.memory_space<vmem>>
    %dma_start3A_162 = tpu.memref_squeeze %dma_start3A_161 : memref<1x16384xf32, #tpu.memory_space<vmem>> -> memref<16384xf32, #tpu.memory_space<vmem>>
    %dma_start3A_163 = tpu.memref_slice %arg2[%add3A_154] : memref<4194304xf32, #tpu.memory_space<hbm>> -> memref<16384xf32, #tpu.memory_space<hbm>>
    tpu.enqueue_dma source(%dma_start3A_163 : memref<16384xf32, #tpu.memory_space<hbm>>) target(%dma_start3A_162 : memref<16384xf32, #tpu.memory_space<vmem>>) target_semaphore(%arg7 : memref<!tpu.dma_semaphore, #tpu.memory_space<semaphore_mem>>)
    %dma_wait3A_164 = arith.constant 0 : i32
    %dma_wait3A_165 = arith.constant 0 : i32
    %dma_wait3A_166 = tpu.memref_slice %arg4[%dma_wait3A_164, %dma_wait3A_165] : memref<2x16384xf32, #tpu.memory_space<vmem>> -> memref<1x16384xf32, #tpu.memory_space<vmem>>
    %dma_wait3A_167 = tpu.memref_squeeze %dma_wait3A_166 : memref<1x16384xf32, #tpu.memory_space<vmem>> -> memref<16384xf32, #tpu.memory_space<vmem>>
    %dma_wait3A_168 = tpu.memref_slice %arg2[%add3A_131] : memref<4194304xf32, #tpu.memory_space<hbm>> -> memref<16384xf32, #tpu.memory_space<hbm>>
    %dma_wait3A_169 = arith.constant 0 : i32
    %dma_wait3A_170 = tpu.memref_slice %arg4[%dma_wait3A_164, %dma_wait3A_169] : memref<2x16384xf32, #tpu.memory_space<vmem>> -> memref<1x16384xf32, #tpu.memory_space<vmem>>
    %dma_wait3A_171 = tpu.memref_squeeze %dma_wait3A_170 : memref<1x16384xf32, #tpu.memory_space<vmem>> -> memref<16384xf32, #tpu.memory_space<vmem>>
    %dma_wait3A_172 = tpu.memref_slice %arg2[%add3A_131] : memref<4194304xf32, #tpu.memory_space<hbm>> -> memref<16384xf32, #tpu.memory_space<hbm>>
    tpu.wait_dma2 semaphore(%arg6 : memref<!tpu.dma_semaphore, #tpu.memory_space<semaphore_mem>>) src(%dma_wait3A_172 : memref<16384xf32, #tpu.memory_space<hbm>>) dst(%dma_wait3A_171 : memref<16384xf32, #tpu.memory_space<vmem>>)
    %parallel_loop3A_173 = arith.constant 0 : i32
    %parallel_loop3A_174 = arith.constant 1024 : i32
    %parallel_loop3A_175 = arith.constant 1 : i32
    scf.for %parallel_loop3A_190 = %parallel_loop3A_173 to %parallel_loop3A_174 step %parallel_loop3A_175  : i32 {
      %parallel_loop3A_191 = arith.constant 16 : i32
      %parallel_loop3A_192 = arith.muli %parallel_loop3A_190, %parallel_loop3A_191 : i32
      %parallel_loop3A_193 = arith.constant 0 : i32
      %parallel_loop3A_194 = arith.index_cast %parallel_loop3A_193 : i32 to index
      %parallel_loop3A_195 = arith.index_cast %parallel_loop3A_192 : i32 to index
      %parallel_loop3A_196 = tpu.vector_load %arg4[%parallel_loop3A_194, %parallel_loop3A_195] {strides = array<i32>} : memref<2x16384xf32, #tpu.memory_space<vmem>>, vector<16xf32>,
      %parallel_loop3A_197 = tpu.bitcast %parallel_loop3A_196 : vector<16xf32> -> vector<16xi32>
      %parallel_loop3A_198 = arith.constant 2147483647 : i32
      %parallel_loop3A_199 = vector.broadcast %parallel_loop3A_198 : i32 to vector<16xi32>
      %parallel_loop3A_200 = arith.andi %parallel_loop3A_197, %parallel_loop3A_199 : vector<16xi32>
      %parallel_loop3A_201 = arith.constant 15 : i32
      %parallel_loop3A_202 = vector.broadcast %parallel_loop3A_201 : i32 to vector<16xi32>
      %parallel_loop3A_203 = arith.shrui %parallel_loop3A_200, %parallel_loop3A_202 : vector<16xi32>
      tpu.vector_store_idx %arg5[%parallel_loop3A_203], %broadcast_in_dim3A_7 {add = true} : memref<65536xi32, #tpu.memory_space<vmem>>[vector<16xi32>], vector<16xi32>,
    } {sc.loop_unroll_factor = 8 : i64, sc.parallel_access}
    %dma_wait3A_176 = arith.constant 1 : i32
    %dma_wait3A_177 = arith.constant 0 : i32
    %dma_wait3A_178 = tpu.memref_slice %arg4[%dma_wait3A_176, %dma_wait3A_177] : memref<2x16384xf32, #tpu.memory_space<vmem>> -> memref<1x16384xf32, #tpu.memory_space<vmem>>
    %dma_wait3A_179 = tpu.memref_squeeze %dma_wait3A_178 : memref<1x16384xf32, #tpu.memory_space<vmem>> -> memref<16384xf32, #tpu.memory_space<vmem>>
    %dma_wait3A_180 = tpu.memref_slice %arg2[%add3A_154] : memref<4194304xf32, #tpu.memory_space<hbm>> -> memref<16384xf32, #tpu.memory_space<hbm>>
    %dma_wait3A_181 = arith.constant 0 : i32
    %dma_wait3A_182 = tpu.memref_slice %arg4[%dma_wait3A_176, %dma_wait3A_181] : memref<2x16384xf32, #tpu.memory_space<vmem>> -> memref<1x16384xf32, #tpu.memory_space<vmem>>
    %dma_wait3A_183 = tpu.memref_squeeze %dma_wait3A_182 : memref<1x16384xf32, #tpu.memory_space<vmem>> -> memref<16384xf32, #tpu.memory_space<vmem>>
    %dma_wait3A_184 = tpu.memref_slice %arg2[%add3A_154] : memref<4194304xf32, #tpu.memory_space<hbm>> -> memref<16384xf32, #tpu.memory_space<hbm>>
    tpu.wait_dma2 semaphore(%arg7 : memref<!tpu.dma_semaphore, #tpu.memory_space<semaphore_mem>>) src(%dma_wait3A_184 : memref<16384xf32, #tpu.memory_space<hbm>>) dst(%dma_wait3A_183 : memref<16384xf32, #tpu.memory_space<vmem>>)
    %parallel_loop3A_185 = arith.constant 0 : i32
    %parallel_loop3A_186 = arith.constant 1024 : i32
    %parallel_loop3A_187 = arith.constant 1 : i32
    scf.for %parallel_loop3A_190 = %parallel_loop3A_185 to %parallel_loop3A_186 step %parallel_loop3A_187  : i32 {
      %parallel_loop3A_191 = arith.constant 16 : i32
      %parallel_loop3A_192 = arith.muli %parallel_loop3A_190, %parallel_loop3A_191 : i32
      %parallel_loop3A_193 = arith.constant 1 : i32
      %parallel_loop3A_194 = arith.index_cast %parallel_loop3A_193 : i32 to index
      %parallel_loop3A_195 = arith.index_cast %parallel_loop3A_192 : i32 to index
      %parallel_loop3A_196 = tpu.vector_load %arg4[%parallel_loop3A_194, %parallel_loop3A_195] {strides = array<i32>} : memref<2x16384xf32, #tpu.memory_space<vmem>>, vector<16xf32>,
      %parallel_loop3A_197 = tpu.bitcast %parallel_loop3A_196 : vector<16xf32> -> vector<16xi32>
      %parallel_loop3A_198 = arith.constant 2147483647 : i32
      %parallel_loop3A_199 = vector.broadcast %parallel_loop3A_198 : i32 to vector<16xi32>
      %parallel_loop3A_200 = arith.andi %parallel_loop3A_197, %parallel_loop3A_199 : vector<16xi32>
      %parallel_loop3A_201 = arith.constant 15 : i32
      %parallel_loop3A_202 = vector.broadcast %parallel_loop3A_201 : i32 to vector<16xi32>
      %parallel_loop3A_203 = arith.shrui %parallel_loop3A_200, %parallel_loop3A_202 : vector<16xi32>
      tpu.vector_store_idx %arg5[%parallel_loop3A_203], %broadcast_in_dim3A_7 {add = true} : memref<65536xi32, #tpu.memory_space<vmem>>[vector<16xi32>], vector<16xi32>,
    } {sc.loop_unroll_factor = 8 : i64, sc.parallel_access}
    %mul3A_188 = arith.constant 65536 : i32
    %mul3A_189 = arith.muli %add3A, %mul3A_188 : i32
    "tpu.region"() ({
      %run_scoped3A = tpu.sem_alloc : memref<!tpu.dma_semaphore, #tpu.memory_space<semaphore_mem>>
      %dma_start3A_190 = tpu.memref_slice %arg3[%mul3A_189] : memref<2097152xi32, #tpu.memory_space<hbm>> -> memref<65536xi32, #tpu.memory_space<hbm>>
      %dma_start3A_191 = tpu.memref_slice %arg3[%mul3A_189] : memref<2097152xi32, #tpu.memory_space<hbm>> -> memref<65536xi32, #tpu.memory_space<hbm>>
      tpu.enqueue_dma source(%arg5 : memref<65536xi32, #tpu.memory_space<vmem>>) target(%dma_start3A_191 : memref<65536xi32, #tpu.memory_space<hbm>>) target_semaphore(%run_scoped3A : memref<!tpu.dma_semaphore, #tpu.memory_space<semaphore_mem>>)
      %dma_wait3A_192 = tpu.memref_slice %arg3[%mul3A_189] : memref<2097152xi32, #tpu.memory_space<hbm>> -> memref<65536xi32, #tpu.memory_space<hbm>>
      %dma_wait3A_193 = tpu.memref_slice %arg3[%mul3A_189] : memref<2097152xi32, #tpu.memory_space<hbm>> -> memref<65536xi32, #tpu.memory_space<hbm>>
      tpu.wait_dma2 semaphore(%run_scoped3A : memref<!tpu.dma_semaphore, #tpu.memory_space<semaphore_mem>>) src(%arg5 : memref<65536xi32, #tpu.memory_space<vmem>>) dst(%dma_wait3A_193 : memref<65536xi32, #tpu.memory_space<hbm>>)
      tpu.yield
    }) : () -> ()
    return
  }
}

module attributes {stable_mosaic.version = 14 : i64} {
  func.func @_scan1_body(%arg0: memref<32x512x128xi32, #tpu.memory_space<vmem>>, %arg1: memref<8x128xi32, #tpu.memory_space<vmem>>) attributes {dimension_semantics = [], scalar_prefetch = 0 : i64, scratch_operands = 0 : i64, tpu.core_type = #tpu.core_type<tc>} {
    %get3A = arith.constant 0 : index
    %get3A_0 = arith.constant 0 : index
    %get3A_1 = arith.constant 0 : index
    %get3A_2 = vector.load %arg0[%get3A, %get3A_0, %get3A_1] : memref<32x512x128xi32, #tpu.memory_space<vmem>>, vector<32x512x128xi32>
    %convert_element_type3A = arith.sitofp %get3A_2 : vector<32x512x128xi32> to vector<32x512x128xf32>
    %reduce_sum3A = arith.constant dense<0.000000e+00> : vector<512x128xf32>
    %reduce_sum3A_3 = vector.multi_reduction <add>, %convert_element_type3A, %reduce_sum3A [0] : vector<32x512x128xf32> to vector<512x128xf32>
    %iota3A = tpu.iota {dimensions = array<i32: 0>} : vector<128x128xi32>
    %iota3A_4 = tpu.iota {dimensions = array<i32: 1>} : vector<128x128xi32>
    %gt3A = arith.cmpi sgt, %iota3A, %iota3A_4 : vector<128x128xi32>
    %convert_element_type3A_5 = arith.extui %gt3A : vector<128x128xi1> to vector<128x128xi32>
    %convert_element_type3A_6 = arith.sitofp %convert_element_type3A_5 : vector<128x128xi32> to vector<128x128xf32>
    %dot_general3A = arith.constant dense<0.000000e+00> : vector<512x128xf32>
    %dot_general3A_7 = tpu.matmul %reduce_sum3A_3, %convert_element_type3A_6, %dot_general3A {dimension_numbers = #tpu.dot_dimension_numbers<[1], [0], [0], [1], [0, 0, 1, 1], [], []>, precision = #tpu.contract_precision<fp32>, transpose_lhs_hint = false} : vector<512x128xf32>, vector<128x128xf32>, vector<512x128xf32> -> vector<512x128xf32>
    %reduce_sum3A_8 = arith.constant dense<0.000000e+00> : vector<512xf32>
    %reduce_sum3A_9 = vector.multi_reduction <add>, %reduce_sum3A_3, %reduce_sum3A_8 [1] : vector<512x128xf32> to vector<512xf32>
    %broadcast_in_dim3A = vector.shape_cast %reduce_sum3A_9 : vector<512xf32> to vector<512x1xf32>
    %iota3A_10 = tpu.iota {dimensions = array<i32: 0>} : vector<512x512xi32>
    %iota3A_11 = tpu.iota {dimensions = array<i32: 1>} : vector<512x512xi32>
    %gt3A_12 = arith.cmpi sgt, %iota3A_11, %iota3A_10 : vector<512x512xi32>
    %convert_element_type3A_13 = arith.extui %gt3A_12 : vector<512x512xi1> to vector<512x512xi32>
    %convert_element_type3A_14 = arith.sitofp %convert_element_type3A_13 : vector<512x512xi32> to vector<512x512xf32>
    %dot_general3A_15 = arith.constant dense<0.000000e+00> : vector<512x1xf32>
    %dot_general3A_16 = tpu.matmul %convert_element_type3A_14, %broadcast_in_dim3A, %dot_general3A_15 {dimension_numbers = #tpu.dot_dimension_numbers<[1], [0], [0], [1], [0, 0, 1, 1], [], []>, precision = #tpu.contract_precision<fp32>, transpose_lhs_hint = false} : vector<512x512xf32>, vector<512x1xf32>, vector<512x1xf32> -> vector<512x1xf32>
    %add3A = vector.broadcast %dot_general3A_16 : vector<512x1xf32> to vector<512x128xf32>
    %add3A_17 = arith.addf %dot_general3A_7, %add3A : vector<512x128xf32>
    %lt3A = arith.constant 8.192000e+03 : f32
    %lt3A_18 = vector.broadcast %lt3A : f32 to vector<512x128xf32>
    %lt3A_19 = arith.cmpf olt, %add3A_17, %lt3A_18 : vector<512x128xf32>
    %add3A_20 = arith.addf %add3A_17, %reduce_sum3A_3 : vector<512x128xf32>
    %ge3A = arith.constant 8.192000e+03 : f32
    %ge3A_21 = vector.broadcast %ge3A : f32 to vector<512x128xf32>
    %ge3A_22 = arith.cmpf oge, %add3A_20, %ge3A_21 : vector<512x128xf32>
    %and3A = arith.andi %lt3A_19, %ge3A_22 : vector<512x128xi1>
    %iota3A_23 = tpu.iota {dimensions = array<i32: 0>} : vector<512x128xi32>
    %iota3A_24 = tpu.iota {dimensions = array<i32: 1>} : vector<512x128xi32>
    %mul3A = arith.constant 128 : i32
    %mul3A_25 = vector.broadcast %mul3A : i32 to vector<512x128xi32>
    %mul3A_26 = arith.muli %iota3A_23, %mul3A_25 : vector<512x128xi32>
    %add3A_27 = arith.addi %mul3A_26, %iota3A_24 : vector<512x128xi32>
    %convert_element_type3A_28 = arith.sitofp %add3A_27 : vector<512x128xi32> to vector<512x128xf32>
    %jit3A = arith.constant 0.000000e+00 : f32
    %broadcast_in_dim3A_29 = vector.broadcast %jit3A : f32 to vector<512x128xf32>
    %select_n3A = arith.select %and3A, %convert_element_type3A_28, %broadcast_in_dim3A_29 : vector<512x128xi1>, vector<512x128xf32>
    %reduce_sum3A_30 = vector.shape_cast %select_n3A : vector<512x128xf32> to vector<1x512x128xf32>
    %reduce_sum3A_31 = arith.constant dense<0.000000e+00> : vector<1xf32>
    %reduce_sum3A_32 = vector.multi_reduction <add>, %reduce_sum3A_30, %reduce_sum3A_31 [1, 2] : vector<1x512x128xf32> to vector<1xf32>
    %reduce_sum3A_33 = vector.shape_cast %reduce_sum3A_32 : vector<1xf32> to vector<1x1x1xf32>
    %reduce_sum3A_34 = vector.extract %reduce_sum3A_33[0, 0, 0] : f32 from vector<1x1x1xf32>
    %jit3A_35 = arith.constant 0.000000e+00 : f32
    %broadcast_in_dim3A_36 = vector.broadcast %jit3A_35 : f32 to vector<512x128xf32>
    %select_n3A_37 = arith.select %and3A, %add3A_17, %broadcast_in_dim3A_36 : vector<512x128xi1>, vector<512x128xf32>
    %reduce_sum3A_38 = vector.shape_cast %select_n3A_37 : vector<512x128xf32> to vector<1x512x128xf32>
    %reduce_sum3A_39 = arith.constant dense<0.000000e+00> : vector<1xf32>
    %reduce_sum3A_40 = vector.multi_reduction <add>, %reduce_sum3A_38, %reduce_sum3A_39 [1, 2] : vector<1x512x128xf32> to vector<1xf32>
    %reduce_sum3A_41 = vector.shape_cast %reduce_sum3A_40 : vector<1xf32> to vector<1x1x1xf32>
    %reduce_sum3A_42 = vector.extract %reduce_sum3A_41[0, 0, 0] : f32 from vector<1x1x1xf32>
    %iota3A_43 = tpu.iota {dimensions = array<i32: 0>} : vector<8x128xi32>
    %iota3A_44 = tpu.iota {dimensions = array<i32: 1>} : vector<8x128xi32>
    %eq3A = arith.constant 0 : i32
    %eq3A_45 = vector.broadcast %eq3A : i32 to vector<8x128xi32>
    %eq3A_46 = arith.cmpi eq, %iota3A_43, %eq3A_45 : vector<8x128xi32>
    %eq3A_47 = arith.constant 0 : i32
    %eq3A_48 = vector.broadcast %eq3A_47 : i32 to vector<8x128xi32>
    %eq3A_49 = arith.cmpi eq, %iota3A_44, %eq3A_48 : vector<8x128xi32>
    %and3A_50 = arith.andi %eq3A_46, %eq3A_49 : vector<8x128xi1>
    %convert_element_type3A_51 = arith.fptosi %reduce_sum3A_34 : f32 to i32
    %jit3A_52 = arith.constant 0 : i32
    %broadcast_in_dim3A_53 = vector.broadcast %convert_element_type3A_51 : i32 to vector<8x128xi32>
    %broadcast_in_dim3A_54 = vector.broadcast %jit3A_52 : i32 to vector<8x128xi32>
    %select_n3A_55 = arith.select %and3A_50, %broadcast_in_dim3A_53, %broadcast_in_dim3A_54 : vector<8x128xi1>, vector<8x128xi32>
    %eq3A_56 = arith.constant 0 : i32
    %eq3A_57 = vector.broadcast %eq3A_56 : i32 to vector<8x128xi32>
    %eq3A_58 = arith.cmpi eq, %iota3A_43, %eq3A_57 : vector<8x128xi32>
    %eq3A_59 = arith.constant 1 : i32
    %eq3A_60 = vector.broadcast %eq3A_59 : i32 to vector<8x128xi32>
    %eq3A_61 = arith.cmpi eq, %iota3A_44, %eq3A_60 : vector<8x128xi32>
    %and3A_62 = arith.andi %eq3A_58, %eq3A_61 : vector<8x128xi1>
    %convert_element_type3A_63 = arith.fptosi %reduce_sum3A_42 : f32 to i32
    %jit3A_64 = arith.constant 0 : i32
    %broadcast_in_dim3A_65 = vector.broadcast %convert_element_type3A_63 : i32 to vector<8x128xi32>
    %broadcast_in_dim3A_66 = vector.broadcast %jit3A_64 : i32 to vector<8x128xi32>
    %select_n3A_67 = arith.select %and3A_62, %broadcast_in_dim3A_65, %broadcast_in_dim3A_66 : vector<8x128xi1>, vector<8x128xi32>
    %add3A_68 = arith.addi %select_n3A_55, %select_n3A_67 : vector<8x128xi32>
    %swap3A = arith.constant 0 : index
    %swap3A_69 = arith.constant 0 : index
    %swap3A_70 = vector.load %arg1[%swap3A, %swap3A_69] : memref<8x128xi32, #tpu.memory_space<vmem>>, vector<8x128xi32>
    tpu.vector_store %arg1[%swap3A, %swap3A_69], %add3A_68 {strides = array<i32>} : memref<8x128xi32, #tpu.memory_space<vmem>>, vector<8x128xi32>,
    return
  }
}

module attributes {stable_mosaic.version = 14 : i64} {
  func.func @_scan2_body(%arg0: memref<32x256x128xi32, #tpu.memory_space<vmem>>, %arg1: memref<1x2xi32, #tpu.memory_space<smem>>, %arg2: memref<8x128xi32, #tpu.memory_space<vmem>>) attributes {dimension_semantics = [], scalar_prefetch = 0 : i64, scratch_operands = 0 : i64, tpu.core_type = #tpu.core_type<tc>} {
    %get3A = arith.constant 0 : index
    %get3A_0 = arith.constant 0 : index
    %get3A_1 = arith.constant 0 : index
    %get3A_2 = vector.load %arg0[%get3A, %get3A_0, %get3A_1] : memref<32x256x128xi32, #tpu.memory_space<vmem>>, vector<32x256x128xi32>
    %convert_element_type3A = arith.sitofp %get3A_2 : vector<32x256x128xi32> to vector<32x256x128xf32>
    %reduce_sum3A = arith.constant dense<0.000000e+00> : vector<256x128xf32>
    %reduce_sum3A_3 = vector.multi_reduction <add>, %convert_element_type3A, %reduce_sum3A [0] : vector<32x256x128xf32> to vector<256x128xf32>
    %get3A_4 = arith.constant 0 : index
    %get3A_5 = arith.constant 1 : index
    %get3A_6 = memref.load %arg1[%get3A_4, %get3A_5] : memref<1x2xi32, #tpu.memory_space<smem>>
    %convert_element_type3A_7 = arith.sitofp %get3A_6 : i32 to f32
    %get3A_8 = arith.constant 0 : index
    %get3A_9 = arith.constant 0 : index
    %get3A_10 = memref.load %arg1[%get3A_8, %get3A_9] : memref<1x2xi32, #tpu.memory_space<smem>>
    %iota3A = tpu.iota {dimensions = array<i32: 0>} : vector<128x128xi32>
    %iota3A_11 = tpu.iota {dimensions = array<i32: 1>} : vector<128x128xi32>
    %gt3A = arith.cmpi sgt, %iota3A, %iota3A_11 : vector<128x128xi32>
    %convert_element_type3A_12 = arith.extui %gt3A : vector<128x128xi1> to vector<128x128xi32>
    %convert_element_type3A_13 = arith.sitofp %convert_element_type3A_12 : vector<128x128xi32> to vector<128x128xf32>
    %dot_general3A = arith.constant dense<0.000000e+00> : vector<256x128xf32>
    %dot_general3A_14 = tpu.matmul %reduce_sum3A_3, %convert_element_type3A_13, %dot_general3A {dimension_numbers = #tpu.dot_dimension_numbers<[1], [0], [0], [1], [0, 0, 1, 1], [], []>, precision = #tpu.contract_precision<fp32>, transpose_lhs_hint = false} : vector<256x128xf32>, vector<128x128xf32>, vector<256x128xf32> -> vector<256x128xf32>
    %reduce_sum3A_15 = arith.constant dense<0.000000e+00> : vector<256xf32>
    %reduce_sum3A_16 = vector.multi_reduction <add>, %reduce_sum3A_3, %reduce_sum3A_15 [1] : vector<256x128xf32> to vector<256xf32>
    %broadcast_in_dim3A = vector.shape_cast %reduce_sum3A_16 : vector<256xf32> to vector<256x1xf32>
    %iota3A_17 = tpu.iota {dimensions = array<i32: 0>} : vector<256x256xi32>
    %iota3A_18 = tpu.iota {dimensions = array<i32: 1>} : vector<256x256xi32>
    %gt3A_19 = arith.cmpi sgt, %iota3A_18, %iota3A_17 : vector<256x256xi32>
    %convert_element_type3A_20 = arith.extui %gt3A_19 : vector<256x256xi1> to vector<256x256xi32>
    %convert_element_type3A_21 = arith.sitofp %convert_element_type3A_20 : vector<256x256xi32> to vector<256x256xf32>
    %dot_general3A_22 = arith.constant dense<0.000000e+00> : vector<256x1xf32>
    %dot_general3A_23 = tpu.matmul %convert_element_type3A_21, %broadcast_in_dim3A, %dot_general3A_22 {dimension_numbers = #tpu.dot_dimension_numbers<[1], [0], [0], [1], [0, 0, 1, 1], [], []>, precision = #tpu.contract_precision<fp32>, transpose_lhs_hint = false} : vector<256x256xf32>, vector<256x1xf32>, vector<256x1xf32> -> vector<256x1xf32>
    %add3A = vector.broadcast %dot_general3A_23 : vector<256x1xf32> to vector<256x128xf32>
    %add3A_24 = arith.addf %dot_general3A_14, %add3A : vector<256x128xf32>
    %add3A_25 = vector.broadcast %convert_element_type3A_7 : f32 to vector<256x128xf32>
    %add3A_26 = arith.addf %add3A_24, %add3A_25 : vector<256x128xf32>
    %lt3A = arith.constant 8.192000e+03 : f32
    %lt3A_27 = vector.broadcast %lt3A : f32 to vector<256x128xf32>
    %lt3A_28 = arith.cmpf olt, %add3A_26, %lt3A_27 : vector<256x128xf32>
    %add3A_29 = arith.addf %add3A_26, %reduce_sum3A_3 : vector<256x128xf32>
    %ge3A = arith.constant 8.192000e+03 : f32
    %ge3A_30 = vector.broadcast %ge3A : f32 to vector<256x128xf32>
    %ge3A_31 = arith.cmpf oge, %add3A_29, %ge3A_30 : vector<256x128xf32>
    %and3A = arith.andi %lt3A_28, %ge3A_31 : vector<256x128xi1>
    %iota3A_32 = tpu.iota {dimensions = array<i32: 0>} : vector<256x128xi32>
    %iota3A_33 = tpu.iota {dimensions = array<i32: 1>} : vector<256x128xi32>
    %mul3A = arith.constant 128 : i32
    %mul3A_34 = vector.broadcast %mul3A : i32 to vector<256x128xi32>
    %mul3A_35 = arith.muli %iota3A_32, %mul3A_34 : vector<256x128xi32>
    %add3A_36 = arith.addi %mul3A_35, %iota3A_33 : vector<256x128xi32>
    %convert_element_type3A_37 = arith.sitofp %add3A_36 : vector<256x128xi32> to vector<256x128xf32>
    %jit3A = arith.constant 0.000000e+00 : f32
    %broadcast_in_dim3A_38 = vector.broadcast %jit3A : f32 to vector<256x128xf32>
    %select_n3A = arith.select %and3A, %convert_element_type3A_37, %broadcast_in_dim3A_38 : vector<256x128xi1>, vector<256x128xf32>
    %reduce_sum3A_39 = vector.shape_cast %select_n3A : vector<256x128xf32> to vector<1x256x128xf32>
    %reduce_sum3A_40 = arith.constant dense<0.000000e+00> : vector<1xf32>
    %reduce_sum3A_41 = vector.multi_reduction <add>, %reduce_sum3A_39, %reduce_sum3A_40 [1, 2] : vector<1x256x128xf32> to vector<1xf32>
    %reduce_sum3A_42 = vector.shape_cast %reduce_sum3A_41 : vector<1xf32> to vector<1x1x1xf32>
    %reduce_sum3A_43 = vector.extract %reduce_sum3A_42[0, 0, 0] : f32 from vector<1x1x1xf32>
    %jit3A_44 = arith.constant 0.000000e+00 : f32
    %broadcast_in_dim3A_45 = vector.broadcast %jit3A_44 : f32 to vector<256x128xf32>
    %select_n3A_46 = arith.select %and3A, %add3A_26, %broadcast_in_dim3A_45 : vector<256x128xi1>, vector<256x128xf32>
    %reduce_sum3A_47 = vector.shape_cast %select_n3A_46 : vector<256x128xf32> to vector<1x256x128xf32>
    %reduce_sum3A_48 = arith.constant dense<0.000000e+00> : vector<1xf32>
    %reduce_sum3A_49 = vector.multi_reduction <add>, %reduce_sum3A_47, %reduce_sum3A_48 [1, 2] : vector<1x256x128xf32> to vector<1xf32>
    %reduce_sum3A_50 = vector.shape_cast %reduce_sum3A_49 : vector<1xf32> to vector<1x1x1xf32>
    %reduce_sum3A_51 = vector.extract %reduce_sum3A_50[0, 0, 0] : f32 from vector<1x1x1xf32>
    %shift_left3A = arith.constant 15 : i32
    %shift_left3A_52 = arith.shli %get3A_10, %shift_left3A : i32
    %convert_element_type3A_53 = arith.fptosi %reduce_sum3A_43 : f32 to i32
    %or3A = arith.ori %shift_left3A_52, %convert_element_type3A_53 : i32
    %sub3A = arith.constant 8.192000e+03 : f32
    %sub3A_54 = arith.subf %sub3A, %reduce_sum3A_51 : f32
    %iota3A_55 = tpu.iota {dimensions = array<i32: 0>} : vector<8x128xi32>
    %iota3A_56 = tpu.iota {dimensions = array<i32: 1>} : vector<8x128xi32>
    %eq3A = arith.constant 0 : i32
    %eq3A_57 = vector.broadcast %eq3A : i32 to vector<8x128xi32>
    %eq3A_58 = arith.cmpi eq, %iota3A_55, %eq3A_57 : vector<8x128xi32>
    %eq3A_59 = arith.constant 0 : i32
    %eq3A_60 = vector.broadcast %eq3A_59 : i32 to vector<8x128xi32>
    %eq3A_61 = arith.cmpi eq, %iota3A_56, %eq3A_60 : vector<8x128xi32>
    %and3A_62 = arith.andi %eq3A_58, %eq3A_61 : vector<8x128xi1>
    %jit3A_63 = arith.constant 0 : i32
    %broadcast_in_dim3A_64 = vector.broadcast %or3A : i32 to vector<8x128xi32>
    %broadcast_in_dim3A_65 = vector.broadcast %jit3A_63 : i32 to vector<8x128xi32>
    %select_n3A_66 = arith.select %and3A_62, %broadcast_in_dim3A_64, %broadcast_in_dim3A_65 : vector<8x128xi1>, vector<8x128xi32>
    %eq3A_67 = arith.constant 0 : i32
    %eq3A_68 = vector.broadcast %eq3A_67 : i32 to vector<8x128xi32>
    %eq3A_69 = arith.cmpi eq, %iota3A_55, %eq3A_68 : vector<8x128xi32>
    %eq3A_70 = arith.constant 1 : i32
    %eq3A_71 = vector.broadcast %eq3A_70 : i32 to vector<8x128xi32>
    %eq3A_72 = arith.cmpi eq, %iota3A_56, %eq3A_71 : vector<8x128xi32>
    %and3A_73 = arith.andi %eq3A_69, %eq3A_72 : vector<8x128xi1>
    %convert_element_type3A_74 = arith.fptosi %sub3A_54 : f32 to i32
    %jit3A_75 = arith.constant 0 : i32
    %broadcast_in_dim3A_76 = vector.broadcast %convert_element_type3A_74 : i32 to vector<8x128xi32>
    %broadcast_in_dim3A_77 = vector.broadcast %jit3A_75 : i32 to vector<8x128xi32>
    %select_n3A_78 = arith.select %and3A_73, %broadcast_in_dim3A_76, %broadcast_in_dim3A_77 : vector<8x128xi1>, vector<8x128xi32>
    %add3A_79 = arith.addi %select_n3A_66, %select_n3A_78 : vector<8x128xi32>
    %swap3A = arith.constant 0 : index
    %swap3A_80 = arith.constant 0 : index
    %swap3A_81 = vector.load %arg2[%swap3A, %swap3A_80] : memref<8x128xi32, #tpu.memory_space<vmem>>, vector<8x128xi32>
    tpu.vector_store %arg2[%swap3A, %swap3A_80], %add3A_79 {strides = array<i32>} : memref<8x128xi32, #tpu.memory_space<vmem>>, vector<8x128xi32>,
    return
  }
}

module attributes {stable_mosaic.version = 14 : i64} {
  func.func @_mask_body(%arg0: i32, %arg1: memref<512x1024xf32, #tpu.memory_space<vmem>>, %arg2: memref<1x2xi32, #tpu.memory_space<smem>>, %arg3: memref<512x1024xf32, #tpu.memory_space<vmem>>, %arg4: memref<1xi32, #tpu.memory_space<smem>>) attributes {dimension_semantics = [#tpu.dimension_semantics<arbitrary>], iteration_bounds = array<i64: 8>, scalar_prefetch = 0 : i64, scratch_operands = 1 : i64, tpu.core_type = #tpu.core_type<tc>, window_params = [{transform_indices = @transform_0, window_bounds = array<i64: 512, 1024>}, {transform_indices = @transform_1, window_bounds = array<i64: 1, 2>}, {transform_indices = @transform_2, window_bounds = array<i64: 512, 1024>}]} {
    %eq3A = arith.constant 0 : i32
    %eq3A_0 = arith.cmpi eq, %arg0, %eq3A : i32
    %convert_element_type3A = arith.extui %eq3A_0 : i1 to i32
    %cond3A = arith.constant 0 : i32
    %cond3A_1 = arith.cmpi ne, %convert_element_type3A, %cond3A : i32
    scf.if %cond3A_1 {
      %swap3A_44 = arith.constant 0 : i32
      %swap3A_45 = arith.constant 0 : index
      %swap3A_46 = memref.load %arg4[%swap3A_45] : memref<1xi32, #tpu.memory_space<smem>>
      memref.store %swap3A_44, %arg4[%swap3A_45] : memref<1xi32, #tpu.memory_space<smem>>
    } else {
    }
    %get3A = arith.constant 0 : index
    %get3A_2 = arith.constant 0 : index
    %get3A_3 = vector.load %arg1[%get3A, %get3A_2] : memref<512x1024xf32, #tpu.memory_space<vmem>>, vector<512x1024xf32>
    %bitcast_convert_type3A = tpu.bitcast %get3A_3 : vector<512x1024xf32> -> vector<512x1024xi32>
    %and3A = arith.constant 2147483647 : i32
    %and3A_4 = vector.broadcast %and3A : i32 to vector<512x1024xi32>
    %and3A_5 = arith.andi %bitcast_convert_type3A, %and3A_4 : vector<512x1024xi32>
    %get3A_6 = arith.constant 0 : index
    %get3A_7 = arith.constant 0 : index
    %get3A_8 = memref.load %arg2[%get3A_6, %get3A_7] : memref<1x2xi32, #tpu.memory_space<smem>>
    %get3A_9 = arith.constant 0 : index
    %get3A_10 = arith.constant 1 : index
    %get3A_11 = memref.load %arg2[%get3A_9, %get3A_10] : memref<1x2xi32, #tpu.memory_space<smem>>
    %gt3A = vector.broadcast %get3A_8 : i32 to vector<512x1024xi32>
    %gt3A_12 = arith.cmpi sgt, %and3A_5, %gt3A : vector<512x1024xi32>
    %eq3A_13 = vector.broadcast %get3A_8 : i32 to vector<512x1024xi32>
    %eq3A_14 = arith.cmpi eq, %and3A_5, %eq3A_13 : vector<512x1024xi32>
    %convert_element_type3A_15 = arith.extui %eq3A_14 : vector<512x1024xi1> to vector<512x1024xi32>
    %reduce_sum3A = vector.shape_cast %convert_element_type3A_15 : vector<512x1024xi32> to vector<1x512x1024xi32>
    %reduce_sum3A_16 = arith.constant dense<0> : vector<1xi32>
    %reduce_sum3A_17 = vector.multi_reduction <add>, %reduce_sum3A, %reduce_sum3A_16 [1, 2] : vector<1x512x1024xi32> to vector<1xi32>
    %reduce_sum3A_18 = vector.shape_cast %reduce_sum3A_17 : vector<1xi32> to vector<1x1x1xi32>
    %reduce_sum3A_19 = vector.extract %reduce_sum3A_18[0, 0, 0] : i32 from vector<1x1x1xi32>
    %get3A_20 = arith.constant 0 : index
    %get3A_21 = memref.load %arg4[%get3A_20] : memref<1xi32, #tpu.memory_space<smem>>
    %sub3A = arith.subi %get3A_11, %get3A_21 : i32
    %eq3A_22 = arith.constant 0 : i32
    %eq3A_23 = arith.cmpi eq, %reduce_sum3A_19, %eq3A_22 : i32
    %le3A = arith.constant 0 : i32
    %le3A_24 = arith.cmpi sle, %sub3A, %le3A : i32
    %or3A = arith.ori %eq3A_23, %le3A_24 : i1
    %not3A = arith.constant true
    %not3A_25 = arith.xori %or3A, %not3A : i1
    %le3A_26 = arith.cmpi sle, %reduce_sum3A_19, %sub3A : i32
    %and3A_27 = arith.andi %not3A_25, %le3A_26 : i1
    %not3A_28 = arith.constant true
    %not3A_29 = arith.xori %or3A, %not3A_28 : i1
    %gt3A_30 = arith.cmpi sgt, %reduce_sum3A_19, %sub3A : i32
    %and3A_31 = arith.andi %not3A_29, %gt3A_30 : i1
    %convert_element_type3A_32 = arith.extui %or3A : i1 to i32
    %cond3A_33 = arith.constant 0 : i32
    %cond3A_34 = arith.cmpi ne, %convert_element_type3A_32, %cond3A_33 : i32
    scf.if %cond3A_34 {
      %jit3A = arith.constant 0.000000e+00 : f32
      %broadcast_in_dim3A = vector.broadcast %jit3A : f32 to vector<512x1024xf32>
      %select_n3A = arith.select %gt3A_12, %get3A_3, %broadcast_in_dim3A : vector<512x1024xi1>, vector<512x1024xf32>
      %swap3A_44 = arith.constant 0 : index
      %swap3A_45 = arith.constant 0 : index
      %swap3A_46 = vector.load %arg3[%swap3A_44, %swap3A_45] : memref<512x1024xf32, #tpu.memory_space<vmem>>, vector<512x1024xf32>
      tpu.vector_store %arg3[%swap3A_44, %swap3A_45], %select_n3A {strides = array<i32>} : memref<512x1024xf32, #tpu.memory_space<vmem>>, vector<512x1024xf32>,
    } else {
    }
    %convert_element_type3A_35 = arith.extui %and3A_27 : i1 to i32
    %cond3A_36 = arith.constant 0 : i32
    %cond3A_37 = arith.cmpi ne, %convert_element_type3A_35, %cond3A_36 : i32
    scf.if %cond3A_37 {
      %or3A_44 = arith.ori %gt3A_12, %eq3A_14 : vector<512x1024xi1>
      %jit3A = arith.constant 0.000000e+00 : f32
      %broadcast_in_dim3A = vector.broadcast %jit3A : f32 to vector<512x1024xf32>
      %select_n3A = arith.select %or3A_44, %get3A_3, %broadcast_in_dim3A : vector<512x1024xi1>, vector<512x1024xf32>
      %swap3A_45 = arith.constant 0 : index
      %swap3A_46 = arith.constant 0 : index
      %swap3A_47 = vector.load %arg3[%swap3A_45, %swap3A_46] : memref<512x1024xf32, #tpu.memory_space<vmem>>, vector<512x1024xf32>
      tpu.vector_store %arg3[%swap3A_45, %swap3A_46], %select_n3A {strides = array<i32>} : memref<512x1024xf32, #tpu.memory_space<vmem>>, vector<512x1024xf32>,
    } else {
    }
    %convert_element_type3A_38 = arith.extui %and3A_31 : i1 to i32
    %cond3A_39 = arith.constant 0 : i32
    %cond3A_40 = arith.cmpi ne, %convert_element_type3A_38, %cond3A_39 : i32
    scf.if %cond3A_40 {
      %convert_element_type3A_44 = arith.extui %eq3A_14 : vector<512x1024xi1> to vector<512x1024xi32>
      %convert_element_type3A_45 = arith.sitofp %convert_element_type3A_44 : vector<512x1024xi32> to vector<512x1024xf32>
      %iota3A = tpu.iota {dimensions = array<i32: 0>} : vector<1024x1024xi32>
      %iota3A_46 = tpu.iota {dimensions = array<i32: 1>} : vector<1024x1024xi32>
      %le3A_47 = arith.cmpi sle, %iota3A, %iota3A_46 : vector<1024x1024xi32>
      %convert_element_type3A_48 = arith.extui %le3A_47 : vector<1024x1024xi1> to vector<1024x1024xi32>
      %convert_element_type3A_49 = arith.sitofp %convert_element_type3A_48 : vector<1024x1024xi32> to vector<1024x1024xf32>
      %dot_general3A = arith.constant dense<0.000000e+00> : vector<512x1024xf32>
      %dot_general3A_50 = tpu.matmul %convert_element_type3A_45, %convert_element_type3A_49, %dot_general3A {dimension_numbers = #tpu.dot_dimension_numbers<[1], [0], [0], [1], [0, 0, 1, 1], [], []>, precision = #tpu.contract_precision<fp32>, transpose_lhs_hint = false} : vector<512x1024xf32>, vector<1024x1024xf32>, vector<512x1024xf32> -> vector<512x1024xf32>
      %reduce_sum3A_51 = arith.constant dense<0.000000e+00> : vector<512xf32>
      %reduce_sum3A_52 = vector.multi_reduction <add>, %convert_element_type3A_45, %reduce_sum3A_51 [1] : vector<512x1024xf32> to vector<512xf32>
      %broadcast_in_dim3A = vector.shape_cast %reduce_sum3A_52 : vector<512xf32> to vector<512x1xf32>
      %iota3A_53 = tpu.iota {dimensions = array<i32: 0>} : vector<512x512xi32>
      %iota3A_54 = tpu.iota {dimensions = array<i32: 1>} : vector<512x512xi32>
      %lt3A = arith.cmpi slt, %iota3A_54, %iota3A_53 : vector<512x512xi32>
      %convert_element_type3A_55 = arith.extui %lt3A : vector<512x512xi1> to vector<512x512xi32>
      %convert_element_type3A_56 = arith.sitofp %convert_element_type3A_55 : vector<512x512xi32> to vector<512x512xf32>
      %dot_general3A_57 = arith.constant dense<0.000000e+00> : vector<512x1xf32>
      %dot_general3A_58 = tpu.matmul %convert_element_type3A_56, %broadcast_in_dim3A, %dot_general3A_57 {dimension_numbers = #tpu.dot_dimension_numbers<[1], [0], [0], [1], [0, 0, 1, 1], [], []>, precision = #tpu.contract_precision<fp32>, transpose_lhs_hint = false} : vector<512x512xf32>, vector<512x1xf32>, vector<512x1xf32> -> vector<512x1xf32>
      %add3A_59 = vector.broadcast %dot_general3A_58 : vector<512x1xf32> to vector<512x1024xf32>
      %add3A_60 = arith.addf %dot_general3A_50, %add3A_59 : vector<512x1024xf32>
      %convert_element_type3A_61 = arith.sitofp %sub3A : i32 to f32
      %le3A_62 = vector.broadcast %convert_element_type3A_61 : f32 to vector<512x1024xf32>
      %le3A_63 = arith.cmpf ole, %add3A_60, %le3A_62 : vector<512x1024xf32>
      %and3A_64 = arith.andi %eq3A_14, %le3A_63 : vector<512x1024xi1>
      %or3A_65 = arith.ori %gt3A_12, %and3A_64 : vector<512x1024xi1>
      %jit3A = arith.constant 0.000000e+00 : f32
      %broadcast_in_dim3A_66 = vector.broadcast %jit3A : f32 to vector<512x1024xf32>
      %select_n3A = arith.select %or3A_65, %get3A_3, %broadcast_in_dim3A_66 : vector<512x1024xi1>, vector<512x1024xf32>
      %swap3A_67 = arith.constant 0 : index
      %swap3A_68 = arith.constant 0 : index
      %swap3A_69 = vector.load %arg3[%swap3A_67, %swap3A_68] : memref<512x1024xf32, #tpu.memory_space<vmem>>, vector<512x1024xf32>
      tpu.vector_store %arg3[%swap3A_67, %swap3A_68], %select_n3A {strides = array<i32>} : memref<512x1024xf32, #tpu.memory_space<vmem>>, vector<512x1024xf32>,
    } else {
    }
    %get3A_41 = arith.constant 0 : index
    %get3A_42 = memref.load %arg4[%get3A_41] : memref<1xi32, #tpu.memory_space<smem>>
    %add3A = arith.addi %get3A_42, %reduce_sum3A_19 : i32
    %swap3A = arith.constant 0 : index
    %swap3A_43 = memref.load %arg4[%swap3A] : memref<1xi32, #tpu.memory_space<smem>>
    memref.store %add3A, %arg4[%swap3A] : memref<1xi32, #tpu.memory_space<smem>>
    return
  }
  func.func @transform_0(%arg0: i32) -> (i32, i32) {
    %c0_i32 = arith.constant 0 : i32
    %c0_i32_0 = arith.constant 0 : i32
    return %arg0, %c0_i32 : i32, i32
  }
  func.func @transform_1(%arg0: i32) -> (i32, i32) {
    %c0_i32 = arith.constant 0 : i32
    %c0_i32_0 = arith.constant 0 : i32
    %c0_i32_1 = arith.constant 0 : i32
    return %c0_i32, %c0_i32_0 : i32, i32
  }
  func.func @transform_2(%arg0: i32) -> (i32, i32) {
    %c0_i32 = arith.constant 0 : i32
    %c0_i32_0 = arith.constant 0 : i32
    return %arg0, %c0_i32 : i32, i32
  }
}

</mosaic_0001>

<sc_bundles>
// kernel: kernel.10.cloned.1.call-start
scs
__scs_entry_jumppad:
0x0: {  	(pc) =	sbr.rel $0x88, $3  }
0x1: {  	(tag) =	ssettag $0x0;
	lr =	simm.s32 $0x1  }
0x2: {  	[smem:$0x3FA0] =	sst lr;
	_ =	strace $0xD0000000  }
0x3: {  	_ = 	snop  }
0x4: {  	_ = 	snop  }
0x5: {  	_ = 	snop  }
0x6: {  	_ = 	snop  }
0x7: {  	_ = 	snop  }
__scs_overlays_trampoline_lowered:
0x8: {  	[smem:$0x3FAF] =	sst s0  }
0x9: {  	[smem:$0x3FB0] =	sst s1  }
0xa: {  	[smem:$0x3FB1] =	sst s2  }
0xb: {  	[smem:$0x3FB2] =	sst s3  }
0xc: {  	[smem:$0x3FB3] =	sst s4  }
0xd: {  	[smem:$0x3FB4] =	sst s5  }
0xe: {  	[smem:$0x3FB5] =	sst s6  }
0xf: {  	[smem:$0x3FB6] =	sst s7  }
0x10: {  	[smem:$0x3FB7] =	sst s8  }
0x11: {  	[smem:$0x3FB8] =	sst s9;
	s0 =	simm.s32 @!p0 $0x0  }
0x12: {  	s1 =	sld [smem:$0x3F9E];
	s0 =	simm.s32 @p0 $0x1  }
0x13: {  	[smem:$0x3FB9] =	sst s0;
	s0 =	simm.s32 @!p1 $0x0  }
0x14: {  	s2 =	sld [smem:$0x3F9D];
	s0 =	simm.s32 @p1 $0x1  }
0x15: {  	[smem:$0x3FBA] =	sst s0;
	s0 =	simm.s32 @!p2 $0x0  }
0x16: {  	s3 =	sld [smem:$0x3FDB];
	s0 =	simm.s32 @p2 $0x1  }
0x17: {  	s4 =	simm.s32 $0x1BF5;
	[smem:$0x3FBC] =	sst s0  }
0x18: {  	s0 =	sld [smem:$0x3F9F];
	_ =	swait.ge [sflag:s4], $0x0  }
0x19: {  	s7 =	sld [smem:$0x3FA0]  }
0x1a: {  	s8 =	sadd.s32 $0xFFFFE003, lr  }
0x1b: {  	s9 =	sadd.s32 $0xFFFFFEF7, lr;
	s5 =	simm.s32 $0xFFFFFFFF;
	p2 =	slt.u32 s8, $0xFFFFF086  }
0x1c: {  	p1 =	slt.u32 s9, $0xF7A;
	s5 =	simm.s32 @!p2 $0x0  }
0x1d: {  	s5 =	simm.s32 @p1 $0x1;
	p0 =	seq.s32 s7, s2  }
0x1e: {  	s7 =	smul.u32 @!p0 $0xF7A, s2;
	p2 =	seq.s32 @!p0 s5, $0x0  }
0x1f: {  	s9 =	smul.u32 $0xF7A, s1;
	s8 =	simm.s32 @!p0 $0x1BF5;
	p2 =	por !p2, p0  }
0x20: {  	[sflag:s8] =	ssyncset.s32 @!p0 $0xFFFFF086;
	s6 =	sadd.s32 @!p0 s3, s7;
	s7 =	simm.s32 @!p0 $0x108  }
0x21: {  	s3 =	sadd.s32 s3, s9;
	s6 =	sadd.s32 @!p0 $0x88, s6;
	s7 =	simm.s32 @p2 $0x1082  }
0x22: {  	[simem:s7], [sflag:s8] =	dma.local @!p0 [hbm:s6], $0xF7A  }
0x23: {  	s9 =	sor.u32 $0xD0000000, s2;
	s6 =	simm.s32 $0x108;
	_ =	swait.ge @!p0 [sflag:s8], $0x0  }
0x24: {  	s3 =	sadd.s32 $0x88, s3;
	s6 =	simm.s32 @!p1 $0x1082;
	[sflag:s4] =	ssyncset.s32 $0xFFFFF086  }
0x25: {  	[simem:s6], [sflag:s4] =	dma.local [hbm:s3], $0xF7A  }
0x26: {  	[smem:$0x3FA0] =	sst s1;
	(tag) =	ssettag s2;
	_ =	strace s9  }
0x27: {  	s1 =	sld [smem:$0x3FB0]  }
0x28: {  	s2 =	sld [smem:$0x3FB1]  }
0x29: {  	s4 =	sld [smem:$0x3FB3]  }
0x2a: {  	p0 =	seq.s32 s5, $0x0;
	s5 =	sld [smem:$0x3FB4]  }
0x2b: {  	s6 =	sld [smem:$0x3FB5]  }
0x2c: {  	s7 =	sld [smem:$0x3FB6]  }
0x2d: {  	s3 =	simm.s32 $0x108;
	s8 =	sld [smem:$0x3FB7]  }
0x2e: {  	s3 =	simm.s32 @!p0 $0x1082;
	s9 =	sld [smem:$0x3FB8]  }
0x2f: {  	lr =	sadd.s32 s0, s3;
	s0 =	sld [smem:$0x3FAF]  }
0x30: {  	s3 =	sld [smem:$0x3FB2]  }
0x31: {  	[smem:$0x3FBB] =	sst s10  }
0x32: {  	s10 =	sld [smem:$0x3FB9];
	_ =	sdelay $0x3  }
0x33: {  	p0 =	seq.s32 s10, $0x1;
	s10 =	sld [smem:$0x3FBB];
	_ =	sdelay $0x3  }
0x34: {  	[smem:$0x3FBB] =	sst s10  }
0x35: {  	s10 =	sld [smem:$0x3FBA];
	_ =	sdelay $0x3  }
0x36: {  	p1 =	seq.s32 s10, $0x1;
	s10 =	sld [smem:$0x3FBB];
	_ =	sdelay $0x3  }
0x37: {  	[smem:$0x3FBB] =	sst s10  }
0x38: {  	s10 =	sld [smem:$0x3FBC]  }
0x39: {  	_ = 	snop;
	(pc) =	sbr.ind lr, $3  }
0x3a: {  	_ = 	snop  }
0x3b: {  	_ = 	snop  }
0x3c: {  	p2 =	seq.s32 s10, $0x1;
	s10 =	sld [smem:$0x3FBB]  }
0x3d: {  	_ =	shalt  }
0x3e: {  	_ =	shalt  }
0x3f: {  	_ =	shalt  }
0x40: {  	_ =	shalt  }
0x41: {  	_ =	shalt  }
0x42: {  	_ =	shalt  }
0x43: {  	_ =	shalt  }
0x44: {  	_ =	shalt  }
0x45: {  	_ =	shalt  }
0x46: {  	_ =	shalt  }
0x47: {  	_ =	shalt  }
0x48: {  	_ =	shalt  }
0x49: {  	_ =	shalt  }
0x4a: {  	_ =	shalt  }
0x4b: {  	_ =	shalt  }
0x4c: {  	_ =	shalt  }
0x4d: {  	_ =	shalt  }
0x4e: {  	_ =	shalt  }
0x4f: {  	_ =	shalt  }
0x50: {  	_ =	shalt  }
0x51: {  	_ =	shalt  }
0x52: {  	_ =	shalt  }
0x53: {  	_ =	shalt  }
0x54: {  	_ =	shalt  }
0x55: {  	_ =	shalt  }
0x56: {  	_ =	shalt  }
0x57: {  	_ =	shalt  }
0x58: {  	_ =	shalt  }
0x59: {  	_ =	shalt  }
0x5a: {  	_ =	shalt  }
0x5b: {  	_ =	shalt  }
0x5c: {  	_ =	shalt  }
0x5d: {  	_ =	shalt  }
0x5e: {  	_ =	shalt  }
0x5f: {  	_ =	shalt  }
0x60: {  	_ =	shalt  }
0x61: {  	_ =	shalt  }
0x62: {  	_ =	shalt  }
0x63: {  	_ =	shalt  }
0x64: {  	_ =	shalt  }
0x65: {  	_ =	shalt  }
0x66: {  	_ =	shalt  }
0x67: {  	_ =	shalt  }
0x68: {  	_ =	shalt  }
0x69: {  	_ =	shalt  }
0x6a: {  	_ =	shalt  }
0x6b: {  	_ =	shalt  }
0x6c: {  	_ =	shalt  }
0x6d: {  	_ =	shalt  }
0x6e: {  	_ =	shalt  }
0x6f: {  	_ =	shalt  }
0x70: {  	_ =	shalt  }
0x71: {  	_ =	shalt  }
0x72: {  	_ =	shalt  }
0x73: {  	_ =	shalt  }
0x74: {  	_ =	shalt  }
0x75: {  	_ =	shalt  }
0x76: {  	_ =	shalt  }
0x77: {  	_ =	shalt  }
0x78: {  	_ =	shalt  }
0x79: {  	_ =	shalt  }
0x7a: {  	_ =	shalt  }
0x7b: {  	_ =	shalt  }
0x7c: {  	_ =	shalt  }
0x7d: {  	_ =	shalt  }
0x7e: {  	_ =	shalt  }
0x7f: {  	_ =	shalt  }
0x80: {  	_ =	shalt  }
0x81: {  	_ =	shalt  }
0x82: {  	_ =	shalt  }
0x83: {  	_ =	shalt  }
0x84: {  	_ =	shalt  }
0x85: {  	_ =	shalt  }
0x86: {  	_ =	shalt  }
0x87: {  	_ =	shalt  }
.Lfunc_end0:
.L_simem_size_0:
called_computation.1_lowered:
.L_overlay_start_0:
0x88: {  	s2 =	sld [smem:$0x3FD9]  }
0x89: {  	s3 =	sld [smem:$0x3FFE];
	_ =	sdelay $0x1  }
0x8a: {  	s1 =	srdreg.scid  }
0x8b: {  	s0 =	sand.u32 $0x1, s1  }
0x8c: {  	s16 =	sshll.u32 s0, $0xA;
	s2 =	sadd.s32 s3, s2  }
0x8d: {  	s2 =	sadd.s32 s2, s16  }
0x8e: {  	[smem:$0x3FC7] =	sst s2  }
0x8f: {  	_ = 	snop  }
0x90: {  	(tm) =	ssettm $0x1  }
0x91: {  	s17 =	sld [smem:$0x3FFB];
	_ =	sdelay $0x3  }
0x92: {  	_ =	strace s17  }
0x93: {  	s2 =	sld [smem:$0x3FFC];
	_ =	sdelay $0x3  }
0x94: {  	_ =	strace s2  }
0x95: {  	s2 =	sld [smem:$0x3FFD];
	_ =	sdelay $0x3  }
0x96: {  	_ =	strace s2  }
0x97: {  	_ =	strace $0x8FFFFFFF  }
0x98: {  	s18 =	sld [smem:$0x3FDB];
	_ =	sdelay $0x1  }
0x99: {  	s19 =	simm.s32 $_scs_section_size  }
0x9a: {  	s4 =	simm.s32 $_size__tile_overlayer_lowered;
	s5 =	simm.s32 $_tile_overlayer_lowered  }
0x9b: {  	s22 =	simm.s32 $0x1BFF;
	s21 =	sshll.u32 s5, $0x1;
	s2 =	sadd.s32 s19, s18  }
0x9c: {  	s6 =	simm.s32 $0x0;
	s20 =	sshll.u32 s4, $0x1;
	s4 =	sadd.s32 s21, s2  }
0x9d: {  	[timem:s6], [sflag:s22] =	dma.local [hbm:s4], s20  }
0x9e: {  	_ =	swait.ge [sflag:s22], s20  }
0x9f: {  	s3 =	ssub.s32 $0x0, s20;
	[sflag:s22] =	ssyncset.done $0x0  }
0xa0: {  	[sflag:s22] =	ssyncadd.s32 s3;
	_ =	sdelay $0x1  }
0xa1: {  	s23 =	simm.s32 $0x1B8B  }
0xa2: {  	_ =	swait.ge [sflag:s23], $0x1  }
0xa3: {  	[sflag:s23] =	ssyncset.done $0x0  }
0xa4: {  	s25 =	simm.s32 $0x1B8E;
	s24 =	sld [smem:$0x3FFE];
	[sflag:s23] =	ssyncadd.s32 $0xFFFFFFFF  }
0xa5: {  	s26 =	simm.s32 $execute0_lowered;
	[smem:$0x3FD2] =	sst s25  }
0xa6: {  	s4 =	sshll.u32 s26, $0x1;
	_ =	strace $0x80000049;
	[dreg:$0x1] =	wrdreg $0xFFFFFFFF  }
0xa7: {  	s28 =	simm.s32 $_size_execute0_lowered;
	s2 =	sadd.s32 s2, s4;
	[dreg:$0x0] =	wrdreg $0x0  }
0xa8: {  	s4 =	sshll.u32 s28, $0x1;
	[dreg:$0x2] =	wrdreg s2  }
0xa9: {  	[dreg:$0x3] =	wrdreg s4  }
0xaa: {  	[dreg:$0x4] =	wrdreg $0xC0  }
0xab: {  	_ =	task [dreg:s6], $0x5FFFF  }
0xac: {  	[dreg:$0x1] =	wrdreg $0xFFFFFFFF  }
0xad: {  	[dreg:$0x0] =	wrdreg $0x60  }
0xae: {  	[dreg:$0x2] =	wrdreg s24  }
0xaf: {  	[dreg:$0x3] =	wrdreg $0x9  }
0xb0: {  	_ =	task.clear_ibuf [dreg:s6], $0x4FFFF;
	_ =	strace $0x90000049  }
0xb1: {  	s29 =	simm.s32 $0x9;
	_ =	strace $0x8000004B  }
0xb2: {  	_ =	swait.ge [sflag:s29], $0x1  }
0xb3: {  	[sflag:s29] =	ssyncadd.s32 $0xFFFFFFFF  }
0xb4: {  	_ =	strace $0x9000004B  }
0xb5: {  	_ =	sfence  }
0xb6: {  	s30 =	sld [smem:$0x0];
	_ =	sdelay $0x2  }
0xb7: {  	s31 =	sshll.u32 s1, $0xD;
	s1 =	sshrl.u32 s1, $0x2  }
0xb8: {  	s3 =	sand.u32 $0x4000, s31;
	s1 =	sadd.s32 s1, s30  }
0xb9: {  	s0 =	sor.u32 s3, s0;
	s1 =	sshll.u32 s1, $0x11  }
0xba: {  	s0 =	sor.u32 s1, s0  }
0xbb: {  	s0 =	sadd.s32 $0x8F2B, s0  }
0xbc: {  	[sflag:s0] =	ssyncadd.remote.s32 $0x1  }
0xbd: {  	_ =	sfence.sel $0xFFFF  }
0xbe: {  	[dreg:$0x0] =	wrdreg $0xFFFFFFFF;
	(pc) =	sbr.abs _section_cstart, $3  }
0xbf: {  	[dreg:$0x1] =	wrdreg $0xFFFFFFFF  }
0xc0: {  	_ =	task.clear_ibuf [dreg:s6], $0x2FFFF;
	_ =	strace $0x9FFFFFFF  }
0xc1: {  	(tm) =	ssettm $0x7FFFFFFF  }
tec
execute0_lowered:
.L_overlay_start_1:
0x0: {  	(tag) =	ssettag $0x1  }
0x1: {  	s4 =	rddreg [dreg:$0x0]  }
0x2: {  	s0 =	rddreg [dreg:$0x1];
	s3 =	srdreg.scid  }
0x3: {  	s1 =	stileid.u32;
	s2 =	simm.s32 $0x0;
	s14 =	simm.s32 $0x3  }
0x4: {  	s15 =	simm.s32 $0x1;
	s16 =	simm.s32 $0x8080;
	s17 =	simm.s32 $0x2  }
0x5: {  	s3 =	sand.u32 $0x1, s3;
	s5 =	sshll.u32 s1, $0x1;
	[smem:$0x7FF] =	sst s2  }
0x6: {  	s18 =	simm.s32 $0x0;
	s5 =	sor.u32 s3, s5;
	_ =	strace $0x8000004A  }
0x7: {  	s7 =	ssub.s32 $0x2, s3;
	s3 =	sadd.s32 $0x81C00, s4;
	s6 =	sshll.u32 s5, $0xE  }
0x8: {  	s5 =	sshll.u32 s5, $0xC;
	s31 =	sshrl.u32 s7, $0x1;
	s11 =	sadd.s32 s6, s4  }
0x9: {  	s12 =	sadd.s32 s5, s4;
	s13 =	ssub.s32 s7, s31;
	s4 =	sadd.s32 $0x1C00, s11  }
0xa: {  	s5 =	sadd.s32 $0x2400, s11;
	s6 =	sadd.s32 $0x2C00, s11;
	s7 =	sadd.s32 $0x3400, s11  }
0xb: {  	s8 =	sadd.s32 $0x3C00, s11;
	s9 =	sadd.s32 $0x4400, s11;
	s10 =	sadd.s32 $0x4C00, s11  }
0xc: {  	v0 =	vimm.s32 $0x0;
	v1 =	vimm.s32 $0x1;
	s11 =	sadd.s32 $0x5400, s11;
	s12 =	sadd.s32 $0x81E00, s12;
	s13 =	smax.u32 s13, $0x1  }
.LBB2_1:
0xd: {  	[tilespmem:s2], [sflag:$0x3] =	stream.linear.gather [hbm4b:s3+s2], $0x80, $0x38;
	[tilespmem:$0x10080] =	vst v63  }
0xe: {  	_ =	swait.ge [sflag:s14], $0x80  }
0xf: {  	[sflag:s14] =	ssyncset.done $0x0  }
0x10: {  	s19 =	simm.s32 $0x80C0;
	[sflag:s14] =	ssyncadd.s32 $0xFFFFFF80  }
0x11: {  	v2 =	vld [tilespmem:$0x0];
	[tilespmem:s19+$0xFFFFFFC0] =	vst v0  }
0x12: {  	[tilespmem:s19+$0x30] =	vst v0  }
0x13: {  	[tilespmem:s19+$0x20] =	vst v0  }
0x14: {  	[tilespmem:s19+$0x10] =	vst v0  }
0x15: {  	[tilespmem:s19+$0x0] =	vst v0  }
0x16: {  	[tilespmem:s19+$0xFFFFFFF0] =	vst v0  }
0x17: {  	s20 =	simm.s32 $0x0;
	[tilespmem:s19+$0xFFFFFFE0] =	vst v0  }
.LBB2_2:
0x18: {  	s20 =	sadd.s32 $0x8, s20;
	[tilespmem:s19+$0xFFFFFFD0] =	vst v0;
	s19 =	sadd.s32 $0x80, s19  }
0x19: {  	[tilespmem:s19+$0xFFFFFFC0] =	vst v0;
	p0 =	slt.u32 s20, $0x7F8  }
0x1a: {  	[tilespmem:s19+$0x30] =	vst v0  }
.Ltmp0:
0x1b: {  	[tilespmem:s19+$0x20] =	vst v0;
	(pc) =	sbr.rel @p0 .LBB2_2-.Ltmp0, $4  }
0x1c: {  	[tilespmem:s19+$0x10] =	vst v0  }
0x1d: {  	[tilespmem:s19+$0x0] =	vst v0  }
0x1e: {  	[tilespmem:s19+$0xFFFFFFF0] =	vst v0  }
0x1f: {  	[tilespmem:s19+$0xFFFFFFE0] =	vst v0  }
0x20: {  	s20 =	simm.s32 $0x80  }
0x21: {  	[tilespmem:s19+$0xFFFFFFD0] =	vst v0;
	s19 =	simm.s32 $0x10;
	s22 =	sadd.s32 $0x0, s4;
	s21 =	simm.s32 $0x180  }
.LBB2_4:
0x22: {  	[tilespmem:s20], [sflag:$0x1] =	stream.linear.gather [hbm4b:s22+s2], $0x80, $0x38;
	[tilespmem:$0x10080] =	vst v63  }
0x23: {  	s22 =	smov.u32 s19;
	s20 =	smov.u32 s21;
	p0 =	sne.s32 s19, $0x7F0  }
.Ltmp1:
0x24: {  	s19 =	sadd.s32 $0x10, s19;
	(pc) =	sbr.rel @p0 .LBB2_4-.Ltmp1, $2  }
0x25: {  	_ =	sdelay $0x2  }
0x26: {  	s21 =	sadd.s32 $0x100, s21;
	s22 =	sadd.s32 s22, s4  }
0x27: {  	[tilespmem:s20], [sflag:$0x1] =	stream.linear.gather [hbm4b:s22+s2], $0x80, $0x38;
	[tilespmem:$0x10080] =	vst v63  }
0x28: {  	s19 =	simm.s32 $0x100  }
0x29: {  	s20 =	simm.s32 $0x10;
	s22 =	sadd.s32 $0x0, s5;
	s21 =	simm.s32 $0x200  }
.LBB2_6:
0x2a: {  	[tilespmem:s19], [sflag:$0x2] =	stream.linear.gather [hbm4b:s22+s2], $0x80, $0x38;
	[tilespmem:$0x10080] =	vst v63  }
0x2b: {  	s22 =	smov.u32 s20;
	s19 =	smov.u32 s21;
	p0 =	sne.s32 s20, $0x7F0  }
.Ltmp2:
0x2c: {  	s20 =	sadd.s32 $0x10, s20;
	(pc) =	sbr.rel @p0 .LBB2_6-.Ltmp2, $2  }
0x2d: {  	_ =	sdelay $0x2  }
0x2e: {  	s21 =	sadd.s32 $0x100, s21;
	s22 =	sadd.s32 s22, s5  }
0x2f: {  	[tilespmem:s19], [sflag:$0x2] =	stream.linear.gather [hbm4b:s22+s2], $0x80, $0x38;
	[tilespmem:$0x10080] =	vst v63  }
0x30: {  	_ =	swait.ge [sflag:s15], $0x4000  }
0x31: {  	[sflag:s15] =	ssyncset.done $0x0  }
0x32: {  	s31 =	simm.s32 $0xC0;
	[sflag:s15] =	ssyncadd.s32 $0xFFFFC000  }
0x33: {  	v4 =	vld [tilespmem:s31+$0x30]  }
0x34: {  	v3 =	vld [tilespmem:s31+$0xFFFFFFD0]  }
0x35: {  	v5 =	vld [tilespmem:s31+$0xFFFFFFE0]  }
0x36: {  	v7 =	vld [tilespmem:s31+$0xFFFFFFF0]  }
0x37: {  	v9 =	vld [tilespmem:s31+$0x0]  }
0x38: {  	v10 =	vld [tilespmem:s31+$0x10]  }
0x39: {  	v12 =	vld [tilespmem:s31+$0xFFFFFFC0]  }
0x3a: {  	v6 =	vshrl.u32 v4, $0xF  }
0x3b: {  	v8 =	vshrl.u32 v3, $0xF;
	v11 =	vand.u32 $0x7FFF, v3;
	v13 =	vshrl.u32 v5, $0xF  }
0x3c: {  	v3 =	vld [tilespmem:s31+$0x20];
	v59 =	vshrl.u32 v7, $0xF;
	v4 =	vand.u32 $0x7FFF, v4;
	v6 =	vand.u32 $0xFFFF, v6  }
0x3d: {  	v60 =	vshrl.u32 v9, $0xF;
	v8 =	vand.u32 $0xFFFF, v8;
	vm4 =	veq.s32 v6, v2  }
0x3e: {  	v61 =	vshrl.u32 v10, $0xF;
	v14 =	vshrl.u32 v12, $0xF;
	vm7 =	veq.s32 v8, v2  }
0x3f: {  	v7 =	vand.u32 $0x7FFF, v7;
	v63 =	vand.u32 $0xFFFF, v14;
	v6 =	vand.u32 $0xFFFF, v13  }
0x40: {  	v8 =	vand.u32 $0xFFFF, v59;
	vm5 =	veq.s32 v63, v2;
	vm0 =	veq.s32 v6, v2  }
0x41: {  	v6 =	vand.u32 $0xFFFF, v60;
	vm1 =	veq.s32 v8, v2;
	v62 =	vshrl.u32 v3, $0xF  }
0x42: {  	v8 =	vand.u32 $0xFFFF, v61;
	vm2 =	veq.s32 v6, v2;
	v6 =	vand.u32 $0xFFFF, v62  }
0x43: {  	vm3 =	veq.s32 v8, v2;
	v8 =	vand.u32 $0x7FFF, v12;
	vm6 =	veq.s32 v6, v2;
	[tilespmem:v4+s16+$0x0] =	vst.idx.add.s32.msk vm4, v1  }
0x44: {  	s19 =	simm.s32 $0x0;
	s20 =	simm.s32 $0x1C0;
	v6 =	vand.u32 $0x7FFF, v5;
	v5 =	vand.u32 $0x7FFF, v9;
	[tilespmem:v11+s16+$0x0] =	vst.idx.add.s32.msk vm7, v1;
	v4 =	vand.u32 $0x7FFF, v10  }
.LBB2_8:
0x45: {  	v9 =	vld [tilespmem:s20+$0x30];
	s19 =	sadd.s32 $0x8, s19;
	v10 =	vand.u32 $0x7FFF, v3;
	vm4 =	vmmov vm6  }
0x46: {  	v3 =	vld [tilespmem:s20+$0xFFFFFFD0];
	p0 =	slt.u32 s19, $0x3F8  }
0x47: {  	v11 =	vld [tilespmem:s20+$0xFFFFFFE0]  }
0x48: {  	v12 =	vld [tilespmem:s20+$0xFFFFFFF0]  }
0x49: {  	v13 =	vld [tilespmem:s20+$0x0]  }
0x4a: {  	v14 =	vld [tilespmem:s20+$0x10];
	v15 =	vshrl.u32 v9, $0xF  }
0x4b: {  	v16 =	vshrl.u32 v3, $0xF;
	v17 =	vand.u32 $0x7FFF, v3;
	v3 =	vld [tilespmem:s20+$0x20];
	v15 =	vand.u32 $0xFFFF, v15  }
0x4c: {  	v18 =	vld [tilespmem:s20+$0xFFFFFFC0];
	v16 =	vand.u32 $0xFFFF, v16;
	v19 =	vshrl.u32 v11, $0xF;
	vm7 =	veq.s32 v15, v2  }
0x4d: {  	v9 =	vand.u32 $0x7FFF, v9;
	v15 =	vand.u32 $0xFFFF, v19;
	v19 =	vshrl.u32 v12, $0xF;
	[tilespmem:v8+s16+$0x0] =	vst.idx.add.s32.msk vm5, v1  }
0x4e: {  	vm8 =	veq.s32 v16, v2;
	v8 =	vand.u32 $0xFFFF, v19;
	v16 =	vshrl.u32 v13, $0xF;
	[tilespmem:v6+s16+$0x0] =	vst.idx.add.s32.msk vm0, v1  }
0x4f: {  	vm0 =	veq.s32 v15, v2;
	v6 =	vand.u32 $0xFFFF, v16;
	v15 =	vshrl.u32 v14, $0xF;
	[tilespmem:v7+s16+$0x0] =	vst.idx.add.s32.msk vm1, v1  }
.Ltmp3:
0x50: {  	vm1 =	veq.s32 v8, v2;
	v7 =	vand.u32 $0xFFFF, v15;
	v8 =	vshrl.u32 v3, $0xF;
	[tilespmem:v5+s16+$0x0] =	vst.idx.add.s32.msk vm2, v1;
	(pc) =	sbr.rel @p0 .LBB2_8-.Ltmp3, $4  }
0x51: {  	vm2 =	veq.s32 v6, v2;
	v5 =	vshrl.u32 v18, $0xF;
	v6 =	vand.u32 $0xFFFF, v8;
	[tilespmem:v4+s16+$0x0] =	vst.idx.add.s32.msk vm3, v1  }
0x52: {  	vm3 =	veq.s32 v7, v2;
	v4 =	vand.u32 $0xFFFF, v5;
	vm6 =	veq.s32 v6, v2;
	[tilespmem:v9+s16+$0x0] =	vst.idx.add.s32.msk vm7, v1  }
0x53: {  	v8 =	vand.u32 $0x7FFF, v18;
	v6 =	vand.u32 $0x7FFF, v11;
	vm5 =	veq.s32 v4, v2;
	[tilespmem:v10+s16+$0x0] =	vst.idx.add.s32.msk vm4, v1  }
0x54: {  	s20 =	sadd.s32 $0x100, s20;
	v7 =	vand.u32 $0x7FFF, v12;
	v5 =	vand.u32 $0x7FFF, v13;
	v4 =	vand.u32 $0x7FFF, v14;
	[tilespmem:v17+s16+$0x0] =	vst.idx.add.s32.msk vm8, v1  }
0x55: {  	_ =	sdelay $0x4  }
0x56: {  	v3 =	vand.u32 $0x7FFF, v3;
	[tilespmem:v8+s16+$0x0] =	vst.idx.add.s32.msk vm5, v1  }
0x57: {  	[tilespmem:v6+s16+$0x0] =	vst.idx.add.s32.msk vm0, v1  }
0x58: {  	[tilespmem:v7+s16+$0x0] =	vst.idx.add.s32.msk vm1, v1  }
0x59: {  	[tilespmem:v5+s16+$0x0] =	vst.idx.add.s32.msk vm2, v1  }
0x5a: {  	[tilespmem:v4+s16+$0x0] =	vst.idx.add.s32.msk vm3, v1;
	s19 =	simm.s32 $0x80  }
0x5b: {  	vm4 =	vmmov vm6;
	s20 =	simm.s32 $0x10;
	s22 =	sadd.s32 $0x0, s6;
	s21 =	simm.s32 $0x180;
	[tilespmem:v3+s16+$0x0] =	vst.idx.add.s32.msk vm6, v1  }
.LBB2_10:
0x5c: {  	[tilespmem:s19], [sflag:$0x1] =	stream.linear.gather [hbm4b:s22+s2], $0x80, $0x38;
	[tilespmem:$0x10080] =	vst v63  }
0x5d: {  	s22 =	smov.u32 s20;
	s19 =	smov.u32 s21;
	p0 =	sne.s32 s20, $0x7F0  }
.Ltmp4:
0x5e: {  	s20 =	sadd.s32 $0x10, s20;
	(pc) =	sbr.rel @p0 .LBB2_10-.Ltmp4, $2  }
0x5f: {  	_ =	sdelay $0x2  }
0x60: {  	s21 =	sadd.s32 $0x100, s21;
	s22 =	sadd.s32 s22, s6  }
0x61: {  	[tilespmem:s19], [sflag:$0x1] =	stream.linear.gather [hbm4b:s22+s2], $0x80, $0x38;
	[tilespmem:$0x10080] =	vst v63  }
0x62: {  	_ =	swait.ge [sflag:s17], $0x4000  }
0x63: {  	[sflag:s17] =	ssyncset.done $0x0  }
0x64: {  	s31 =	simm.s32 $0x170;
	[sflag:s17] =	ssyncadd.s32 $0xFFFFC000  }
0x65: {  	v4 =	vld [tilespmem:s31+$0x0]  }
0x66: {  	v3 =	vld [tilespmem:s31+$0xFFFFFFA0]  }
0x67: {  	v5 =	vld [tilespmem:s31+$0xFFFFFFB0]  }
0x68: {  	v7 =	vld [tilespmem:s31+$0xFFFFFFC0]  }
0x69: {  	v9 =	vld [tilespmem:s31+$0xFFFFFFD0]  }
0x6a: {  	v10 =	vld [tilespmem:s31+$0xFFFFFFE0]  }
0x6b: {  	v12 =	vld [tilespmem:s31+$0xFFFFFF90]  }
0x6c: {  	v6 =	vshrl.u32 v4, $0xF  }
0x6d: {  	v8 =	vshrl.u32 v3, $0xF;
	v11 =	vand.u32 $0x7FFF, v3;
	v13 =	vshrl.u32 v5, $0xF  }
0x6e: {  	v3 =	vld [tilespmem:s31+$0xFFFFFFF0];
	v59 =	vshrl.u32 v7, $0xF;
	v4 =	vand.u32 $0x7FFF, v4;
	v6 =	vand.u32 $0xFFFF, v6  }
0x6f: {  	v60 =	vshrl.u32 v9, $0xF;
	v8 =	vand.u32 $0xFFFF, v8;
	vm4 =	veq.s32 v6, v2  }
0x70: {  	v61 =	vshrl.u32 v10, $0xF;
	v14 =	vshrl.u32 v12, $0xF;
	vm7 =	veq.s32 v8, v2  }
0x71: {  	v7 =	vand.u32 $0x7FFF, v7;
	v63 =	vand.u32 $0xFFFF, v14;
	v6 =	vand.u32 $0xFFFF, v13  }
0x72: {  	v8 =	vand.u32 $0xFFFF, v59;
	vm5 =	veq.s32 v63, v2;
	vm0 =	veq.s32 v6, v2  }
0x73: {  	v6 =	vand.u32 $0xFFFF, v60;
	vm1 =	veq.s32 v8, v2;
	v62 =	vshrl.u32 v3, $0xF  }
0x74: {  	v8 =	vand.u32 $0xFFFF, v61;
	vm2 =	veq.s32 v6, v2;
	v6 =	vand.u32 $0xFFFF, v62  }
0x75: {  	vm3 =	veq.s32 v8, v2;
	v8 =	vand.u32 $0x7FFF, v12;
	vm6 =	veq.s32 v6, v2;
	[tilespmem:v4+s16+$0x0] =	vst.idx.add.s32.msk vm4, v1  }
0x76: {  	s19 =	simm.s32 $0x0;
	s20 =	simm.s32 $0x270;
	v6 =	vand.u32 $0x7FFF, v5;
	v5 =	vand.u32 $0x7FFF, v9;
	[tilespmem:v11+s16+$0x0] =	vst.idx.add.s32.msk vm7, v1;
	v4 =	vand.u32 $0x7FFF, v10  }
.LBB2_12:
0x77: {  	v9 =	vld [tilespmem:s20+$0x0];
	s19 =	sadd.s32 $0x8, s19;
	v10 =	vand.u32 $0x7FFF, v3;
	vm4 =	vmmov vm6  }
0x78: {  	v3 =	vld [tilespmem:s20+$0xFFFFFFA0];
	p0 =	slt.u32 s19, $0x3F8  }
0x79: {  	v11 =	vld [tilespmem:s20+$0xFFFFFFB0]  }
0x7a: {  	v12 =	vld [tilespmem:s20+$0xFFFFFFC0]  }
0x7b: {  	v13 =	vld [tilespmem:s20+$0xFFFFFFD0]  }
0x7c: {  	v14 =	vld [tilespmem:s20+$0xFFFFFFE0];
	v15 =	vshrl.u32 v9, $0xF  }
0x7d: {  	v16 =	vshrl.u32 v3, $0xF;
	v17 =	vand.u32 $0x7FFF, v3;
	v3 =	vld [tilespmem:s20+$0xFFFFFFF0];
	v15 =	vand.u32 $0xFFFF, v15  }
0x7e: {  	v18 =	vld [tilespmem:s20+$0xFFFFFF90];
	v16 =	vand.u32 $0xFFFF, v16;
	v19 =	vshrl.u32 v11, $0xF;
	vm7 =	veq.s32 v15, v2  }
0x7f: {  	v9 =	vand.u32 $0x7FFF, v9;
	v15 =	vand.u32 $0xFFFF, v19;
	v19 =	vshrl.u32 v12, $0xF;
	[tilespmem:v8+s16+$0x0] =	vst.idx.add.s32.msk vm5, v1  }
0x80: {  	vm8 =	veq.s32 v16, v2;
	v8 =	vand.u32 $0xFFFF, v19;
	v16 =	vshrl.u32 v13, $0xF;
	[tilespmem:v6+s16+$0x0] =	vst.idx.add.s32.msk vm0, v1  }
0x81: {  	vm0 =	veq.s32 v15, v2;
	v6 =	vand.u32 $0xFFFF, v16;
	v15 =	vshrl.u32 v14, $0xF;
	[tilespmem:v7+s16+$0x0] =	vst.idx.add.s32.msk vm1, v1  }
.Ltmp5:
0x82: {  	vm1 =	veq.s32 v8, v2;
	v7 =	vand.u32 $0xFFFF, v15;
	v8 =	vshrl.u32 v3, $0xF;
	[tilespmem:v5+s16+$0x0] =	vst.idx.add.s32.msk vm2, v1;
	(pc) =	sbr.rel @p0 .LBB2_12-.Ltmp5, $4  }
0x83: {  	vm2 =	veq.s32 v6, v2;
	v5 =	vshrl.u32 v18, $0xF;
	v6 =	vand.u32 $0xFFFF, v8;
	[tilespmem:v4+s16+$0x0] =	vst.idx.add.s32.msk vm3, v1  }
0x84: {  	vm3 =	veq.s32 v7, v2;
	v4 =	vand.u32 $0xFFFF, v5;
	vm6 =	veq.s32 v6, v2;
	[tilespmem:v9+s16+$0x0] =	vst.idx.add.s32.msk vm7, v1  }
0x85: {  	v8 =	vand.u32 $0x7FFF, v18;
	v6 =	vand.u32 $0x7FFF, v11;
	vm5 =	veq.s32 v4, v2;
	[tilespmem:v10+s16+$0x0] =	vst.idx.add.s32.msk vm4, v1  }
0x86: {  	s20 =	sadd.s32 $0x100, s20;
	v7 =	vand.u32 $0x7FFF, v12;
	v5 =	vand.u32 $0x7FFF, v13;
	v4 =	vand.u32 $0x7FFF, v14;
	[tilespmem:v17+s16+$0x0] =	vst.idx.add.s32.msk vm8, v1  }
0x87: {  	_ =	sdelay $0x4  }
0x88: {  	v3 =	vand.u32 $0x7FFF, v3;
	[tilespmem:v8+s16+$0x0] =	vst.idx.add.s32.msk vm5, v1  }
0x89: {  	[tilespmem:v6+s16+$0x0] =	vst.idx.add.s32.msk vm0, v1  }
0x8a: {  	[tilespmem:v7+s16+$0x0] =	vst.idx.add.s32.msk vm1, v1  }
0x8b: {  	[tilespmem:v5+s16+$0x0] =	vst.idx.add.s32.msk vm2, v1  }
0x8c: {  	[tilespmem:v4+s16+$0x0] =	vst.idx.add.s32.msk vm3, v1;
	s19 =	simm.s32 $0x100  }
0x8d: {  	vm4 =	vmmov vm6;
	s20 =	simm.s32 $0x10;
	s22 =	sadd.s32 $0x0, s7;
	s21 =	simm.s32 $0x200;
	[tilespmem:v3+s16+$0x0] =	vst.idx.add.s32.msk vm6, v1  }
.LBB2_14:
0x8e: {  	[tilespmem:s19], [sflag:$0x2] =	stream.linear.gather [hbm4b:s22+s2], $0x80, $0x38;
	[tilespmem:$0x10080] =	vst v63  }
0x8f: {  	s22 =	smov.u32 s20;
	s19 =	smov.u32 s21;
	p0 =	sne.s32 s20, $0x7F0  }
.Ltmp6:
0x90: {  	s20 =	sadd.s32 $0x10, s20;
	(pc) =	sbr.rel @p0 .LBB2_14-.Ltmp6, $2  }
0x91: {  	_ =	sdelay $0x2  }
0x92: {  	s21 =	sadd.s32 $0x100, s21;
	s22 =	sadd.s32 s22, s7  }
0x93: {  	[tilespmem:s19], [sflag:$0x2] =	stream.linear.gather [hbm4b:s22+s2], $0x80, $0x38;
	[tilespmem:$0x10080] =	vst v63  }
0x94: {  	_ =	swait.ge [sflag:s15], $0x4000  }
0x95: {  	[sflag:s15] =	ssyncset.done $0x0  }
0x96: {  	s31 =	simm.s32 $0xC0;
	[sflag:s15] =	ssyncadd.s32 $0xFFFFC000  }
0x97: {  	v4 =	vld [tilespmem:s31+$0x30]  }
0x98: {  	v3 =	vld [tilespmem:s31+$0xFFFFFFD0]  }
0x99: {  	v5 =	vld [tilespmem:s31+$0xFFFFFFE0]  }
0x9a: {  	v7 =	vld [tilespmem:s31+$0xFFFFFFF0]  }
0x9b: {  	v9 =	vld [tilespmem:s31+$0x0]  }
0x9c: {  	v10 =	vld [tilespmem:s31+$0x10]  }
0x9d: {  	v12 =	vld [tilespmem:s31+$0xFFFFFFC0]  }
0x9e: {  	v6 =	vshrl.u32 v4, $0xF  }
0x9f: {  	v8 =	vshrl.u32 v3, $0xF;
	v11 =	vand.u32 $0x7FFF, v3;
	v13 =	vshrl.u32 v5, $0xF  }
0xa0: {  	v3 =	vld [tilespmem:s31+$0x20];
	v59 =	vshrl.u32 v7, $0xF;
	v4 =	vand.u32 $0x7FFF, v4;
	v6 =	vand.u32 $0xFFFF, v6  }
0xa1: {  	v60 =	vshrl.u32 v9, $0xF;
	v8 =	vand.u32 $0xFFFF, v8;
	vm4 =	veq.s32 v6, v2  }
0xa2: {  	v61 =	vshrl.u32 v10, $0xF;
	v14 =	vshrl.u32 v12, $0xF;
	vm7 =	veq.s32 v8, v2  }
0xa3: {  	v7 =	vand.u32 $0x7FFF, v7;
	v63 =	vand.u32 $0xFFFF, v14;
	v6 =	vand.u32 $0xFFFF, v13  }
0xa4: {  	v8 =	vand.u32 $0xFFFF, v59;
	vm5 =	veq.s32 v63, v2;
	vm0 =	veq.s32 v6, v2  }
0xa5: {  	v6 =	vand.u32 $0xFFFF, v60;
	vm1 =	veq.s32 v8, v2;
	v62 =	vshrl.u32 v3, $0xF  }
0xa6: {  	v8 =	vand.u32 $0xFFFF, v61;
	vm2 =	veq.s32 v6, v2;
	v6 =	vand.u32 $0xFFFF, v62  }
0xa7: {  	vm3 =	veq.s32 v8, v2;
	v8 =	vand.u32 $0x7FFF, v12;
	vm6 =	veq.s32 v6, v2;
	[tilespmem:v4+s16+$0x0] =	vst.idx.add.s32.msk vm4, v1  }
0xa8: {  	s19 =	simm.s32 $0x0;
	s20 =	simm.s32 $0x1C0;
	v6 =	vand.u32 $0x7FFF, v5;
	v5 =	vand.u32 $0x7FFF, v9;
	[tilespmem:v11+s16+$0x0] =	vst.idx.add.s32.msk vm7, v1;
	v4 =	vand.u32 $0x7FFF, v10  }
.LBB2_16:
0xa9: {  	v9 =	vld [tilespmem:s20+$0x30];
	s19 =	sadd.s32 $0x8, s19;
	v10 =	vand.u32 $0x7FFF, v3;
	vm4 =	vmmov vm6  }
0xaa: {  	v3 =	vld [tilespmem:s20+$0xFFFFFFD0];
	p0 =	slt.u32 s19, $0x3F8  }
0xab: {  	v11 =	vld [tilespmem:s20+$0xFFFFFFE0]  }
0xac: {  	v12 =	vld [tilespmem:s20+$0xFFFFFFF0]  }
0xad: {  	v13 =	vld [tilespmem:s20+$0x0]  }
0xae: {  	v14 =	vld [tilespmem:s20+$0x10];
	v15 =	vshrl.u32 v9, $0xF  }
0xaf: {  	v16 =	vshrl.u32 v3, $0xF;
	v17 =	vand.u32 $0x7FFF, v3;
	v3 =	vld [tilespmem:s20+$0x20];
	v15 =	vand.u32 $0xFFFF, v15  }
0xb0: {  	v18 =	vld [tilespmem:s20+$0xFFFFFFC0];
	v16 =	vand.u32 $0xFFFF, v16;
	v19 =	vshrl.u32 v11, $0xF;
	vm7 =	veq.s32 v15, v2  }
0xb1: {  	v9 =	vand.u32 $0x7FFF, v9;
	v15 =	vand.u32 $0xFFFF, v19;
	v19 =	vshrl.u32 v12, $0xF;
	[tilespmem:v8+s16+$0x0] =	vst.idx.add.s32.msk vm5, v1  }
0xb2: {  	vm8 =	veq.s32 v16, v2;
	v8 =	vand.u32 $0xFFFF, v19;
	v16 =	vshrl.u32 v13, $0xF;
	[tilespmem:v6+s16+$0x0] =	vst.idx.add.s32.msk vm0, v1  }
0xb3: {  	vm0 =	veq.s32 v15, v2;
	v6 =	vand.u32 $0xFFFF, v16;
	v15 =	vshrl.u32 v14, $0xF;
	[tilespmem:v7+s16+$0x0] =	vst.idx.add.s32.msk vm1, v1  }
.Ltmp7:
0xb4: {  	vm1 =	veq.s32 v8, v2;
	v7 =	vand.u32 $0xFFFF, v15;
	v8 =	vshrl.u32 v3, $0xF;
	[tilespmem:v5+s16+$0x0] =	vst.idx.add.s32.msk vm2, v1;
	(pc) =	sbr.rel @p0 .LBB2_16-.Ltmp7, $4  }
0xb5: {  	vm2 =	veq.s32 v6, v2;
	v5 =	vshrl.u32 v18, $0xF;
	v6 =	vand.u32 $0xFFFF, v8;
	[tilespmem:v4+s16+$0x0] =	vst.idx.add.s32.msk vm3, v1  }
0xb6: {  	vm3 =	veq.s32 v7, v2;
	v4 =	vand.u32 $0xFFFF, v5;
	vm6 =	veq.s32 v6, v2;
	[tilespmem:v9+s16+$0x0] =	vst.idx.add.s32.msk vm7, v1  }
0xb7: {  	v8 =	vand.u32 $0x7FFF, v18;
	v6 =	vand.u32 $0x7FFF, v11;
	vm5 =	veq.s32 v4, v2;
	[tilespmem:v10+s16+$0x0] =	vst.idx.add.s32.msk vm4, v1  }
0xb8: {  	s20 =	sadd.s32 $0x100, s20;
	v7 =	vand.u32 $0x7FFF, v12;
	v5 =	vand.u32 $0x7FFF, v13;
	v4 =	vand.u32 $0x7FFF, v14;
	[tilespmem:v17+s16+$0x0] =	vst.idx.add.s32.msk vm8, v1  }
0xb9: {  	_ =	sdelay $0x4  }
0xba: {  	v3 =	vand.u32 $0x7FFF, v3;
	[tilespmem:v8+s16+$0x0] =	vst.idx.add.s32.msk vm5, v1  }
0xbb: {  	[tilespmem:v6+s16+$0x0] =	vst.idx.add.s32.msk vm0, v1  }
0xbc: {  	[tilespmem:v7+s16+$0x0] =	vst.idx.add.s32.msk vm1, v1  }
0xbd: {  	[tilespmem:v5+s16+$0x0] =	vst.idx.add.s32.msk vm2, v1  }
0xbe: {  	[tilespmem:v4+s16+$0x0] =	vst.idx.add.s32.msk vm3, v1;
	s19 =	simm.s32 $0x80  }
0xbf: {  	vm4 =	vmmov vm6;
	s20 =	simm.s32 $0x10;
	s22 =	sadd.s32 $0x0, s8;
	s21 =	simm.s32 $0x180;
	[tilespmem:v3+s16+$0x0] =	vst.idx.add.s32.msk vm6, v1  }
.LBB2_18:
0xc0: {  	[tilespmem:s19], [sflag:$0x1] =	stream.linear.gather [hbm4b:s22+s2], $0x80, $0x38;
	[tilespmem:$0x10080] =	vst v63  }
0xc1: {  	s22 =	smov.u32 s20;
	s19 =	smov.u32 s21;
	p0 =	sne.s32 s20, $0x7F0  }
.Ltmp8:
0xc2: {  	s20 =	sadd.s32 $0x10, s20;
	(pc) =	sbr.rel @p0 .LBB2_18-.Ltmp8, $2  }
0xc3: {  	_ =	sdelay $0x2  }
0xc4: {  	s21 =	sadd.s32 $0x100, s21;
	s22 =	sadd.s32 s22, s8  }
0xc5: {  	[tilespmem:s19], [sflag:$0x1] =	stream.linear.gather [hbm4b:s22+s2], $0x80, $0x38;
	[tilespmem:$0x10080] =	vst v63  }
0xc6: {  	_ =	swait.ge [sflag:s17], $0x4000  }
0xc7: {  	[sflag:s17] =	ssyncset.done $0x0  }
0xc8: {  	s31 =	simm.s32 $0x170;
	[sflag:s17] =	ssyncadd.s32 $0xFFFFC000  }
0xc9: {  	v4 =	vld [tilespmem:s31+$0x0]  }
0xca: {  	v3 =	vld [tilespmem:s31+$0xFFFFFFA0]  }
0xcb: {  	v5 =	vld [tilespmem:s31+$0xFFFFFFB0]  }
0xcc: {  	v7 =	vld [tilespmem:s31+$0xFFFFFFC0]  }
0xcd: {  	v9 =	vld [tilespmem:s31+$0xFFFFFFD0]  }
0xce: {  	v10 =	vld [tilespmem:s31+$0xFFFFFFE0]  }
0xcf: {  	v12 =	vld [tilespmem:s31+$0xFFFFFF90]  }
0xd0: {  	v6 =	vshrl.u32 v4, $0xF  }
0xd1: {  	v8 =	vshrl.u32 v3, $0xF;
	v11 =	vand.u32 $0x7FFF, v3;
	v13 =	vshrl.u32 v5, $0xF  }
0xd2: {  	v3 =	vld [tilespmem:s31+$0xFFFFFFF0];
	v59 =	vshrl.u32 v7, $0xF;
	v4 =	vand.u32 $0x7FFF, v4;
	v6 =	vand.u32 $0xFFFF, v6  }
0xd3: {  	v60 =	vshrl.u32 v9, $0xF;
	v8 =	vand.u32 $0xFFFF, v8;
	vm4 =	veq.s32 v6, v2  }
0xd4: {  	v61 =	vshrl.u32 v10, $0xF;
	v14 =	vshrl.u32 v12, $0xF;
	vm7 =	veq.s32 v8, v2  }
0xd5: {  	v7 =	vand.u32 $0x7FFF, v7;
	v63 =	vand.u32 $0xFFFF, v14;
	v6 =	vand.u32 $0xFFFF, v13  }
0xd6: {  	v8 =	vand.u32 $0xFFFF, v59;
	vm5 =	veq.s32 v63, v2;
	vm0 =	veq.s32 v6, v2  }
0xd7: {  	v6 =	vand.u32 $0xFFFF, v60;
	vm1 =	veq.s32 v8, v2;
	v62 =	vshrl.u32 v3, $0xF  }
0xd8: {  	v8 =	vand.u32 $0xFFFF, v61;
	vm2 =	veq.s32 v6, v2;
	v6 =	vand.u32 $0xFFFF, v62  }
0xd9: {  	vm3 =	veq.s32 v8, v2;
	v8 =	vand.u32 $0x7FFF, v12;
	vm6 =	veq.s32 v6, v2;
	[tilespmem:v4+s16+$0x0] =	vst.idx.add.s32.msk vm4, v1  }
0xda: {  	s19 =	simm.s32 $0x0;
	s20 =	simm.s32 $0x270;
	v6 =	vand.u32 $0x7FFF, v5;
	v5 =	vand.u32 $0x7FFF, v9;
	[tilespmem:v11+s16+$0x0] =	vst.idx.add.s32.msk vm7, v1;
	v4 =	vand.u32 $0x7FFF, v10  }
.LBB2_20:
0xdb: {  	v9 =	vld [tilespmem:s20+$0x0];
	s19 =	sadd.s32 $0x8, s19;
	v10 =	vand.u32 $0x7FFF, v3;
	vm4 =	vmmov vm6  }
0xdc: {  	v3 =	vld [tilespmem:s20+$0xFFFFFFA0];
	p0 =	slt.u32 s19, $0x3F8  }
0xdd: {  	v11 =	vld [tilespmem:s20+$0xFFFFFFB0]  }
0xde: {  	v12 =	vld [tilespmem:s20+$0xFFFFFFC0]  }
0xdf: {  	v13 =	vld [tilespmem:s20+$0xFFFFFFD0]  }
0xe0: {  	v14 =	vld [tilespmem:s20+$0xFFFFFFE0];
	v15 =	vshrl.u32 v9, $0xF  }
0xe1: {  	v16 =	vshrl.u32 v3, $0xF;
	v17 =	vand.u32 $0x7FFF, v3;
	v3 =	vld [tilespmem:s20+$0xFFFFFFF0];
	v15 =	vand.u32 $0xFFFF, v15  }
0xe2: {  	v18 =	vld [tilespmem:s20+$0xFFFFFF90];
	v16 =	vand.u32 $0xFFFF, v16;
	v19 =	vshrl.u32 v11, $0xF;
	vm7 =	veq.s32 v15, v2  }
0xe3: {  	v9 =	vand.u32 $0x7FFF, v9;
	v15 =	vand.u32 $0xFFFF, v19;
	v19 =	vshrl.u32 v12, $0xF;
	[tilespmem:v8+s16+$0x0] =	vst.idx.add.s32.msk vm5, v1  }
0xe4: {  	vm8 =	veq.s32 v16, v2;
	v8 =	vand.u32 $0xFFFF, v19;
	v16 =	vshrl.u32 v13, $0xF;
	[tilespmem:v6+s16+$0x0] =	vst.idx.add.s32.msk vm0, v1  }
0xe5: {  	vm0 =	veq.s32 v15, v2;
	v6 =	vand.u32 $0xFFFF, v16;
	v15 =	vshrl.u32 v14, $0xF;
	[tilespmem:v7+s16+$0x0] =	vst.idx.add.s32.msk vm1, v1  }
.Ltmp9:
0xe6: {  	vm1 =	veq.s32 v8, v2;
	v7 =	vand.u32 $0xFFFF, v15;
	v8 =	vshrl.u32 v3, $0xF;
	[tilespmem:v5+s16+$0x0] =	vst.idx.add.s32.msk vm2, v1;
	(pc) =	sbr.rel @p0 .LBB2_20-.Ltmp9, $4  }
0xe7: {  	vm2 =	veq.s32 v6, v2;
	v5 =	vshrl.u32 v18, $0xF;
	v6 =	vand.u32 $0xFFFF, v8;
	[tilespmem:v4+s16+$0x0] =	vst.idx.add.s32.msk vm3, v1  }
0xe8: {  	vm3 =	veq.s32 v7, v2;
	v4 =	vand.u32 $0xFFFF, v5;
	vm6 =	veq.s32 v6, v2;
	[tilespmem:v9+s16+$0x0] =	vst.idx.add.s32.msk vm7, v1  }
0xe9: {  	v8 =	vand.u32 $0x7FFF, v18;
	v6 =	vand.u32 $0x7FFF, v11;
	vm5 =	veq.s32 v4, v2;
	[tilespmem:v10+s16+$0x0] =	vst.idx.add.s32.msk vm4, v1  }
0xea: {  	s20 =	sadd.s32 $0x100, s20;
	v7 =	vand.u32 $0x7FFF, v12;
	v5 =	vand.u32 $0x7FFF, v13;
	v4 =	vand.u32 $0x7FFF, v14;
	[tilespmem:v17+s16+$0x0] =	vst.idx.add.s32.msk vm8, v1  }
0xeb: {  	_ =	sdelay $0x4  }
0xec: {  	v3 =	vand.u32 $0x7FFF, v3;
	[tilespmem:v8+s16+$0x0] =	vst.idx.add.s32.msk vm5, v1  }
0xed: {  	[tilespmem:v6+s16+$0x0] =	vst.idx.add.s32.msk vm0, v1  }
0xee: {  	[tilespmem:v7+s16+$0x0] =	vst.idx.add.s32.msk vm1, v1  }
0xef: {  	[tilespmem:v5+s16+$0x0] =	vst.idx.add.s32.msk vm2, v1  }
0xf0: {  	[tilespmem:v4+s16+$0x0] =	vst.idx.add.s32.msk vm3, v1;
	s19 =	simm.s32 $0x100  }
0xf1: {  	vm4 =	vmmov vm6;
	s20 =	simm.s32 $0x10;
	s22 =	sadd.s32 $0x0, s9;
	s21 =	simm.s32 $0x200;
	[tilespmem:v3+s16+$0x0] =	vst.idx.add.s32.msk vm6, v1  }
.LBB2_22:
0xf2: {  	[tilespmem:s19], [sflag:$0x2] =	stream.linear.gather [hbm4b:s22+s2], $0x80, $0x38;
	[tilespmem:$0x10080] =	vst v63  }
0xf3: {  	s22 =	smov.u32 s20;
	s19 =	smov.u32 s21;
	p0 =	sne.s32 s20, $0x7F0  }
.Ltmp10:
0xf4: {  	s20 =	sadd.s32 $0x10, s20;
	(pc) =	sbr.rel @p0 .LBB2_22-.Ltmp10, $2  }
0xf5: {  	_ =	sdelay $0x2  }
0xf6: {  	s21 =	sadd.s32 $0x100, s21;
	s22 =	sadd.s32 s22, s9  }
0xf7: {  	[tilespmem:s19], [sflag:$0x2] =	stream.linear.gather [hbm4b:s22+s2], $0x80, $0x38;
	[tilespmem:$0x10080] =	vst v63  }
0xf8: {  	_ =	swait.ge [sflag:s15], $0x4000  }
0xf9: {  	[sflag:s15] =	ssyncset.done $0x0  }
0xfa: {  	s31 =	simm.s32 $0xC0;
	[sflag:s15] =	ssyncadd.s32 $0xFFFFC000  }
0xfb: {  	v4 =	vld [tilespmem:s31+$0x30]  }
0xfc: {  	v3 =	vld [tilespmem:s31+$0xFFFFFFD0]  }
0xfd: {  	v5 =	vld [tilespmem:s31+$0xFFFFFFE0]  }
0xfe: {  	v7 =	vld [tilespmem:s31+$0xFFFFFFF0]  }
0xff: {  	v9 =	vld [tilespmem:s31+$0x0]  }
0x100: {  	v10 =	vld [tilespmem:s31+$0x10]  }
0x101: {  	v12 =	vld [tilespmem:s31+$0xFFFFFFC0]  }
0x102: {  	v6 =	vshrl.u32 v4, $0xF  }
0x103: {  	v8 =	vshrl.u32 v3, $0xF;
	v11 =	vand.u32 $0x7FFF, v3;
	v13 =	vshrl.u32 v5, $0xF  }
0x104: {  	v3 =	vld [tilespmem:s31+$0x20];
	v59 =	vshrl.u32 v7, $0xF;
	v4 =	vand.u32 $0x7FFF, v4;
	v6 =	vand.u32 $0xFFFF, v6  }
0x105: {  	v60 =	vshrl.u32 v9, $0xF;
	v8 =	vand.u32 $0xFFFF, v8;
	vm4 =	veq.s32 v6, v2  }
0x106: {  	v61 =	vshrl.u32 v10, $0xF;
	v14 =	vshrl.u32 v12, $0xF;
	vm7 =	veq.s32 v8, v2  }
0x107: {  	v7 =	vand.u32 $0x7FFF, v7;
	v63 =	vand.u32 $0xFFFF, v14;
	v6 =	vand.u32 $0xFFFF, v13  }
0x108: {  	v8 =	vand.u32 $0xFFFF, v59;
	vm5 =	veq.s32 v63, v2;
	vm0 =	veq.s32 v6, v2  }
0x109: {  	v6 =	vand.u32 $0xFFFF, v60;
	vm1 =	veq.s32 v8, v2;
	v62 =	vshrl.u32 v3, $0xF  }
0x10a: {  	v8 =	vand.u32 $0xFFFF, v61;
	vm2 =	veq.s32 v6, v2;
	v6 =	vand.u32 $0xFFFF, v62  }
0x10b: {  	vm3 =	veq.s32 v8, v2;
	v8 =	vand.u32 $0x7FFF, v12;
	vm6 =	veq.s32 v6, v2;
	[tilespmem:v4+s16+$0x0] =	vst.idx.add.s32.msk vm4, v1  }
0x10c: {  	s19 =	simm.s32 $0x0;
	s20 =	simm.s32 $0x1C0;
	v6 =	vand.u32 $0x7FFF, v5;
	v5 =	vand.u32 $0x7FFF, v9;
	[tilespmem:v11+s16+$0x0] =	vst.idx.add.s32.msk vm7, v1;
	v4 =	vand.u32 $0x7FFF, v10  }
.LBB2_24:
0x10d: {  	v9 =	vld [tilespmem:s20+$0x30];
	s19 =	sadd.s32 $0x8, s19;
	v10 =	vand.u32 $0x7FFF, v3;
	vm4 =	vmmov vm6  }
0x10e: {  	v3 =	vld [tilespmem:s20+$0xFFFFFFD0];
	p0 =	slt.u32 s19, $0x3F8  }
0x10f: {  	v11 =	vld [tilespmem:s20+$0xFFFFFFE0]  }
0x110: {  	v12 =	vld [tilespmem:s20+$0xFFFFFFF0]  }
0x111: {  	v13 =	vld [tilespmem:s20+$0x0]  }
0x112: {  	v14 =	vld [tilespmem:s20+$0x10];
	v15 =	vshrl.u32 v9, $0xF  }
0x113: {  	v16 =	vshrl.u32 v3, $0xF;
	v17 =	vand.u32 $0x7FFF, v3;
	v3 =	vld [tilespmem:s20+$0x20];
	v15 =	vand.u32 $0xFFFF, v15  }
0x114: {  	v18 =	vld [tilespmem:s20+$0xFFFFFFC0];
	v16 =	vand.u32 $0xFFFF, v16;
	v19 =	vshrl.u32 v11, $0xF;
	vm7 =	veq.s32 v15, v2  }
0x115: {  	v9 =	vand.u32 $0x7FFF, v9;
	v15 =	vand.u32 $0xFFFF, v19;
	v19 =	vshrl.u32 v12, $0xF;
	[tilespmem:v8+s16+$0x0] =	vst.idx.add.s32.msk vm5, v1  }
0x116: {  	vm8 =	veq.s32 v16, v2;
	v8 =	vand.u32 $0xFFFF, v19;
	v16 =	vshrl.u32 v13, $0xF;
	[tilespmem:v6+s16+$0x0] =	vst.idx.add.s32.msk vm0, v1  }
0x117: {  	vm0 =	veq.s32 v15, v2;
	v6 =	vand.u32 $0xFFFF, v16;
	v15 =	vshrl.u32 v14, $0xF;
	[tilespmem:v7+s16+$0x0] =	vst.idx.add.s32.msk vm1, v1  }
.Ltmp11:
0x118: {  	vm1 =	veq.s32 v8, v2;
	v7 =	vand.u32 $0xFFFF, v15;
	v8 =	vshrl.u32 v3, $0xF;
	[tilespmem:v5+s16+$0x0] =	vst.idx.add.s32.msk vm2, v1;
	(pc) =	sbr.rel @p0 .LBB2_24-.Ltmp11, $4  }
0x119: {  	vm2 =	veq.s32 v6, v2;
	v5 =	vshrl.u32 v18, $0xF;
	v6 =	vand.u32 $0xFFFF, v8;
	[tilespmem:v4+s16+$0x0] =	vst.idx.add.s32.msk vm3, v1  }
0x11a: {  	vm3 =	veq.s32 v7, v2;
	v4 =	vand.u32 $0xFFFF, v5;
	vm6 =	veq.s32 v6, v2;
	[tilespmem:v9+s16+$0x0] =	vst.idx.add.s32.msk vm7, v1  }
0x11b: {  	v8 =	vand.u32 $0x7FFF, v18;
	v6 =	vand.u32 $0x7FFF, v11;
	vm5 =	veq.s32 v4, v2;
	[tilespmem:v10+s16+$0x0] =	vst.idx.add.s32.msk vm4, v1  }
0x11c: {  	s20 =	sadd.s32 $0x100, s20;
	v7 =	vand.u32 $0x7FFF, v12;
	v5 =	vand.u32 $0x7FFF, v13;
	v4 =	vand.u32 $0x7FFF, v14;
	[tilespmem:v17+s16+$0x0] =	vst.idx.add.s32.msk vm8, v1  }
0x11d: {  	_ =	sdelay $0x4  }
0x11e: {  	v3 =	vand.u32 $0x7FFF, v3;
	[tilespmem:v8+s16+$0x0] =	vst.idx.add.s32.msk vm5, v1  }
0x11f: {  	[tilespmem:v6+s16+$0x0] =	vst.idx.add.s32.msk vm0, v1  }
0x120: {  	[tilespmem:v7+s16+$0x0] =	vst.idx.add.s32.msk vm1, v1  }
0x121: {  	[tilespmem:v5+s16+$0x0] =	vst.idx.add.s32.msk vm2, v1  }
0x122: {  	[tilespmem:v4+s16+$0x0] =	vst.idx.add.s32.msk vm3, v1;
	s19 =	simm.s32 $0x80  }
0x123: {  	vm4 =	vmmov vm6;
	s20 =	simm.s32 $0x10;
	s22 =	sadd.s32 $0x0, s10;
	s21 =	simm.s32 $0x180;
	[tilespmem:v3+s16+$0x0] =	vst.idx.add.s32.msk vm6, v1  }
.LBB2_26:
0x124: {  	[tilespmem:s19], [sflag:$0x1] =	stream.linear.gather [hbm4b:s22+s2], $0x80, $0x38;
	[tilespmem:$0x10080] =	vst v63  }
0x125: {  	s22 =	smov.u32 s20;
	s19 =	smov.u32 s21;
	p0 =	sne.s32 s20, $0x7F0  }
.Ltmp12:
0x126: {  	s20 =	sadd.s32 $0x10, s20;
	(pc) =	sbr.rel @p0 .LBB2_26-.Ltmp12, $2  }
0x127: {  	_ =	sdelay $0x2  }
0x128: {  	s21 =	sadd.s32 $0x100, s21;
	s22 =	sadd.s32 s22, s10  }
0x129: {  	[tilespmem:s19], [sflag:$0x1] =	stream.linear.gather [hbm4b:s22+s2], $0x80, $0x38;
	[tilespmem:$0x10080] =	vst v63  }
0x12a: {  	_ =	swait.ge [sflag:s17], $0x4000  }
0x12b: {  	[sflag:s17] =	ssyncset.done $0x0  }
0x12c: {  	s31 =	simm.s32 $0x170;
	[sflag:s17] =	ssyncadd.s32 $0xFFFFC000  }
0x12d: {  	v4 =	vld [tilespmem:s31+$0x0]  }
0x12e: {  	v3 =	vld [tilespmem:s31+$0xFFFFFFA0]  }
0x12f: {  	v5 =	vld [tilespmem:s31+$0xFFFFFFB0]  }
0x130: {  	v7 =	vld [tilespmem:s31+$0xFFFFFFC0]  }
0x131: {  	v9 =	vld [tilespmem:s31+$0xFFFFFFD0]  }
0x132: {  	v10 =	vld [tilespmem:s31+$0xFFFFFFE0]  }
0x133: {  	v12 =	vld [tilespmem:s31+$0xFFFFFF90]  }
0x134: {  	v6 =	vshrl.u32 v4, $0xF  }
0x135: {  	v8 =	vshrl.u32 v3, $0xF;
	v11 =	vand.u32 $0x7FFF, v3;
	v13 =	vshrl.u32 v5, $0xF  }
0x136: {  	v3 =	vld [tilespmem:s31+$0xFFFFFFF0];
	v59 =	vshrl.u32 v7, $0xF;
	v4 =	vand.u32 $0x7FFF, v4;
	v6 =	vand.u32 $0xFFFF, v6  }
0x137: {  	v60 =	vshrl.u32 v9, $0xF;
	v8 =	vand.u32 $0xFFFF, v8;
	vm4 =	veq.s32 v6, v2  }
0x138: {  	v61 =	vshrl.u32 v10, $0xF;
	v14 =	vshrl.u32 v12, $0xF;
	vm7 =	veq.s32 v8, v2  }
0x139: {  	v7 =	vand.u32 $0x7FFF, v7;
	v63 =	vand.u32 $0xFFFF, v14;
	v6 =	vand.u32 $0xFFFF, v13  }
0x13a: {  	v8 =	vand.u32 $0xFFFF, v59;
	vm5 =	veq.s32 v63, v2;
	vm0 =	veq.s32 v6, v2  }
0x13b: {  	v6 =	vand.u32 $0xFFFF, v60;
	vm1 =	veq.s32 v8, v2;
	v62 =	vshrl.u32 v3, $0xF  }
0x13c: {  	v8 =	vand.u32 $0xFFFF, v61;
	vm2 =	veq.s32 v6, v2;
	v6 =	vand.u32 $0xFFFF, v62  }
0x13d: {  	vm3 =	veq.s32 v8, v2;
	v8 =	vand.u32 $0x7FFF, v12;
	vm6 =	veq.s32 v6, v2;
	[tilespmem:v4+s16+$0x0] =	vst.idx.add.s32.msk vm4, v1  }
0x13e: {  	s19 =	simm.s32 $0x0;
	s20 =	simm.s32 $0x270;
	v6 =	vand.u32 $0x7FFF, v5;
	v5 =	vand.u32 $0x7FFF, v9;
	[tilespmem:v11+s16+$0x0] =	vst.idx.add.s32.msk vm7, v1;
	v4 =	vand.u32 $0x7FFF, v10  }
.LBB2_28:
0x13f: {  	v9 =	vld [tilespmem:s20+$0x0];
	s19 =	sadd.s32 $0x8, s19;
	v10 =	vand.u32 $0x7FFF, v3;
	vm4 =	vmmov vm6  }
0x140: {  	v3 =	vld [tilespmem:s20+$0xFFFFFFA0];
	p0 =	slt.u32 s19, $0x3F8  }
0x141: {  	v11 =	vld [tilespmem:s20+$0xFFFFFFB0]  }
0x142: {  	v12 =	vld [tilespmem:s20+$0xFFFFFFC0]  }
0x143: {  	v13 =	vld [tilespmem:s20+$0xFFFFFFD0]  }
0x144: {  	v14 =	vld [tilespmem:s20+$0xFFFFFFE0];
	v15 =	vshrl.u32 v9, $0xF  }
0x145: {  	v16 =	vshrl.u32 v3, $0xF;
	v17 =	vand.u32 $0x7FFF, v3;
	v3 =	vld [tilespmem:s20+$0xFFFFFFF0];
	v15 =	vand.u32 $0xFFFF, v15  }
0x146: {  	v18 =	vld [tilespmem:s20+$0xFFFFFF90];
	v16 =	vand.u32 $0xFFFF, v16;
	v19 =	vshrl.u32 v11, $0xF;
	vm7 =	veq.s32 v15, v2  }
0x147: {  	v9 =	vand.u32 $0x7FFF, v9;
	v15 =	vand.u32 $0xFFFF, v19;
	v19 =	vshrl.u32 v12, $0xF;
	[tilespmem:v8+s16+$0x0] =	vst.idx.add.s32.msk vm5, v1  }
0x148: {  	vm8 =	veq.s32 v16, v2;
	v8 =	vand.u32 $0xFFFF, v19;
	v16 =	vshrl.u32 v13, $0xF;
	[tilespmem:v6+s16+$0x0] =	vst.idx.add.s32.msk vm0, v1  }
0x149: {  	vm0 =	veq.s32 v15, v2;
	v6 =	vand.u32 $0xFFFF, v16;
	v15 =	vshrl.u32 v14, $0xF;
	[tilespmem:v7+s16+$0x0] =	vst.idx.add.s32.msk vm1, v1  }
.Ltmp13:
0x14a: {  	vm1 =	veq.s32 v8, v2;
	v7 =	vand.u32 $0xFFFF, v15;
	v8 =	vshrl.u32 v3, $0xF;
	[tilespmem:v5+s16+$0x0] =	vst.idx.add.s32.msk vm2, v1;
	(pc) =	sbr.rel @p0 .LBB2_28-.Ltmp13, $4  }
0x14b: {  	vm2 =	veq.s32 v6, v2;
	v5 =	vshrl.u32 v18, $0xF;
	v6 =	vand.u32 $0xFFFF, v8;
	[tilespmem:v4+s16+$0x0] =	vst.idx.add.s32.msk vm3, v1  }
0x14c: {  	vm3 =	veq.s32 v7, v2;
	v4 =	vand.u32 $0xFFFF, v5;
	vm6 =	veq.s32 v6, v2;
	[tilespmem:v9+s16+$0x0] =	vst.idx.add.s32.msk vm7, v1  }
0x14d: {  	v8 =	vand.u32 $0x7FFF, v18;
	v6 =	vand.u32 $0x7FFF, v11;
	vm5 =	veq.s32 v4, v2;
	[tilespmem:v10+s16+$0x0] =	vst.idx.add.s32.msk vm4, v1  }
0x14e: {  	s20 =	sadd.s32 $0x100, s20;
	v7 =	vand.u32 $0x7FFF, v12;
	v5 =	vand.u32 $0x7FFF, v13;
	v4 =	vand.u32 $0x7FFF, v14;
	[tilespmem:v17+s16+$0x0] =	vst.idx.add.s32.msk vm8, v1  }
0x14f: {  	_ =	sdelay $0x4  }
0x150: {  	v3 =	vand.u32 $0x7FFF, v3;
	[tilespmem:v8+s16+$0x0] =	vst.idx.add.s32.msk vm5, v1  }
0x151: {  	[tilespmem:v6+s16+$0x0] =	vst.idx.add.s32.msk vm0, v1  }
0x152: {  	[tilespmem:v7+s16+$0x0] =	vst.idx.add.s32.msk vm1, v1  }
0x153: {  	[tilespmem:v5+s16+$0x0] =	vst.idx.add.s32.msk vm2, v1  }
0x154: {  	[tilespmem:v4+s16+$0x0] =	vst.idx.add.s32.msk vm3, v1;
	s19 =	simm.s32 $0x100  }
0x155: {  	vm4 =	vmmov vm6;
	s20 =	simm.s32 $0x10;
	s22 =	sadd.s32 $0x0, s11;
	s21 =	simm.s32 $0x200;
	[tilespmem:v3+s16+$0x0] =	vst.idx.add.s32.msk vm6, v1  }
.LBB2_30:
0x156: {  	[tilespmem:s19], [sflag:$0x2] =	stream.linear.gather [hbm4b:s22+s2], $0x80, $0x38;
	[tilespmem:$0x10080] =	vst v63  }
0x157: {  	s22 =	smov.u32 s20;
	s19 =	smov.u32 s21;
	p0 =	sne.s32 s20, $0x7F0  }
.Ltmp14:
0x158: {  	s20 =	sadd.s32 $0x10, s20;
	(pc) =	sbr.rel @p0 .LBB2_30-.Ltmp14, $2  }
0x159: {  	_ =	sdelay $0x2  }
0x15a: {  	s21 =	sadd.s32 $0x100, s21;
	s22 =	sadd.s32 s22, s11  }
0x15b: {  	[tilespmem:s19], [sflag:$0x2] =	stream.linear.gather [hbm4b:s22+s2], $0x80, $0x38;
	[tilespmem:$0x10080] =	vst v63  }
0x15c: {  	_ =	swait.ge [sflag:s15], $0x4000  }
0x15d: {  	[sflag:s15] =	ssyncset.done $0x0  }
0x15e: {  	s31 =	simm.s32 $0xC0;
	[sflag:s15] =	ssyncadd.s32 $0xFFFFC000  }
0x15f: {  	v4 =	vld [tilespmem:s31+$0x30]  }
0x160: {  	v3 =	vld [tilespmem:s31+$0xFFFFFFD0]  }
0x161: {  	v5 =	vld [tilespmem:s31+$0xFFFFFFE0]  }
0x162: {  	v7 =	vld [tilespmem:s31+$0xFFFFFFF0]  }
0x163: {  	v9 =	vld [tilespmem:s31+$0x0]  }
0x164: {  	v10 =	vld [tilespmem:s31+$0x10]  }
0x165: {  	v12 =	vld [tilespmem:s31+$0xFFFFFFC0]  }
0x166: {  	v6 =	vshrl.u32 v4, $0xF  }
0x167: {  	v8 =	vshrl.u32 v3, $0xF;
	v11 =	vand.u32 $0x7FFF, v3;
	v13 =	vshrl.u32 v5, $0xF  }
0x168: {  	v3 =	vld [tilespmem:s31+$0x20];
	v59 =	vshrl.u32 v7, $0xF;
	v4 =	vand.u32 $0x7FFF, v4;
	v6 =	vand.u32 $0xFFFF, v6  }
0x169: {  	v60 =	vshrl.u32 v9, $0xF;
	v8 =	vand.u32 $0xFFFF, v8;
	vm4 =	veq.s32 v6, v2  }
0x16a: {  	v61 =	vshrl.u32 v10, $0xF;
	v14 =	vshrl.u32 v12, $0xF;
	vm7 =	veq.s32 v8, v2  }
0x16b: {  	v7 =	vand.u32 $0x7FFF, v7;
	v63 =	vand.u32 $0xFFFF, v14;
	v6 =	vand.u32 $0xFFFF, v13  }
0x16c: {  	v8 =	vand.u32 $0xFFFF, v59;
	vm5 =	veq.s32 v63, v2;
	vm0 =	veq.s32 v6, v2  }
0x16d: {  	v6 =	vand.u32 $0xFFFF, v60;
	vm1 =	veq.s32 v8, v2;
	v62 =	vshrl.u32 v3, $0xF  }
0x16e: {  	v8 =	vand.u32 $0xFFFF, v61;
	vm2 =	veq.s32 v6, v2;
	v6 =	vand.u32 $0xFFFF, v62  }
0x16f: {  	vm3 =	veq.s32 v8, v2;
	v8 =	vand.u32 $0x7FFF, v12;
	vm6 =	veq.s32 v6, v2;
	[tilespmem:v4+s16+$0x0] =	vst.idx.add.s32.msk vm4, v1  }
0x170: {  	s19 =	simm.s32 $0x0;
	s20 =	simm.s32 $0x1C0;
	v6 =	vand.u32 $0x7FFF, v5;
	v5 =	vand.u32 $0x7FFF, v9;
	[tilespmem:v11+s16+$0x0] =	vst.idx.add.s32.msk vm7, v1;
	v4 =	vand.u32 $0x7FFF, v10  }
.LBB2_32:
0x171: {  	v9 =	vld [tilespmem:s20+$0x30];
	s19 =	sadd.s32 $0x8, s19;
	v10 =	vand.u32 $0x7FFF, v3;
	vm4 =	vmmov vm6  }
0x172: {  	v3 =	vld [tilespmem:s20+$0xFFFFFFD0];
	p0 =	slt.u32 s19, $0x3F8  }
0x173: {  	v11 =	vld [tilespmem:s20+$0xFFFFFFE0]  }
0x174: {  	v12 =	vld [tilespmem:s20+$0xFFFFFFF0]  }
0x175: {  	v13 =	vld [tilespmem:s20+$0x0]  }
0x176: {  	v14 =	vld [tilespmem:s20+$0x10];
	v15 =	vshrl.u32 v9, $0xF  }
0x177: {  	v16 =	vshrl.u32 v3, $0xF;
	v17 =	vand.u32 $0x7FFF, v3;
	v3 =	vld [tilespmem:s20+$0x20];
	v15 =	vand.u32 $0xFFFF, v15  }
0x178: {  	v18 =	vld [tilespmem:s20+$0xFFFFFFC0];
	v16 =	vand.u32 $0xFFFF, v16;
	v19 =	vshrl.u32 v11, $0xF;
	vm7 =	veq.s32 v15, v2  }
0x179: {  	v9 =	vand.u32 $0x7FFF, v9;
	v15 =	vand.u32 $0xFFFF, v19;
	v19 =	vshrl.u32 v12, $0xF;
	[tilespmem:v8+s16+$0x0] =	vst.idx.add.s32.msk vm5, v1  }
0x17a: {  	vm8 =	veq.s32 v16, v2;
	v8 =	vand.u32 $0xFFFF, v19;
	v16 =	vshrl.u32 v13, $0xF;
	[tilespmem:v6+s16+$0x0] =	vst.idx.add.s32.msk vm0, v1  }
0x17b: {  	vm0 =	veq.s32 v15, v2;
	v6 =	vand.u32 $0xFFFF, v16;
	v15 =	vshrl.u32 v14, $0xF;
	[tilespmem:v7+s16+$0x0] =	vst.idx.add.s32.msk vm1, v1  }
.Ltmp15:
0x17c: {  	vm1 =	veq.s32 v8, v2;
	v7 =	vand.u32 $0xFFFF, v15;
	v8 =	vshrl.u32 v3, $0xF;
	[tilespmem:v5+s16+$0x0] =	vst.idx.add.s32.msk vm2, v1;
	(pc) =	sbr.rel @p0 .LBB2_32-.Ltmp15, $4  }
0x17d: {  	vm2 =	veq.s32 v6, v2;
	v5 =	vshrl.u32 v18, $0xF;
	v6 =	vand.u32 $0xFFFF, v8;
	[tilespmem:v4+s16+$0x0] =	vst.idx.add.s32.msk vm3, v1  }
0x17e: {  	vm3 =	veq.s32 v7, v2;
	v4 =	vand.u32 $0xFFFF, v5;
	vm6 =	veq.s32 v6, v2;
	[tilespmem:v9+s16+$0x0] =	vst.idx.add.s32.msk vm7, v1  }
0x17f: {  	v8 =	vand.u32 $0x7FFF, v18;
	v6 =	vand.u32 $0x7FFF, v11;
	vm5 =	veq.s32 v4, v2;
	[tilespmem:v10+s16+$0x0] =	vst.idx.add.s32.msk vm4, v1  }
0x180: {  	s20 =	sadd.s32 $0x100, s20;
	v7 =	vand.u32 $0x7FFF, v12;
	v5 =	vand.u32 $0x7FFF, v13;
	v4 =	vand.u32 $0x7FFF, v14;
	[tilespmem:v17+s16+$0x0] =	vst.idx.add.s32.msk vm8, v1  }
0x181: {  	_ =	sdelay $0x4  }
0x182: {  	v3 =	vand.u32 $0x7FFF, v3;
	[tilespmem:v8+s16+$0x0] =	vst.idx.add.s32.msk vm5, v1  }
0x183: {  	[tilespmem:v6+s16+$0x0] =	vst.idx.add.s32.msk vm0, v1  }
0x184: {  	[tilespmem:v7+s16+$0x0] =	vst.idx.add.s32.msk vm1, v1  }
0x185: {  	[tilespmem:v5+s16+$0x0] =	vst.idx.add.s32.msk vm2, v1  }
0x186: {  	[tilespmem:v4+s16+$0x0] =	vst.idx.add.s32.msk vm3, v1  }
0x187: {  	[tilespmem:v3+s16+$0x0] =	vst.idx.add.s32.msk vm6, v1  }
0x188: {  	_ =	swait.ge [sflag:s17], $0x4000  }
0x189: {  	[sflag:s17] =	ssyncset.done $0x0  }
0x18a: {  	s19 =	simm.s32 $0x170;
	[sflag:s17] =	ssyncadd.s32 $0xFFFFC000  }
0x18b: {  	v4 =	vld [tilespmem:s19+$0x0]  }
0x18c: {  	v3 =	vld [tilespmem:s19+$0xFFFFFFA0]  }
0x18d: {  	v5 =	vld [tilespmem:s19+$0xFFFFFFB0]  }
0x18e: {  	v7 =	vld [tilespmem:s19+$0xFFFFFFC0]  }
0x18f: {  	v9 =	vld [tilespmem:s19+$0xFFFFFFD0]  }
0x190: {  	v10 =	vld [tilespmem:s19+$0xFFFFFFE0]  }
0x191: {  	v12 =	vld [tilespmem:s19+$0xFFFFFF90]  }
0x192: {  	vm4 =	vmmov vm6;
	v6 =	vshrl.u32 v4, $0xF  }
0x193: {  	v8 =	vshrl.u32 v3, $0xF;
	v11 =	vand.u32 $0x7FFF, v3;
	v13 =	vshrl.u32 v5, $0xF  }
0x194: {  	v3 =	vld [tilespmem:s19+$0xFFFFFFF0];
	v59 =	vshrl.u32 v7, $0xF;
	v4 =	vand.u32 $0x7FFF, v4;
	v6 =	vand.u32 $0xFFFF, v6  }
0x195: {  	v60 =	vshrl.u32 v9, $0xF;
	v8 =	vand.u32 $0xFFFF, v8;
	vm4 =	veq.s32 v6, v2  }
0x196: {  	v61 =	vshrl.u32 v10, $0xF;
	v14 =	vshrl.u32 v12, $0xF;
	vm7 =	veq.s32 v8, v2  }
0x197: {  	v7 =	vand.u32 $0x7FFF, v7;
	v63 =	vand.u32 $0xFFFF, v14;
	v6 =	vand.u32 $0xFFFF, v13  }
0x198: {  	v8 =	vand.u32 $0xFFFF, v59;
	vm5 =	veq.s32 v63, v2;
	vm0 =	veq.s32 v6, v2  }
0x199: {  	v6 =	vand.u32 $0xFFFF, v60;
	vm1 =	veq.s32 v8, v2;
	v62 =	vshrl.u32 v3, $0xF  }
0x19a: {  	v8 =	vand.u32 $0xFFFF, v61;
	vm2 =	veq.s32 v6, v2;
	v6 =	vand.u32 $0xFFFF, v62  }
0x19b: {  	vm3 =	veq.s32 v8, v2;
	v8 =	vand.u32 $0x7FFF, v12;
	vm6 =	veq.s32 v6, v2;
	[tilespmem:v4+s16+$0x0] =	vst.idx.add.s32.msk vm4, v1  }
0x19c: {  	s20 =	simm.s32 $0x270;
	s19 =	simm.s32 $0x0;
	v6 =	vand.u32 $0x7FFF, v5;
	v5 =	vand.u32 $0x7FFF, v9;
	[tilespmem:v11+s16+$0x0] =	vst.idx.add.s32.msk vm7, v1;
	v4 =	vand.u32 $0x7FFF, v10  }
.LBB2_34:
0x19d: {  	v9 =	vld [tilespmem:s20+$0x0];
	s19 =	sadd.s32 $0x8, s19;
	v10 =	vand.u32 $0x7FFF, v3;
	vm4 =	vmmov vm6  }
0x19e: {  	v3 =	vld [tilespmem:s20+$0xFFFFFFA0];
	p0 =	slt.u32 s19, $0x3F8  }
0x19f: {  	v11 =	vld [tilespmem:s20+$0xFFFFFFB0]  }
0x1a0: {  	v12 =	vld [tilespmem:s20+$0xFFFFFFC0]  }
0x1a1: {  	v13 =	vld [tilespmem:s20+$0xFFFFFFD0]  }
0x1a2: {  	v14 =	vld [tilespmem:s20+$0xFFFFFFE0];
	v15 =	vshrl.u32 v9, $0xF  }
0x1a3: {  	v16 =	vshrl.u32 v3, $0xF;
	v17 =	vand.u32 $0x7FFF, v3;
	v3 =	vld [tilespmem:s20+$0xFFFFFFF0];
	v15 =	vand.u32 $0xFFFF, v15  }
0x1a4: {  	v18 =	vld [tilespmem:s20+$0xFFFFFF90];
	v16 =	vand.u32 $0xFFFF, v16;
	v19 =	vshrl.u32 v11, $0xF;
	vm7 =	veq.s32 v15, v2  }
0x1a5: {  	v9 =	vand.u32 $0x7FFF, v9;
	v15 =	vand.u32 $0xFFFF, v19;
	v19 =	vshrl.u32 v12, $0xF;
	[tilespmem:v8+s16+$0x0] =	vst.idx.add.s32.msk vm5, v1  }
0x1a6: {  	vm8 =	veq.s32 v16, v2;
	v8 =	vand.u32 $0xFFFF, v19;
	v16 =	vshrl.u32 v13, $0xF;
	[tilespmem:v6+s16+$0x0] =	vst.idx.add.s32.msk vm0, v1  }
0x1a7: {  	vm0 =	veq.s32 v15, v2;
	v6 =	vand.u32 $0xFFFF, v16;
	v15 =	vshrl.u32 v14, $0xF;
	[tilespmem:v7+s16+$0x0] =	vst.idx.add.s32.msk vm1, v1  }
.Ltmp16:
0x1a8: {  	vm1 =	veq.s32 v8, v2;
	v7 =	vand.u32 $0xFFFF, v15;
	v8 =	vshrl.u32 v3, $0xF;
	[tilespmem:v5+s16+$0x0] =	vst.idx.add.s32.msk vm2, v1;
	(pc) =	sbr.rel @p0 .LBB2_34-.Ltmp16, $4  }
0x1a9: {  	vm2 =	veq.s32 v6, v2;
	v5 =	vshrl.u32 v18, $0xF;
	v6 =	vand.u32 $0xFFFF, v8;
	[tilespmem:v4+s16+$0x0] =	vst.idx.add.s32.msk vm3, v1  }
0x1aa: {  	vm3 =	veq.s32 v7, v2;
	v4 =	vand.u32 $0xFFFF, v5;
	vm6 =	veq.s32 v6, v2;
	[tilespmem:v9+s16+$0x0] =	vst.idx.add.s32.msk vm7, v1  }
0x1ab: {  	v8 =	vand.u32 $0x7FFF, v18;
	v6 =	vand.u32 $0x7FFF, v11;
	vm5 =	veq.s32 v4, v2;
	[tilespmem:v10+s16+$0x0] =	vst.idx.add.s32.msk vm4, v1  }
0x1ac: {  	s20 =	sadd.s32 $0x100, s20;
	v7 =	vand.u32 $0x7FFF, v12;
	v5 =	vand.u32 $0x7FFF, v13;
	v4 =	vand.u32 $0x7FFF, v14;
	[tilespmem:v17+s16+$0x0] =	vst.idx.add.s32.msk vm8, v1  }
0x1ad: {  	_ =	sdelay $0x4  }
0x1ae: {  	v2 =	vand.u32 $0x7FFF, v3;
	[tilespmem:v8+s16+$0x0] =	vst.idx.add.s32.msk vm5, v1  }
0x1af: {  	[tilespmem:v6+s16+$0x0] =	vst.idx.add.s32.msk vm0, v1  }
0x1b0: {  	[tilespmem:v7+s16+$0x0] =	vst.idx.add.s32.msk vm1, v1  }
0x1b1: {  	[tilespmem:v5+s16+$0x0] =	vst.idx.add.s32.msk vm2, v1;
	s18 =	sadd.s32 $0x1, s18  }
0x1b2: {  	[tilespmem:v4+s16+$0x0] =	vst.idx.add.s32.msk vm3, v1;
	p0 =	sne.s32 s18, s13  }
.Ltmp17:
0x1b3: {  	[tilespmem:v2+s16+$0x0] =	vst.idx.add.s32.msk vm6, v1;
	(pc) =	sbr.rel @p0 .LBB2_1-.Ltmp17, $4  }
0x1b4: {  	[hbm4b:s12+s2] =	stream.linear.scatter [tilespmem:s16], [sflag:$0x3], $0x8000, $0x38;
	[tilespmem:$0x10080] =	vst v63  }
0x1b5: {  	_ =	swait.ge [sflag:s14], $0x8000  }
0x1b6: {  	[sflag:s14] =	ssyncset.done $0x0  }
0x1b7: {  	vm4 =	vmmov vm6;
	[sflag:s14] =	ssyncadd.s32 $0xFFFF8000  }
0x1b8: {  	_ =	sfence.sel $0x180000  }
0x1b9: {  	[bflag:$0x0] =	sbarrier.arrive $0xFFFF  }
0x1ba: {  	p0 =	sne.s32 s1, $0x0;
	_ =	strace $0x9000004A  }
0x1bb: {  	s0 =	sadd.s32 @!p0 $0x100000, s0;
	[bflag:$0x2] =	sbarrier.arrive $0xFFFF  }
0x1bc: {  	[sflag:s0] =	ssyncadd.tile.s32 @!p0 $0x1;
	_ =	shalt  }
.Lfunc_end2:
_tile_overlayer_lowered:
.L_overlay_start_2:
0x1bd: {  	(tag) =	ssettag $0x2  }
0x1be: {  	s0 =	rddreg [dreg:$0x0];
	s2 =	stileid.u32  }
0x1bf: {  	s1 =	rddreg [dreg:$0x1];
	p0 =	sne.s32 s2, $0x0  }
0x1c0: {  	s3 =	rddreg [dreg:$0x2];
	[bflag:$0x3] =	sbarrier.arrive $0xFFFF;
	s2 =	simm.s32 @!p0 $0x1C03  }
0x1c1: {  	[timem:s3], [sflag:s2] =	dma.local @!p0 [hbm:s0], s1  }
0x1c2: {  	s0 =	simm.s32 @!p0 $0x3  }
0x1c3: {  	_ =	swait.ge @!p0 [sflag:s0], s1  }
0x1c4: {  	s1 =	ssub.s32 @!p0 $0x0, s1;
	[sflag:s0] =	ssyncset.done @!p0 $0x0  }
0x1c5: {  	[sflag:s0] =	ssyncadd.s32 @!p0 s1  }
0x1c6: {  	[bflag:$0x3] =	sbarrier.arrive $0xFFFF  }
0x1c7: {  	_ =	shalt  }

// kernel: kernel.7.cloned.1.call-start
scs
__scs_entry_jumppad:
0x0: {  	(pc) =	sbr.rel $0x88, $3  }
0x1: {  	(tag) =	ssettag $0x0;
	lr =	simm.s32 $0x1  }
0x2: {  	[smem:$0x3FA0] =	sst lr;
	_ =	strace $0xD0000000  }
0x3: {  	_ = 	snop  }
0x4: {  	_ = 	snop  }
0x5: {  	_ = 	snop  }
0x6: {  	_ = 	snop  }
0x7: {  	_ = 	snop  }
__scs_overlays_trampoline_lowered:
0x8: {  	[smem:$0x3FAF] =	sst s0  }
0x9: {  	[smem:$0x3FB0] =	sst s1  }
0xa: {  	[smem:$0x3FB1] =	sst s2  }
0xb: {  	[smem:$0x3FB2] =	sst s3  }
0xc: {  	[smem:$0x3FB3] =	sst s4  }
0xd: {  	[smem:$0x3FB4] =	sst s5  }
0xe: {  	[smem:$0x3FB5] =	sst s6  }
0xf: {  	[smem:$0x3FB6] =	sst s7  }
0x10: {  	[smem:$0x3FB7] =	sst s8  }
0x11: {  	[smem:$0x3FB8] =	sst s9;
	s0 =	simm.s32 @!p0 $0x0  }
0x12: {  	s1 =	sld [smem:$0x3F9E];
	s0 =	simm.s32 @p0 $0x1  }
0x13: {  	[smem:$0x3FB9] =	sst s0;
	s0 =	simm.s32 @!p1 $0x0  }
0x14: {  	s2 =	sld [smem:$0x3F9D];
	s0 =	simm.s32 @p1 $0x1  }
0x15: {  	[smem:$0x3FBA] =	sst s0;
	s0 =	simm.s32 @!p2 $0x0  }
0x16: {  	s3 =	sld [smem:$0x3FDB];
	s0 =	simm.s32 @p2 $0x1  }
0x17: {  	s4 =	simm.s32 $0x1BF5;
	[smem:$0x3FBC] =	sst s0  }
0x18: {  	s0 =	sld [smem:$0x3F9F];
	_ =	swait.ge [sflag:s4], $0x0  }
0x19: {  	s7 =	sld [smem:$0x3FA0]  }
0x1a: {  	s8 =	sadd.s32 $0xFFFFE003, lr  }
0x1b: {  	s9 =	sadd.s32 $0xFFFFFEF7, lr;
	s5 =	simm.s32 $0xFFFFFFFF;
	p2 =	slt.u32 s8, $0xFFFFF086  }
0x1c: {  	p1 =	slt.u32 s9, $0xF7A;
	s5 =	simm.s32 @!p2 $0x0  }
0x1d: {  	s5 =	simm.s32 @p1 $0x1;
	p0 =	seq.s32 s7, s2  }
0x1e: {  	s7 =	smul.u32 @!p0 $0xF7A, s2;
	p2 =	seq.s32 @!p0 s5, $0x0  }
0x1f: {  	s9 =	smul.u32 $0xF7A, s1;
	s8 =	simm.s32 @!p0 $0x1BF5;
	p2 =	por !p2, p0  }
0x20: {  	[sflag:s8] =	ssyncset.s32 @!p0 $0xFFFFF086;
	s6 =	sadd.s32 @!p0 s3, s7;
	s7 =	simm.s32 @!p0 $0x108  }
0x21: {  	s3 =	sadd.s32 s3, s9;
	s6 =	sadd.s32 @!p0 $0x88, s6;
	s7 =	simm.s32 @p2 $0x1082  }
0x22: {  	[simem:s7], [sflag:s8] =	dma.local @!p0 [hbm:s6], $0xF7A  }
0x23: {  	s9 =	sor.u32 $0xD0000000, s2;
	s6 =	simm.s32 $0x108;
	_ =	swait.ge @!p0 [sflag:s8], $0x0  }
0x24: {  	s3 =	sadd.s32 $0x88, s3;
	s6 =	simm.s32 @!p1 $0x1082;
	[sflag:s4] =	ssyncset.s32 $0xFFFFF086  }
0x25: {  	[simem:s6], [sflag:s4] =	dma.local [hbm:s3], $0xF7A  }
0x26: {  	[smem:$0x3FA0] =	sst s1;
	(tag) =	ssettag s2;
	_ =	strace s9  }
0x27: {  	s1 =	sld [smem:$0x3FB0]  }
0x28: {  	s2 =	sld [smem:$0x3FB1]  }
0x29: {  	s4 =	sld [smem:$0x3FB3]  }
0x2a: {  	p0 =	seq.s32 s5, $0x0;
	s5 =	sld [smem:$0x3FB4]  }
0x2b: {  	s6 =	sld [smem:$0x3FB5]  }
0x2c: {  	s7 =	sld [smem:$0x3FB6]  }
0x2d: {  	s3 =	simm.s32 $0x108;
	s8 =	sld [smem:$0x3FB7]  }
0x2e: {  	s3 =	simm.s32 @!p0 $0x1082;
	s9 =	sld [smem:$0x3FB8]  }
0x2f: {  	lr =	sadd.s32 s0, s3;
	s0 =	sld [smem:$0x3FAF]  }
0x30: {  	s3 =	sld [smem:$0x3FB2]  }
0x31: {  	[smem:$0x3FBB] =	sst s10  }
0x32: {  	s10 =	sld [smem:$0x3FB9];
	_ =	sdelay $0x3  }
0x33: {  	p0 =	seq.s32 s10, $0x1;
	s10 =	sld [smem:$0x3FBB];
	_ =	sdelay $0x3  }
0x34: {  	[smem:$0x3FBB] =	sst s10  }
0x35: {  	s10 =	sld [smem:$0x3FBA];
	_ =	sdelay $0x3  }
0x36: {  	p1 =	seq.s32 s10, $0x1;
	s10 =	sld [smem:$0x3FBB];
	_ =	sdelay $0x3  }
0x37: {  	[smem:$0x3FBB] =	sst s10  }
0x38: {  	s10 =	sld [smem:$0x3FBC]  }
0x39: {  	_ = 	snop;
	(pc) =	sbr.ind lr, $3  }
0x3a: {  	_ = 	snop  }
0x3b: {  	_ = 	snop  }
0x3c: {  	p2 =	seq.s32 s10, $0x1;
	s10 =	sld [smem:$0x3FBB]  }
0x3d: {  	_ =	shalt  }
0x3e: {  	_ =	shalt  }
0x3f: {  	_ =	shalt  }
0x40: {  	_ =	shalt  }
0x41: {  	_ =	shalt  }
0x42: {  	_ =	shalt  }
0x43: {  	_ =	shalt  }
0x44: {  	_ =	shalt  }
0x45: {  	_ =	shalt  }
0x46: {  	_ =	shalt  }
0x47: {  	_ =	shalt  }
0x48: {  	_ =	shalt  }
0x49: {  	_ =	shalt  }
0x4a: {  	_ =	shalt  }
0x4b: {  	_ =	shalt  }
0x4c: {  	_ =	shalt  }
0x4d: {  	_ =	shalt  }
0x4e: {  	_ =	shalt  }
0x4f: {  	_ =	shalt  }
0x50: {  	_ =	shalt  }
0x51: {  	_ =	shalt  }
0x52: {  	_ =	shalt  }
0x53: {  	_ =	shalt  }
0x54: {  	_ =	shalt  }
0x55: {  	_ =	shalt  }
0x56: {  	_ =	shalt  }
0x57: {  	_ =	shalt  }
0x58: {  	_ =	shalt  }
0x59: {  	_ =	shalt  }
0x5a: {  	_ =	shalt  }
0x5b: {  	_ =	shalt  }
0x5c: {  	_ =	shalt  }
0x5d: {  	_ =	shalt  }
0x5e: {  	_ =	shalt  }
0x5f: {  	_ =	shalt  }
0x60: {  	_ =	shalt  }
0x61: {  	_ =	shalt  }
0x62: {  	_ =	shalt  }
0x63: {  	_ =	shalt  }
0x64: {  	_ =	shalt  }
0x65: {  	_ =	shalt  }
0x66: {  	_ =	shalt  }
0x67: {  	_ =	shalt  }
0x68: {  	_ =	shalt  }
0x69: {  	_ =	shalt  }
0x6a: {  	_ =	shalt  }
0x6b: {  	_ =	shalt  }
0x6c: {  	_ =	shalt  }
0x6d: {  	_ =	shalt  }
0x6e: {  	_ =	shalt  }
0x6f: {  	_ =	shalt  }
0x70: {  	_ =	shalt  }
0x71: {  	_ =	shalt  }
0x72: {  	_ =	shalt  }
0x73: {  	_ =	shalt  }
0x74: {  	_ =	shalt  }
0x75: {  	_ =	shalt  }
0x76: {  	_ =	shalt  }
0x77: {  	_ =	shalt  }
0x78: {  	_ =	shalt  }
0x79: {  	_ =	shalt  }
0x7a: {  	_ =	shalt  }
0x7b: {  	_ =	shalt  }
0x7c: {  	_ =	shalt  }
0x7d: {  	_ =	shalt  }
0x7e: {  	_ =	shalt  }
0x7f: {  	_ =	shalt  }
0x80: {  	_ =	shalt  }
0x81: {  	_ =	shalt  }
0x82: {  	_ =	shalt  }
0x83: {  	_ =	shalt  }
0x84: {  	_ =	shalt  }
0x85: {  	_ =	shalt  }
0x86: {  	_ =	shalt  }
0x87: {  	_ =	shalt  }
.Lfunc_end0:
.L_simem_size_0:
called_computation_lowered:
.L_overlay_start_0:
0x88: {  	s2 =	sld [smem:$0x3FD9]  }
0x89: {  	s3 =	sld [smem:$0x3FFE];
	_ =	sdelay $0x1  }
0x8a: {  	s1 =	srdreg.scid  }
0x8b: {  	s0 =	sand.u32 $0x1, s1  }
0x8c: {  	s17 =	sshll.u32 s0, $0xA;
	s2 =	sadd.s32 s3, s2  }
0x8d: {  	s2 =	sadd.s32 s2, s17  }
0x8e: {  	[smem:$0x3FC7] =	sst s2  }
0x8f: {  	_ = 	snop  }
0x90: {  	s2 =	sld [smem:$0x3FD0];
	(tm) =	ssettm $0x1  }
0x91: {  	s18 =	sld [smem:$0x3FFB];
	_ =	sdelay $0x3  }
0x92: {  	_ =	strace s18  }
0x93: {  	s3 =	sld [smem:$0x3FFC];
	_ =	sdelay $0x3  }
0x94: {  	_ =	strace s3  }
0x95: {  	s3 =	sld [smem:$0x3FFD];
	_ =	sdelay $0x3  }
0x96: {  	_ =	strace s3  }
0x97: {  	_ =	strace $0x8FFFFFFF  }
0x98: {  	s19 =	sld [smem:$0x3FDB];
	_ =	sdelay $0x1  }
0x99: {  	s4 =	simm.s32 $_scs_section_size  }
0x9a: {  	s5 =	simm.s32 $_size__tile_overlayer_lowered;
	s6 =	simm.s32 $_tile_overlayer_lowered  }
0x9b: {  	s22 =	simm.s32 $0x1BFF;
	s21 =	sshll.u32 s6, $0x1;
	s3 =	sadd.s32 s4, s19  }
0x9c: {  	s7 =	simm.s32 $0x0;
	s20 =	sshll.u32 s5, $0x1;
	s5 =	sadd.s32 s21, s3  }
0x9d: {  	[timem:s7], [sflag:s22] =	dma.local [hbm:s5], s20  }
0x9e: {  	_ =	swait.ge [sflag:s22], s20  }
0x9f: {  	s4 =	ssub.s32 $0x0, s20;
	[sflag:s22] =	ssyncset.done $0x0  }
0xa0: {  	[sflag:s22] =	ssyncadd.s32 s4;
	_ =	sdelay $0x1  }
0xa1: {  	s23 =	simm.s32 $0x1B8B  }
0xa2: {  	_ =	swait.ge [sflag:s23], $0x1  }
0xa3: {  	[sflag:s23] =	ssyncset.done $0x0  }
0xa4: {  	s25 =	simm.s32 $0x1B8E;
	s24 =	sld [smem:$0x3FFE];
	[sflag:s23] =	ssyncadd.s32 $0xFFFFFFFF  }
0xa5: {  	s26 =	simm.s32 $execute0_lowered;
	[smem:$0x3FD2] =	sst s25  }
0xa6: {  	s5 =	sshll.u32 s26, $0x1;
	_ =	strace $0x80000046;
	[dreg:$0x1] =	wrdreg $0xFFFFFFFF  }
0xa7: {  	s28 =	simm.s32 $_size_execute0_lowered;
	s3 =	sadd.s32 s3, s5;
	[dreg:$0x0] =	wrdreg $0x0  }
0xa8: {  	s5 =	sshll.u32 s28, $0x1;
	[dreg:$0x2] =	wrdreg s3  }
0xa9: {  	[dreg:$0x3] =	wrdreg s5  }
0xaa: {  	[dreg:$0x4] =	wrdreg $0xC0  }
0xab: {  	_ =	task [dreg:s7], $0x5FFFF  }
0xac: {  	[dreg:$0x1] =	wrdreg $0xFFFFFFFF  }
0xad: {  	[dreg:$0x0] =	wrdreg $0x60  }
0xae: {  	[dreg:$0x2] =	wrdreg s24  }
0xaf: {  	[dreg:$0x3] =	wrdreg s2  }
0xb0: {  	[dreg:$0x4] =	wrdreg $0x9  }
0xb1: {  	_ =	task.clear_ibuf [dreg:s7], $0x5FFFF;
	_ =	strace $0x90000046  }
0xb2: {  	s29 =	simm.s32 $0x9;
	_ =	strace $0x80000048  }
0xb3: {  	_ =	swait.ge [sflag:s29], $0x1  }
0xb4: {  	[sflag:s29] =	ssyncadd.s32 $0xFFFFFFFF  }
0xb5: {  	_ =	strace $0x90000048  }
0xb6: {  	_ =	sfence  }
0xb7: {  	s30 =	sld [smem:$0x0];
	_ =	sdelay $0x2  }
0xb8: {  	s31 =	sshll.u32 s1, $0xD;
	s1 =	sshrl.u32 s1, $0x2  }
0xb9: {  	s3 =	sand.u32 $0x4000, s31;
	s1 =	sadd.s32 s1, s30  }
0xba: {  	s0 =	sor.u32 s3, s0;
	s1 =	sshll.u32 s1, $0x11  }
0xbb: {  	s0 =	sor.u32 s1, s0  }
0xbc: {  	s0 =	sadd.s32 $0x8F2B, s0  }
0xbd: {  	[sflag:s0] =	ssyncadd.remote.s32 $0x1  }
0xbe: {  	_ =	sfence.sel $0xFFFF  }
0xbf: {  	[dreg:$0x0] =	wrdreg $0xFFFFFFFF;
	(pc) =	sbr.abs _section_cstart, $3  }
0xc0: {  	[dreg:$0x1] =	wrdreg $0xFFFFFFFF  }
0xc1: {  	_ =	task.clear_ibuf [dreg:s7], $0x2FFFF;
	_ =	strace $0x9FFFFFFF  }
0xc2: {  	(tm) =	ssettm $0x7FFFFFFF  }
0xc3: {  	_ =	shalt  }
tec
execute0_lowered:
.L_overlay_start_1:
0x0: {  	(tag) =	ssettag $0x1  }
0x1: {  	s3 =	rddreg [dreg:$0x0];
	s1 =	srdreg.scid  }
0x2: {  	s0 =	stileid.u32;
	s11 =	rddreg [dreg:$0x1];
	s14 =	simm.s32 $0x8000  }
0x3: {  	s15 =	simm.s32 $0x2;
	s16 =	simm.s32 $0x3;
	s17 =	simm.s32 $0x0  }
0x4: {  	s4 =	sand.u32 $0x1, s1;
	s2 =	sshll.u32 s0, $0x1;
	s1 =	rddreg [dreg:$0x2]  }
0x5: {  	s9 =	sor.u32 s4, s2;
	s2 =	simm.s32 $0x0;
	s4 =	ssub.s32 $0x2, s4  }
0x6: {  	s5 =	sshll.u32 s9, $0xE;
	[smem:$0x7FF] =	sst s2;
	s31 =	sshrl.u32 s4, $0x1  }
0x7: {  	s13 =	sshll.u32 s9, $0xD;
	s10 =	sadd.s32 s5, s3;
	_ =	strace $0x80000047  }
0x8: {  	s12 =	ssub.s32 s4, s31;
	s11 =	sadd.s32 s11, s13;
	s13 =	simm.s32 $0x1  }
0x9: {  	s3 =	sadd.s32 $0x1C00, s10;
	s4 =	sadd.s32 $0x2400, s10;
	s5 =	sadd.s32 $0x2C00, s10  }
0xa: {  	s6 =	sadd.s32 $0x3400, s10;
	s7 =	sadd.s32 $0x3C00, s10;
	s8 =	sadd.s32 $0x4400, s10  }
0xb: {  	v0 =	vimm.s32 $0x0;
	v1 =	vimm.s32 $0x1;
	s9 =	sadd.s32 $0x4C00, s10;
	s10 =	sadd.s32 $0x5400, s10;
	s12 =	smax.u32 s12, $0x1  }
.LBB2_1:
0xc: {  	s18 =	simm.s32 $0x8040  }
0xd: {  	[tilespmem:s18+$0xFFFFFFC0] =	vst v0  }
0xe: {  	[tilespmem:s18+$0x30] =	vst v0  }
0xf: {  	[tilespmem:s18+$0x20] =	vst v0  }
0x10: {  	[tilespmem:s18+$0x10] =	vst v0  }
0x11: {  	[tilespmem:s18+$0x0] =	vst v0  }
0x12: {  	[tilespmem:s18+$0xFFFFFFF0] =	vst v0  }
0x13: {  	s19 =	simm.s32 $0x0;
	[tilespmem:s18+$0xFFFFFFE0] =	vst v0  }
.LBB2_2:
0x14: {  	s19 =	sadd.s32 $0x8, s19;
	[tilespmem:s18+$0xFFFFFFD0] =	vst v0;
	s18 =	sadd.s32 $0x80, s18  }
0x15: {  	[tilespmem:s18+$0xFFFFFFC0] =	vst v0;
	p0 =	slt.u32 s19, $0xFF8  }
0x16: {  	[tilespmem:s18+$0x30] =	vst v0  }
.Ltmp0:
0x17: {  	[tilespmem:s18+$0x20] =	vst v0;
	(pc) =	sbr.rel @p0 .LBB2_2-.Ltmp0, $4  }
0x18: {  	[tilespmem:s18+$0x10] =	vst v0  }
0x19: {  	[tilespmem:s18+$0x0] =	vst v0  }
0x1a: {  	[tilespmem:s18+$0xFFFFFFF0] =	vst v0  }
0x1b: {  	[tilespmem:s18+$0xFFFFFFE0] =	vst v0  }
0x1c: {  	s19 =	simm.s32 $0x0  }
0x1d: {  	[tilespmem:s18+$0xFFFFFFD0] =	vst v0;
	s18 =	simm.s32 $0x10;
	s21 =	sadd.s32 $0x0, s3;
	s20 =	simm.s32 $0x100  }
.LBB2_4:
0x1e: {  	[tilespmem:s19], [sflag:$0x1] =	stream.linear.gather [hbm4b:s21+s2], $0x80, $0x38;
	[tilespmem:$0x18000] =	vst v63  }
0x1f: {  	s21 =	smov.u32 s18;
	s19 =	smov.u32 s20;
	p0 =	sne.s32 s18, $0x7F0  }
.Ltmp1:
0x20: {  	s18 =	sadd.s32 $0x10, s18;
	(pc) =	sbr.rel @p0 .LBB2_4-.Ltmp1, $2  }
0x21: {  	_ =	sdelay $0x2  }
0x22: {  	s20 =	sadd.s32 $0x100, s20;
	s21 =	sadd.s32 s21, s3  }
0x23: {  	[tilespmem:s19], [sflag:$0x1] =	stream.linear.gather [hbm4b:s21+s2], $0x80, $0x38;
	[tilespmem:$0x18000] =	vst v63  }
0x24: {  	s18 =	simm.s32 $0x80  }
0x25: {  	s19 =	simm.s32 $0x10;
	s21 =	sadd.s32 $0x0, s4;
	s20 =	simm.s32 $0x180  }
.LBB2_6:
0x26: {  	[tilespmem:s18], [sflag:$0x2] =	stream.linear.gather [hbm4b:s21+s2], $0x80, $0x38;
	[tilespmem:$0x18000] =	vst v63  }
0x27: {  	s21 =	smov.u32 s19;
	s18 =	smov.u32 s20;
	p0 =	sne.s32 s19, $0x7F0  }
.Ltmp2:
0x28: {  	s19 =	sadd.s32 $0x10, s19;
	(pc) =	sbr.rel @p0 .LBB2_6-.Ltmp2, $2  }
0x29: {  	_ =	sdelay $0x2  }
0x2a: {  	s20 =	sadd.s32 $0x100, s20;
	s21 =	sadd.s32 s21, s4  }
0x2b: {  	[tilespmem:s18], [sflag:$0x2] =	stream.linear.gather [hbm4b:s21+s2], $0x80, $0x38;
	[tilespmem:$0x18000] =	vst v63  }
0x2c: {  	_ =	swait.ge [sflag:s13], $0x4000  }
0x2d: {  	[sflag:s13] =	ssyncset.done $0x0  }
0x2e: {  	s31 =	simm.s32 $0x40;
	[sflag:s13] =	ssyncadd.s32 $0xFFFFC000  }
0x2f: {  	v2 =	vld [tilespmem:s31+$0x30]  }
0x30: {  	v3 =	vld [tilespmem:s31+$0xFFFFFFD0]  }
0x31: {  	v4 =	vld [tilespmem:s31+$0xFFFFFFE0]  }
0x32: {  	v5 =	vld [tilespmem:s31+$0xFFFFFFF0]  }
0x33: {  	v6 =	vld [tilespmem:s31+$0x0]  }
0x34: {  	v2 =	vshrl.u32 v2, $0xF  }
0x35: {  	v3 =	vshrl.u32 v3, $0xF;
	v2 =	vand.u32 $0xFFFF, v2  }
0x36: {  	v7 =	vld [tilespmem:s31+$0x10];
	v4 =	vshrl.u32 v4, $0xF;
	v3 =	vand.u32 $0xFFFF, v3  }
0x37: {  	v8 =	vld [tilespmem:s31+$0x20];
	v5 =	vshrl.u32 v5, $0xF;
	v4 =	vand.u32 $0xFFFF, v4  }
0x38: {  	v9 =	vld [tilespmem:s31+$0xFFFFFFC0];
	v6 =	vshrl.u32 v6, $0xF;
	v5 =	vand.u32 $0xFFFF, v5  }
0x39: {  	v6 =	vand.u32 $0xFFFF, v6  }
0x3a: {  	[tilespmem:v2+s14+$0x0] =	vst.idx.add.s32.msk $0xffff, v1  }
0x3b: {  	[tilespmem:v3+s14+$0x0] =	vst.idx.add.s32.msk $0xffff, v1  }
0x3c: {  	[tilespmem:v4+s14+$0x0] =	vst.idx.add.s32.msk $0xffff, v1  }
0x3d: {  	v2 =	vshrl.u32 v7, $0xF;
	v3 =	vshrl.u32 v8, $0xF;
	v4 =	vshrl.u32 v9, $0xF;
	[tilespmem:v5+s14+$0x0] =	vst.idx.add.s32.msk $0xffff, v1  }
0x3e: {  	s18 =	simm.s32 $0x0;
	s19 =	simm.s32 $0x140;
	[tilespmem:v6+s14+$0x0] =	vst.idx.add.s32.msk $0xffff, v1;
	v2 =	vand.u32 $0xFFFF, v2;
	v3 =	vand.u32 $0xFFFF, v3;
	v4 =	vand.u32 $0xFFFF, v4  }
.LBB2_8:
0x3f: {  	v5 =	vld [tilespmem:s19+$0x30];
	s18 =	sadd.s32 $0x8, s18  }
0x40: {  	v6 =	vld [tilespmem:s19+$0xFFFFFFD0];
	p0 =	slt.u32 s18, $0x3F8  }
0x41: {  	v7 =	vld [tilespmem:s19+$0xFFFFFFE0]  }
0x42: {  	v8 =	vld [tilespmem:s19+$0xFFFFFFF0]  }
0x43: {  	v9 =	vld [tilespmem:s19+$0x0]  }
0x44: {  	v10 =	vld [tilespmem:s19+$0x10];
	v5 =	vshrl.u32 v5, $0xF  }
0x45: {  	v6 =	vshrl.u32 v6, $0xF;
	v11 =	vld [tilespmem:s19+$0x20];
	v5 =	vand.u32 $0xFFFF, v5  }
0x46: {  	v12 =	vld [tilespmem:s19+$0xFFFFFFC0];
	v6 =	vand.u32 $0xFFFF, v6;
	v7 =	vshrl.u32 v7, $0xF  }
0x47: {  	v7 =	vand.u32 $0xFFFF, v7;
	v8 =	vshrl.u32 v8, $0xF;
	[tilespmem:v4+s14+$0x0] =	vst.idx.add.s32.msk $0xffff, v1  }
0x48: {  	v8 =	vand.u32 $0xFFFF, v8;
	v4 =	vshrl.u32 v9, $0xF;
	[tilespmem:v2+s14+$0x0] =	vst.idx.add.s32.msk $0xffff, v1  }
0x49: {  	v9 =	vand.u32 $0xFFFF, v4;
	v2 =	vshrl.u32 v10, $0xF;
	[tilespmem:v3+s14+$0x0] =	vst.idx.add.s32.msk $0xffff, v1  }
.Ltmp3:
0x4a: {  	v2 =	vand.u32 $0xFFFF, v2;
	v3 =	vshrl.u32 v11, $0xF;
	[tilespmem:v5+s14+$0x0] =	vst.idx.add.s32.msk $0xffff, v1;
	(pc) =	sbr.rel @p0 .LBB2_8-.Ltmp3, $4  }
0x4b: {  	v4 =	vshrl.u32 v12, $0xF;
	[tilespmem:v6+s14+$0x0] =	vst.idx.add.s32.msk $0xffff, v1;
	v3 =	vand.u32 $0xFFFF, v3  }
0x4c: {  	v4 =	vand.u32 $0xFFFF, v4;
	[tilespmem:v7+s14+$0x0] =	vst.idx.add.s32.msk $0xffff, v1  }
0x4d: {  	[tilespmem:v8+s14+$0x0] =	vst.idx.add.s32.msk $0xffff, v1  }
0x4e: {  	s19 =	sadd.s32 $0x100, s19;
	[tilespmem:v9+s14+$0x0] =	vst.idx.add.s32.msk $0xffff, v1  }
0x4f: {  	_ =	sdelay $0x3  }
0x50: {  	[tilespmem:v4+s14+$0x0] =	vst.idx.add.s32.msk $0xffff, v1  }
0x51: {  	[tilespmem:v2+s14+$0x0] =	vst.idx.add.s32.msk $0xffff, v1;
	s18 =	simm.s32 $0x0  }
0x52: {  	[tilespmem:v3+s14+$0x0] =	vst.idx.add.s32.msk $0xffff, v1;
	s19 =	simm.s32 $0x10;
	s21 =	sadd.s32 $0x0, s5;
	s20 =	simm.s32 $0x100  }
.LBB2_10:
0x53: {  	[tilespmem:s18], [sflag:$0x1] =	stream.linear.gather [hbm4b:s21+s2], $0x80, $0x38;
	[tilespmem:$0x18000] =	vst v63  }
0x54: {  	s21 =	smov.u32 s19;
	s18 =	smov.u32 s20;
	p0 =	sne.s32 s19, $0x7F0  }
.Ltmp4:
0x55: {  	s19 =	sadd.s32 $0x10, s19;
	(pc) =	sbr.rel @p0 .LBB2_10-.Ltmp4, $2  }
0x56: {  	_ =	sdelay $0x2  }
0x57: {  	s20 =	sadd.s32 $0x100, s20;
	s21 =	sadd.s32 s21, s5  }
0x58: {  	[tilespmem:s18], [sflag:$0x1] =	stream.linear.gather [hbm4b:s21+s2], $0x80, $0x38;
	[tilespmem:$0x18000] =	vst v63  }
0x59: {  	_ =	swait.ge [sflag:s15], $0x4000  }
0x5a: {  	[sflag:s15] =	ssyncset.done $0x0  }
0x5b: {  	s31 =	simm.s32 $0xF0;
	[sflag:s15] =	ssyncadd.s32 $0xFFFFC000  }
0x5c: {  	v2 =	vld [tilespmem:s31+$0x0]  }
0x5d: {  	v3 =	vld [tilespmem:s31+$0xFFFFFFA0]  }
0x5e: {  	v4 =	vld [tilespmem:s31+$0xFFFFFFB0]  }
0x5f: {  	v5 =	vld [tilespmem:s31+$0xFFFFFFC0]  }
0x60: {  	v6 =	vld [tilespmem:s31+$0xFFFFFFD0]  }
0x61: {  	v2 =	vshrl.u32 v2, $0xF  }
0x62: {  	v3 =	vshrl.u32 v3, $0xF;
	v2 =	vand.u32 $0xFFFF, v2  }
0x63: {  	v7 =	vld [tilespmem:s31+$0xFFFFFFE0];
	v4 =	vshrl.u32 v4, $0xF;
	v3 =	vand.u32 $0xFFFF, v3  }
0x64: {  	v8 =	vld [tilespmem:s31+$0xFFFFFFF0];
	v5 =	vshrl.u32 v5, $0xF;
	v4 =	vand.u32 $0xFFFF, v4  }
0x65: {  	v9 =	vld [tilespmem:s31+$0xFFFFFF90];
	v6 =	vshrl.u32 v6, $0xF;
	v5 =	vand.u32 $0xFFFF, v5  }
0x66: {  	v6 =	vand.u32 $0xFFFF, v6  }
0x67: {  	[tilespmem:v2+s14+$0x0] =	vst.idx.add.s32.msk $0xffff, v1  }
0x68: {  	[tilespmem:v3+s14+$0x0] =	vst.idx.add.s32.msk $0xffff, v1  }
0x69: {  	[tilespmem:v4+s14+$0x0] =	vst.idx.add.s32.msk $0xffff, v1  }
0x6a: {  	v2 =	vshrl.u32 v7, $0xF;
	v3 =	vshrl.u32 v8, $0xF;
	v4 =	vshrl.u32 v9, $0xF;
	[tilespmem:v5+s14+$0x0] =	vst.idx.add.s32.msk $0xffff, v1  }
0x6b: {  	s18 =	simm.s32 $0x0;
	s19 =	simm.s32 $0x1F0;
	[tilespmem:v6+s14+$0x0] =	vst.idx.add.s32.msk $0xffff, v1;
	v2 =	vand.u32 $0xFFFF, v2;
	v3 =	vand.u32 $0xFFFF, v3;
	v4 =	vand.u32 $0xFFFF, v4  }
.LBB2_12:
0x6c: {  	v5 =	vld [tilespmem:s19+$0x0];
	s18 =	sadd.s32 $0x8, s18  }
0x6d: {  	v6 =	vld [tilespmem:s19+$0xFFFFFFA0];
	p0 =	slt.u32 s18, $0x3F8  }
0x6e: {  	v7 =	vld [tilespmem:s19+$0xFFFFFFB0]  }
0x6f: {  	v8 =	vld [tilespmem:s19+$0xFFFFFFC0]  }
0x70: {  	v9 =	vld [tilespmem:s19+$0xFFFFFFD0]  }
0x71: {  	v10 =	vld [tilespmem:s19+$0xFFFFFFE0];
	v5 =	vshrl.u32 v5, $0xF  }
0x72: {  	v6 =	vshrl.u32 v6, $0xF;
	v11 =	vld [tilespmem:s19+$0xFFFFFFF0];
	v5 =	vand.u32 $0xFFFF, v5  }
0x73: {  	v12 =	vld [tilespmem:s19+$0xFFFFFF90];
	v6 =	vand.u32 $0xFFFF, v6;
	v7 =	vshrl.u32 v7, $0xF  }
0x74: {  	v7 =	vand.u32 $0xFFFF, v7;
	v8 =	vshrl.u32 v8, $0xF;
	[tilespmem:v4+s14+$0x0] =	vst.idx.add.s32.msk $0xffff, v1  }
0x75: {  	v8 =	vand.u32 $0xFFFF, v8;
	v4 =	vshrl.u32 v9, $0xF;
	[tilespmem:v2+s14+$0x0] =	vst.idx.add.s32.msk $0xffff, v1  }
0x76: {  	v9 =	vand.u32 $0xFFFF, v4;
	v2 =	vshrl.u32 v10, $0xF;
	[tilespmem:v3+s14+$0x0] =	vst.idx.add.s32.msk $0xffff, v1  }
.Ltmp5:
0x77: {  	v2 =	vand.u32 $0xFFFF, v2;
	v3 =	vshrl.u32 v11, $0xF;
	[tilespmem:v5+s14+$0x0] =	vst.idx.add.s32.msk $0xffff, v1;
	(pc) =	sbr.rel @p0 .LBB2_12-.Ltmp5, $4  }
0x78: {  	v4 =	vshrl.u32 v12, $0xF;
	[tilespmem:v6+s14+$0x0] =	vst.idx.add.s32.msk $0xffff, v1;
	v3 =	vand.u32 $0xFFFF, v3  }
0x79: {  	v4 =	vand.u32 $0xFFFF, v4;
	[tilespmem:v7+s14+$0x0] =	vst.idx.add.s32.msk $0xffff, v1  }
0x7a: {  	[tilespmem:v8+s14+$0x0] =	vst.idx.add.s32.msk $0xffff, v1  }
0x7b: {  	s19 =	sadd.s32 $0x100, s19;
	[tilespmem:v9+s14+$0x0] =	vst.idx.add.s32.msk $0xffff, v1  }
0x7c: {  	_ =	sdelay $0x3  }
0x7d: {  	[tilespmem:v4+s14+$0x0] =	vst.idx.add.s32.msk $0xffff, v1  }
0x7e: {  	[tilespmem:v2+s14+$0x0] =	vst.idx.add.s32.msk $0xffff, v1;
	s18 =	simm.s32 $0x80  }
0x7f: {  	[tilespmem:v3+s14+$0x0] =	vst.idx.add.s32.msk $0xffff, v1;
	s19 =	simm.s32 $0x10;
	s21 =	sadd.s32 $0x0, s6;
	s20 =	simm.s32 $0x180  }
.LBB2_14:
0x80: {  	[tilespmem:s18], [sflag:$0x2] =	stream.linear.gather [hbm4b:s21+s2], $0x80, $0x38;
	[tilespmem:$0x18000] =	vst v63  }
0x81: {  	s21 =	smov.u32 s19;
	s18 =	smov.u32 s20;
	p0 =	sne.s32 s19, $0x7F0  }
.Ltmp6:
0x82: {  	s19 =	sadd.s32 $0x10, s19;
	(pc) =	sbr.rel @p0 .LBB2_14-.Ltmp6, $2  }
0x83: {  	_ =	sdelay $0x2  }
0x84: {  	s20 =	sadd.s32 $0x100, s20;
	s21 =	sadd.s32 s21, s6  }
0x85: {  	[tilespmem:s18], [sflag:$0x2] =	stream.linear.gather [hbm4b:s21+s2], $0x80, $0x38;
	[tilespmem:$0x18000] =	vst v63  }
0x86: {  	_ =	swait.ge [sflag:s13], $0x4000  }
0x87: {  	[sflag:s13] =	ssyncset.done $0x0  }
0x88: {  	s31 =	simm.s32 $0x40;
	[sflag:s13] =	ssyncadd.s32 $0xFFFFC000  }
0x89: {  	v2 =	vld [tilespmem:s31+$0x30]  }
0x8a: {  	v3 =	vld [tilespmem:s31+$0xFFFFFFD0]  }
0x8b: {  	v4 =	vld [tilespmem:s31+$0xFFFFFFE0]  }
0x8c: {  	v5 =	vld [tilespmem:s31+$0xFFFFFFF0]  }
0x8d: {  	v6 =	vld [tilespmem:s31+$0x0]  }
0x8e: {  	v2 =	vshrl.u32 v2, $0xF  }
0x8f: {  	v3 =	vshrl.u32 v3, $0xF;
	v2 =	vand.u32 $0xFFFF, v2  }
0x90: {  	v7 =	vld [tilespmem:s31+$0x10];
	v4 =	vshrl.u32 v4, $0xF;
	v3 =	vand.u32 $0xFFFF, v3  }
0x91: {  	v8 =	vld [tilespmem:s31+$0x20];
	v5 =	vshrl.u32 v5, $0xF;
	v4 =	vand.u32 $0xFFFF, v4  }
0x92: {  	v9 =	vld [tilespmem:s31+$0xFFFFFFC0];
	v6 =	vshrl.u32 v6, $0xF;
	v5 =	vand.u32 $0xFFFF, v5  }
0x93: {  	v6 =	vand.u32 $0xFFFF, v6  }
0x94: {  	[tilespmem:v2+s14+$0x0] =	vst.idx.add.s32.msk $0xffff, v1  }
0x95: {  	[tilespmem:v3+s14+$0x0] =	vst.idx.add.s32.msk $0xffff, v1  }
0x96: {  	[tilespmem:v4+s14+$0x0] =	vst.idx.add.s32.msk $0xffff, v1  }
0x97: {  	v2 =	vshrl.u32 v7, $0xF;
	v3 =	vshrl.u32 v8, $0xF;
	v4 =	vshrl.u32 v9, $0xF;
	[tilespmem:v5+s14+$0x0] =	vst.idx.add.s32.msk $0xffff, v1  }
0x98: {  	s18 =	simm.s32 $0x0;
	s19 =	simm.s32 $0x140;
	[tilespmem:v6+s14+$0x0] =	vst.idx.add.s32.msk $0xffff, v1;
	v2 =	vand.u32 $0xFFFF, v2;
	v3 =	vand.u32 $0xFFFF, v3;
	v4 =	vand.u32 $0xFFFF, v4  }
.LBB2_16:
0x99: {  	v5 =	vld [tilespmem:s19+$0x30];
	s18 =	sadd.s32 $0x8, s18  }
0x9a: {  	v6 =	vld [tilespmem:s19+$0xFFFFFFD0];
	p0 =	slt.u32 s18, $0x3F8  }
0x9b: {  	v7 =	vld [tilespmem:s19+$0xFFFFFFE0]  }
0x9c: {  	v8 =	vld [tilespmem:s19+$0xFFFFFFF0]  }
0x9d: {  	v9 =	vld [tilespmem:s19+$0x0]  }
0x9e: {  	v10 =	vld [tilespmem:s19+$0x10];
	v5 =	vshrl.u32 v5, $0xF  }
0x9f: {  	v6 =	vshrl.u32 v6, $0xF;
	v11 =	vld [tilespmem:s19+$0x20];
	v5 =	vand.u32 $0xFFFF, v5  }
0xa0: {  	v12 =	vld [tilespmem:s19+$0xFFFFFFC0];
	v6 =	vand.u32 $0xFFFF, v6;
	v7 =	vshrl.u32 v7, $0xF  }
0xa1: {  	v7 =	vand.u32 $0xFFFF, v7;
	v8 =	vshrl.u32 v8, $0xF;
	[tilespmem:v4+s14+$0x0] =	vst.idx.add.s32.msk $0xffff, v1  }
0xa2: {  	v8 =	vand.u32 $0xFFFF, v8;
	v4 =	vshrl.u32 v9, $0xF;
	[tilespmem:v2+s14+$0x0] =	vst.idx.add.s32.msk $0xffff, v1  }
0xa3: {  	v9 =	vand.u32 $0xFFFF, v4;
	v2 =	vshrl.u32 v10, $0xF;
	[tilespmem:v3+s14+$0x0] =	vst.idx.add.s32.msk $0xffff, v1  }
.Ltmp7:
0xa4: {  	v2 =	vand.u32 $0xFFFF, v2;
	v3 =	vshrl.u32 v11, $0xF;
	[tilespmem:v5+s14+$0x0] =	vst.idx.add.s32.msk $0xffff, v1;
	(pc) =	sbr.rel @p0 .LBB2_16-.Ltmp7, $4  }
0xa5: {  	v4 =	vshrl.u32 v12, $0xF;
	[tilespmem:v6+s14+$0x0] =	vst.idx.add.s32.msk $0xffff, v1;
	v3 =	vand.u32 $0xFFFF, v3  }
0xa6: {  	v4 =	vand.u32 $0xFFFF, v4;
	[tilespmem:v7+s14+$0x0] =	vst.idx.add.s32.msk $0xffff, v1  }
0xa7: {  	[tilespmem:v8+s14+$0x0] =	vst.idx.add.s32.msk $0xffff, v1  }
0xa8: {  	s19 =	sadd.s32 $0x100, s19;
	[tilespmem:v9+s14+$0x0] =	vst.idx.add.s32.msk $0xffff, v1  }
0xa9: {  	_ =	sdelay $0x3  }
0xaa: {  	[tilespmem:v4+s14+$0x0] =	vst.idx.add.s32.msk $0xffff, v1  }
0xab: {  	[tilespmem:v2+s14+$0x0] =	vst.idx.add.s32.msk $0xffff, v1;
	s18 =	simm.s32 $0x0  }
0xac: {  	[tilespmem:v3+s14+$0x0] =	vst.idx.add.s32.msk $0xffff, v1;
	s19 =	simm.s32 $0x10;
	s21 =	sadd.s32 $0x0, s7;
	s20 =	simm.s32 $0x100  }
.LBB2_18:
0xad: {  	[tilespmem:s18], [sflag:$0x1] =	stream.linear.gather [hbm4b:s21+s2], $0x80, $0x38;
	[tilespmem:$0x18000] =	vst v63  }
0xae: {  	s21 =	smov.u32 s19;
	s18 =	smov.u32 s20;
	p0 =	sne.s32 s19, $0x7F0  }
.Ltmp8:
0xaf: {  	s19 =	sadd.s32 $0x10, s19;
	(pc) =	sbr.rel @p0 .LBB2_18-.Ltmp8, $2  }
0xb0: {  	_ =	sdelay $0x2  }
0xb1: {  	s20 =	sadd.s32 $0x100, s20;
	s21 =	sadd.s32 s21, s7  }
0xb2: {  	[tilespmem:s18], [sflag:$0x1] =	stream.linear.gather [hbm4b:s21+s2], $0x80, $0x38;
	[tilespmem:$0x18000] =	vst v63  }
0xb3: {  	_ =	swait.ge [sflag:s15], $0x4000  }
0xb4: {  	[sflag:s15] =	ssyncset.done $0x0  }
0xb5: {  	s31 =	simm.s32 $0xF0;
	[sflag:s15] =	ssyncadd.s32 $0xFFFFC000  }
0xb6: {  	v2 =	vld [tilespmem:s31+$0x0]  }
0xb7: {  	v3 =	vld [tilespmem:s31+$0xFFFFFFA0]  }
0xb8: {  	v4 =	vld [tilespmem:s31+$0xFFFFFFB0]  }
0xb9: {  	v5 =	vld [tilespmem:s31+$0xFFFFFFC0]  }
0xba: {  	v6 =	vld [tilespmem:s31+$0xFFFFFFD0]  }
0xbb: {  	v2 =	vshrl.u32 v2, $0xF  }
0xbc: {  	v3 =	vshrl.u32 v3, $0xF;
	v2 =	vand.u32 $0xFFFF, v2  }
0xbd: {  	v7 =	vld [tilespmem:s31+$0xFFFFFFE0];
	v4 =	vshrl.u32 v4, $0xF;
	v3 =	vand.u32 $0xFFFF, v3  }
0xbe: {  	v8 =	vld [tilespmem:s31+$0xFFFFFFF0];
	v5 =	vshrl.u32 v5, $0xF;
	v4 =	vand.u32 $0xFFFF, v4  }
0xbf: {  	v9 =	vld [tilespmem:s31+$0xFFFFFF90];
	v6 =	vshrl.u32 v6, $0xF;
	v5 =	vand.u32 $0xFFFF, v5  }
0xc0: {  	v6 =	vand.u32 $0xFFFF, v6  }
0xc1: {  	[tilespmem:v2+s14+$0x0] =	vst.idx.add.s32.msk $0xffff, v1  }
0xc2: {  	[tilespmem:v3+s14+$0x0] =	vst.idx.add.s32.msk $0xffff, v1  }
0xc3: {  	[tilespmem:v4+s14+$0x0] =	vst.idx.add.s32.msk $0xffff, v1  }
0xc4: {  	v2 =	vshrl.u32 v7, $0xF;
	v3 =	vshrl.u32 v8, $0xF;
	v4 =	vshrl.u32 v9, $0xF;
	[tilespmem:v5+s14+$0x0] =	vst.idx.add.s32.msk $0xffff, v1  }
0xc5: {  	s18 =	simm.s32 $0x0;
	s19 =	simm.s32 $0x1F0;
	[tilespmem:v6+s14+$0x0] =	vst.idx.add.s32.msk $0xffff, v1;
	v2 =	vand.u32 $0xFFFF, v2;
	v3 =	vand.u32 $0xFFFF, v3;
	v4 =	vand.u32 $0xFFFF, v4  }
.LBB2_20:
0xc6: {  	v5 =	vld [tilespmem:s19+$0x0];
	s18 =	sadd.s32 $0x8, s18  }
0xc7: {  	v6 =	vld [tilespmem:s19+$0xFFFFFFA0];
	p0 =	slt.u32 s18, $0x3F8  }
0xc8: {  	v7 =	vld [tilespmem:s19+$0xFFFFFFB0]  }
0xc9: {  	v8 =	vld [tilespmem:s19+$0xFFFFFFC0]  }
0xca: {  	v9 =	vld [tilespmem:s19+$0xFFFFFFD0]  }
0xcb: {  	v10 =	vld [tilespmem:s19+$0xFFFFFFE0];
	v5 =	vshrl.u32 v5, $0xF  }
0xcc: {  	v6 =	vshrl.u32 v6, $0xF;
	v11 =	vld [tilespmem:s19+$0xFFFFFFF0];
	v5 =	vand.u32 $0xFFFF, v5  }
0xcd: {  	v12 =	vld [tilespmem:s19+$0xFFFFFF90];
	v6 =	vand.u32 $0xFFFF, v6;
	v7 =	vshrl.u32 v7, $0xF  }
0xce: {  	v7 =	vand.u32 $0xFFFF, v7;
	v8 =	vshrl.u32 v8, $0xF;
	[tilespmem:v4+s14+$0x0] =	vst.idx.add.s32.msk $0xffff, v1  }
0xcf: {  	v8 =	vand.u32 $0xFFFF, v8;
	v4 =	vshrl.u32 v9, $0xF;
	[tilespmem:v2+s14+$0x0] =	vst.idx.add.s32.msk $0xffff, v1  }
0xd0: {  	v9 =	vand.u32 $0xFFFF, v4;
	v2 =	vshrl.u32 v10, $0xF;
	[tilespmem:v3+s14+$0x0] =	vst.idx.add.s32.msk $0xffff, v1  }
.Ltmp9:
0xd1: {  	v2 =	vand.u32 $0xFFFF, v2;
	v3 =	vshrl.u32 v11, $0xF;
	[tilespmem:v5+s14+$0x0] =	vst.idx.add.s32.msk $0xffff, v1;
	(pc) =	sbr.rel @p0 .LBB2_20-.Ltmp9, $4  }
0xd2: {  	v4 =	vshrl.u32 v12, $0xF;
	[tilespmem:v6+s14+$0x0] =	vst.idx.add.s32.msk $0xffff, v1;
	v3 =	vand.u32 $0xFFFF, v3  }
0xd3: {  	v4 =	vand.u32 $0xFFFF, v4;
	[tilespmem:v7+s14+$0x0] =	vst.idx.add.s32.msk $0xffff, v1  }
0xd4: {  	[tilespmem:v8+s14+$0x0] =	vst.idx.add.s32.msk $0xffff, v1  }
0xd5: {  	s19 =	sadd.s32 $0x100, s19;
	[tilespmem:v9+s14+$0x0] =	vst.idx.add.s32.msk $0xffff, v1  }
0xd6: {  	_ =	sdelay $0x3  }
0xd7: {  	[tilespmem:v4+s14+$0x0] =	vst.idx.add.s32.msk $0xffff, v1  }
0xd8: {  	[tilespmem:v2+s14+$0x0] =	vst.idx.add.s32.msk $0xffff, v1;
	s18 =	simm.s32 $0x80  }
0xd9: {  	[tilespmem:v3+s14+$0x0] =	vst.idx.add.s32.msk $0xffff, v1;
	s19 =	simm.s32 $0x10;
	s21 =	sadd.s32 $0x0, s8;
	s20 =	simm.s32 $0x180  }
.LBB2_22:
0xda: {  	[tilespmem:s18], [sflag:$0x2] =	stream.linear.gather [hbm4b:s21+s2], $0x80, $0x38;
	[tilespmem:$0x18000] =	vst v63  }
0xdb: {  	s21 =	smov.u32 s19;
	s18 =	smov.u32 s20;
	p0 =	sne.s32 s19, $0x7F0  }
.Ltmp10:
0xdc: {  	s19 =	sadd.s32 $0x10, s19;
	(pc) =	sbr.rel @p0 .LBB2_22-.Ltmp10, $2  }
0xdd: {  	_ =	sdelay $0x2  }
0xde: {  	s20 =	sadd.s32 $0x100, s20;
	s21 =	sadd.s32 s21, s8  }
0xdf: {  	[tilespmem:s18], [sflag:$0x2] =	stream.linear.gather [hbm4b:s21+s2], $0x80, $0x38;
	[tilespmem:$0x18000] =	vst v63  }
0xe0: {  	_ =	swait.ge [sflag:s13], $0x4000  }
0xe1: {  	[sflag:s13] =	ssyncset.done $0x0  }
0xe2: {  	s31 =	simm.s32 $0x40;
	[sflag:s13] =	ssyncadd.s32 $0xFFFFC000  }
0xe3: {  	v2 =	vld [tilespmem:s31+$0x30]  }
0xe4: {  	v3 =	vld [tilespmem:s31+$0xFFFFFFD0]  }
0xe5: {  	v4 =	vld [tilespmem:s31+$0xFFFFFFE0]  }
0xe6: {  	v5 =	vld [tilespmem:s31+$0xFFFFFFF0]  }
0xe7: {  	v6 =	vld [tilespmem:s31+$0x0]  }
0xe8: {  	v2 =	vshrl.u32 v2, $0xF  }
0xe9: {  	v3 =	vshrl.u32 v3, $0xF;
	v2 =	vand.u32 $0xFFFF, v2  }
0xea: {  	v7 =	vld [tilespmem:s31+$0x10];
	v4 =	vshrl.u32 v4, $0xF;
	v3 =	vand.u32 $0xFFFF, v3  }
0xeb: {  	v8 =	vld [tilespmem:s31+$0x20];
	v5 =	vshrl.u32 v5, $0xF;
	v4 =	vand.u32 $0xFFFF, v4  }
0xec: {  	v9 =	vld [tilespmem:s31+$0xFFFFFFC0];
	v6 =	vshrl.u32 v6, $0xF;
	v5 =	vand.u32 $0xFFFF, v5  }
0xed: {  	v6 =	vand.u32 $0xFFFF, v6  }
0xee: {  	[tilespmem:v2+s14+$0x0] =	vst.idx.add.s32.msk $0xffff, v1  }
0xef: {  	[tilespmem:v3+s14+$0x0] =	vst.idx.add.s32.msk $0xffff, v1  }
0xf0: {  	[tilespmem:v4+s14+$0x0] =	vst.idx.add.s32.msk $0xffff, v1  }
0xf1: {  	v2 =	vshrl.u32 v7, $0xF;
	v3 =	vshrl.u32 v8, $0xF;
	v4 =	vshrl.u32 v9, $0xF;
	[tilespmem:v5+s14+$0x0] =	vst.idx.add.s32.msk $0xffff, v1  }
0xf2: {  	s18 =	simm.s32 $0x0;
	s19 =	simm.s32 $0x140;
	[tilespmem:v6+s14+$0x0] =	vst.idx.add.s32.msk $0xffff, v1;
	v2 =	vand.u32 $0xFFFF, v2;
	v3 =	vand.u32 $0xFFFF, v3;
	v4 =	vand.u32 $0xFFFF, v4  }
.LBB2_24:
0xf3: {  	v5 =	vld [tilespmem:s19+$0x30];
	s18 =	sadd.s32 $0x8, s18  }
0xf4: {  	v6 =	vld [tilespmem:s19+$0xFFFFFFD0];
	p0 =	slt.u32 s18, $0x3F8  }
0xf5: {  	v7 =	vld [tilespmem:s19+$0xFFFFFFE0]  }
0xf6: {  	v8 =	vld [tilespmem:s19+$0xFFFFFFF0]  }
0xf7: {  	v9 =	vld [tilespmem:s19+$0x0]  }
0xf8: {  	v10 =	vld [tilespmem:s19+$0x10];
	v5 =	vshrl.u32 v5, $0xF  }
0xf9: {  	v6 =	vshrl.u32 v6, $0xF;
	v11 =	vld [tilespmem:s19+$0x20];
	v5 =	vand.u32 $0xFFFF, v5  }
0xfa: {  	v12 =	vld [tilespmem:s19+$0xFFFFFFC0];
	v6 =	vand.u32 $0xFFFF, v6;
	v7 =	vshrl.u32 v7, $0xF  }
0xfb: {  	v7 =	vand.u32 $0xFFFF, v7;
	v8 =	vshrl.u32 v8, $0xF;
	[tilespmem:v4+s14+$0x0] =	vst.idx.add.s32.msk $0xffff, v1  }
0xfc: {  	v8 =	vand.u32 $0xFFFF, v8;
	v4 =	vshrl.u32 v9, $0xF;
	[tilespmem:v2+s14+$0x0] =	vst.idx.add.s32.msk $0xffff, v1  }
0xfd: {  	v9 =	vand.u32 $0xFFFF, v4;
	v2 =	vshrl.u32 v10, $0xF;
	[tilespmem:v3+s14+$0x0] =	vst.idx.add.s32.msk $0xffff, v1  }
.Ltmp11:
0xfe: {  	v2 =	vand.u32 $0xFFFF, v2;
	v3 =	vshrl.u32 v11, $0xF;
	[tilespmem:v5+s14+$0x0] =	vst.idx.add.s32.msk $0xffff, v1;
	(pc) =	sbr.rel @p0 .LBB2_24-.Ltmp11, $4  }
0xff: {  	v4 =	vshrl.u32 v12, $0xF;
	[tilespmem:v6+s14+$0x0] =	vst.idx.add.s32.msk $0xffff, v1;
	v3 =	vand.u32 $0xFFFF, v3  }
0x100: {  	v4 =	vand.u32 $0xFFFF, v4;
	[tilespmem:v7+s14+$0x0] =	vst.idx.add.s32.msk $0xffff, v1  }
0x101: {  	[tilespmem:v8+s14+$0x0] =	vst.idx.add.s32.msk $0xffff, v1  }
0x102: {  	s19 =	sadd.s32 $0x100, s19;
	[tilespmem:v9+s14+$0x0] =	vst.idx.add.s32.msk $0xffff, v1  }
0x103: {  	_ =	sdelay $0x3  }
0x104: {  	[tilespmem:v4+s14+$0x0] =	vst.idx.add.s32.msk $0xffff, v1  }
0x105: {  	[tilespmem:v2+s14+$0x0] =	vst.idx.add.s32.msk $0xffff, v1;
	s18 =	simm.s32 $0x0  }
0x106: {  	[tilespmem:v3+s14+$0x0] =	vst.idx.add.s32.msk $0xffff, v1;
	s19 =	simm.s32 $0x10;
	s21 =	sadd.s32 $0x0, s9;
	s20 =	simm.s32 $0x100  }
.LBB2_26:
0x107: {  	[tilespmem:s18], [sflag:$0x1] =	stream.linear.gather [hbm4b:s21+s2], $0x80, $0x38;
	[tilespmem:$0x18000] =	vst v63  }
0x108: {  	s21 =	smov.u32 s19;
	s18 =	smov.u32 s20;
	p0 =	sne.s32 s19, $0x7F0  }
.Ltmp12:
0x109: {  	s19 =	sadd.s32 $0x10, s19;
	(pc) =	sbr.rel @p0 .LBB2_26-.Ltmp12, $2  }
0x10a: {  	_ =	sdelay $0x2  }
0x10b: {  	s20 =	sadd.s32 $0x100, s20;
	s21 =	sadd.s32 s21, s9  }
0x10c: {  	[tilespmem:s18], [sflag:$0x1] =	stream.linear.gather [hbm4b:s21+s2], $0x80, $0x38;
	[tilespmem:$0x18000] =	vst v63  }
0x10d: {  	_ =	swait.ge [sflag:s15], $0x4000  }
0x10e: {  	[sflag:s15] =	ssyncset.done $0x0  }
0x10f: {  	s31 =	simm.s32 $0xF0;
	[sflag:s15] =	ssyncadd.s32 $0xFFFFC000  }
0x110: {  	v2 =	vld [tilespmem:s31+$0x0]  }
0x111: {  	v3 =	vld [tilespmem:s31+$0xFFFFFFA0]  }
0x112: {  	v4 =	vld [tilespmem:s31+$0xFFFFFFB0]  }
0x113: {  	v5 =	vld [tilespmem:s31+$0xFFFFFFC0]  }
0x114: {  	v6 =	vld [tilespmem:s31+$0xFFFFFFD0]  }
0x115: {  	v2 =	vshrl.u32 v2, $0xF  }
0x116: {  	v3 =	vshrl.u32 v3, $0xF;
	v2 =	vand.u32 $0xFFFF, v2  }
0x117: {  	v7 =	vld [tilespmem:s31+$0xFFFFFFE0];
	v4 =	vshrl.u32 v4, $0xF;
	v3 =	vand.u32 $0xFFFF, v3  }
0x118: {  	v8 =	vld [tilespmem:s31+$0xFFFFFFF0];
	v5 =	vshrl.u32 v5, $0xF;
	v4 =	vand.u32 $0xFFFF, v4  }
0x119: {  	v9 =	vld [tilespmem:s31+$0xFFFFFF90];
	v6 =	vshrl.u32 v6, $0xF;
	v5 =	vand.u32 $0xFFFF, v5  }
0x11a: {  	v6 =	vand.u32 $0xFFFF, v6  }
0x11b: {  	[tilespmem:v2+s14+$0x0] =	vst.idx.add.s32.msk $0xffff, v1  }
0x11c: {  	[tilespmem:v3+s14+$0x0] =	vst.idx.add.s32.msk $0xffff, v1  }
0x11d: {  	[tilespmem:v4+s14+$0x0] =	vst.idx.add.s32.msk $0xffff, v1  }
0x11e: {  	v2 =	vshrl.u32 v7, $0xF;
	v3 =	vshrl.u32 v8, $0xF;
	v4 =	vshrl.u32 v9, $0xF;
	[tilespmem:v5+s14+$0x0] =	vst.idx.add.s32.msk $0xffff, v1  }
0x11f: {  	s18 =	simm.s32 $0x0;
	s19 =	simm.s32 $0x1F0;
	[tilespmem:v6+s14+$0x0] =	vst.idx.add.s32.msk $0xffff, v1;
	v2 =	vand.u32 $0xFFFF, v2;
	v3 =	vand.u32 $0xFFFF, v3;
	v4 =	vand.u32 $0xFFFF, v4  }
.LBB2_28:
0x120: {  	v5 =	vld [tilespmem:s19+$0x0];
	s18 =	sadd.s32 $0x8, s18  }
0x121: {  	v6 =	vld [tilespmem:s19+$0xFFFFFFA0];
	p0 =	slt.u32 s18, $0x3F8  }
0x122: {  	v7 =	vld [tilespmem:s19+$0xFFFFFFB0]  }
0x123: {  	v8 =	vld [tilespmem:s19+$0xFFFFFFC0]  }
0x124: {  	v9 =	vld [tilespmem:s19+$0xFFFFFFD0]  }
0x125: {  	v10 =	vld [tilespmem:s19+$0xFFFFFFE0];
	v5 =	vshrl.u32 v5, $0xF  }
0x126: {  	v6 =	vshrl.u32 v6, $0xF;
	v11 =	vld [tilespmem:s19+$0xFFFFFFF0];
	v5 =	vand.u32 $0xFFFF, v5  }
0x127: {  	v12 =	vld [tilespmem:s19+$0xFFFFFF90];
	v6 =	vand.u32 $0xFFFF, v6;
	v7 =	vshrl.u32 v7, $0xF  }
0x128: {  	v7 =	vand.u32 $0xFFFF, v7;
	v8 =	vshrl.u32 v8, $0xF;
	[tilespmem:v4+s14+$0x0] =	vst.idx.add.s32.msk $0xffff, v1  }
0x129: {  	v8 =	vand.u32 $0xFFFF, v8;
	v4 =	vshrl.u32 v9, $0xF;
	[tilespmem:v2+s14+$0x0] =	vst.idx.add.s32.msk $0xffff, v1  }
0x12a: {  	v9 =	vand.u32 $0xFFFF, v4;
	v2 =	vshrl.u32 v10, $0xF;
	[tilespmem:v3+s14+$0x0] =	vst.idx.add.s32.msk $0xffff, v1  }
.Ltmp13:
0x12b: {  	v2 =	vand.u32 $0xFFFF, v2;
	v3 =	vshrl.u32 v11, $0xF;
	[tilespmem:v5+s14+$0x0] =	vst.idx.add.s32.msk $0xffff, v1;
	(pc) =	sbr.rel @p0 .LBB2_28-.Ltmp13, $4  }
0x12c: {  	v4 =	vshrl.u32 v12, $0xF;
	[tilespmem:v6+s14+$0x0] =	vst.idx.add.s32.msk $0xffff, v1;
	v3 =	vand.u32 $0xFFFF, v3  }
0x12d: {  	v4 =	vand.u32 $0xFFFF, v4;
	[tilespmem:v7+s14+$0x0] =	vst.idx.add.s32.msk $0xffff, v1  }
0x12e: {  	[tilespmem:v8+s14+$0x0] =	vst.idx.add.s32.msk $0xffff, v1  }
0x12f: {  	s19 =	sadd.s32 $0x100, s19;
	[tilespmem:v9+s14+$0x0] =	vst.idx.add.s32.msk $0xffff, v1  }
0x130: {  	_ =	sdelay $0x3  }
0x131: {  	[tilespmem:v4+s14+$0x0] =	vst.idx.add.s32.msk $0xffff, v1  }
0x132: {  	[tilespmem:v2+s14+$0x0] =	vst.idx.add.s32.msk $0xffff, v1;
	s18 =	simm.s32 $0x80  }
0x133: {  	[tilespmem:v3+s14+$0x0] =	vst.idx.add.s32.msk $0xffff, v1;
	s19 =	simm.s32 $0x10;
	s21 =	sadd.s32 $0x0, s10;
	s20 =	simm.s32 $0x180  }
.LBB2_30:
0x134: {  	[tilespmem:s18], [sflag:$0x2] =	stream.linear.gather [hbm4b:s21+s2], $0x80, $0x38;
	[tilespmem:$0x18000] =	vst v63  }
0x135: {  	s21 =	smov.u32 s19;
	s18 =	smov.u32 s20;
	p0 =	sne.s32 s19, $0x7F0  }
.Ltmp14:
0x136: {  	s19 =	sadd.s32 $0x10, s19;
	(pc) =	sbr.rel @p0 .LBB2_30-.Ltmp14, $2  }
0x137: {  	_ =	sdelay $0x2  }
0x138: {  	s20 =	sadd.s32 $0x100, s20;
	s21 =	sadd.s32 s21, s10  }
0x139: {  	[tilespmem:s18], [sflag:$0x2] =	stream.linear.gather [hbm4b:s21+s2], $0x80, $0x38;
	[tilespmem:$0x18000] =	vst v63  }
0x13a: {  	_ =	swait.ge [sflag:s13], $0x4000  }
0x13b: {  	[sflag:s13] =	ssyncset.done $0x0  }
0x13c: {  	s31 =	simm.s32 $0x40;
	[sflag:s13] =	ssyncadd.s32 $0xFFFFC000  }
0x13d: {  	v2 =	vld [tilespmem:s31+$0x30]  }
0x13e: {  	v3 =	vld [tilespmem:s31+$0xFFFFFFD0]  }
0x13f: {  	v4 =	vld [tilespmem:s31+$0xFFFFFFE0]  }
0x140: {  	v5 =	vld [tilespmem:s31+$0xFFFFFFF0]  }
0x141: {  	v6 =	vld [tilespmem:s31+$0x0]  }
0x142: {  	v2 =	vshrl.u32 v2, $0xF  }
0x143: {  	v3 =	vshrl.u32 v3, $0xF;
	v2 =	vand.u32 $0xFFFF, v2  }
0x144: {  	v7 =	vld [tilespmem:s31+$0x10];
	v4 =	vshrl.u32 v4, $0xF;
	v3 =	vand.u32 $0xFFFF, v3  }
0x145: {  	v8 =	vld [tilespmem:s31+$0x20];
	v5 =	vshrl.u32 v5, $0xF;
	v4 =	vand.u32 $0xFFFF, v4  }
0x146: {  	v9 =	vld [tilespmem:s31+$0xFFFFFFC0];
	v6 =	vshrl.u32 v6, $0xF;
	v5 =	vand.u32 $0xFFFF, v5  }
0x147: {  	v6 =	vand.u32 $0xFFFF, v6  }
0x148: {  	[tilespmem:v2+s14+$0x0] =	vst.idx.add.s32.msk $0xffff, v1  }
0x149: {  	[tilespmem:v3+s14+$0x0] =	vst.idx.add.s32.msk $0xffff, v1  }
0x14a: {  	[tilespmem:v4+s14+$0x0] =	vst.idx.add.s32.msk $0xffff, v1  }
0x14b: {  	v2 =	vshrl.u32 v7, $0xF;
	v3 =	vshrl.u32 v8, $0xF;
	v4 =	vshrl.u32 v9, $0xF;
	[tilespmem:v5+s14+$0x0] =	vst.idx.add.s32.msk $0xffff, v1  }
0x14c: {  	s18 =	simm.s32 $0x0;
	s19 =	simm.s32 $0x140;
	[tilespmem:v6+s14+$0x0] =	vst.idx.add.s32.msk $0xffff, v1;
	v2 =	vand.u32 $0xFFFF, v2;
	v3 =	vand.u32 $0xFFFF, v3;
	v4 =	vand.u32 $0xFFFF, v4  }
.LBB2_32:
0x14d: {  	v5 =	vld [tilespmem:s19+$0x30];
	s18 =	sadd.s32 $0x8, s18  }
0x14e: {  	v6 =	vld [tilespmem:s19+$0xFFFFFFD0];
	p0 =	slt.u32 s18, $0x3F8  }
0x14f: {  	v7 =	vld [tilespmem:s19+$0xFFFFFFE0]  }
0x150: {  	v8 =	vld [tilespmem:s19+$0xFFFFFFF0]  }
0x151: {  	v9 =	vld [tilespmem:s19+$0x0]  }
0x152: {  	v10 =	vld [tilespmem:s19+$0x10];
	v5 =	vshrl.u32 v5, $0xF  }
0x153: {  	v6 =	vshrl.u32 v6, $0xF;
	v11 =	vld [tilespmem:s19+$0x20];
	v5 =	vand.u32 $0xFFFF, v5  }
0x154: {  	v12 =	vld [tilespmem:s19+$0xFFFFFFC0];
	v6 =	vand.u32 $0xFFFF, v6;
	v7 =	vshrl.u32 v7, $0xF  }
0x155: {  	v7 =	vand.u32 $0xFFFF, v7;
	v8 =	vshrl.u32 v8, $0xF;
	[tilespmem:v4+s14+$0x0] =	vst.idx.add.s32.msk $0xffff, v1  }
0x156: {  	v8 =	vand.u32 $0xFFFF, v8;
	v4 =	vshrl.u32 v9, $0xF;
	[tilespmem:v2+s14+$0x0] =	vst.idx.add.s32.msk $0xffff, v1  }
0x157: {  	v9 =	vand.u32 $0xFFFF, v4;
	v2 =	vshrl.u32 v10, $0xF;
	[tilespmem:v3+s14+$0x0] =	vst.idx.add.s32.msk $0xffff, v1  }
.Ltmp15:
0x158: {  	v2 =	vand.u32 $0xFFFF, v2;
	v3 =	vshrl.u32 v11, $0xF;
	[tilespmem:v5+s14+$0x0] =	vst.idx.add.s32.msk $0xffff, v1;
	(pc) =	sbr.rel @p0 .LBB2_32-.Ltmp15, $4  }
0x159: {  	v4 =	vshrl.u32 v12, $0xF;
	[tilespmem:v6+s14+$0x0] =	vst.idx.add.s32.msk $0xffff, v1;
	v3 =	vand.u32 $0xFFFF, v3  }
0x15a: {  	v4 =	vand.u32 $0xFFFF, v4;
	[tilespmem:v7+s14+$0x0] =	vst.idx.add.s32.msk $0xffff, v1  }
0x15b: {  	[tilespmem:v8+s14+$0x0] =	vst.idx.add.s32.msk $0xffff, v1  }
0x15c: {  	s19 =	sadd.s32 $0x100, s19;
	[tilespmem:v9+s14+$0x0] =	vst.idx.add.s32.msk $0xffff, v1  }
0x15d: {  	_ =	sdelay $0x3  }
0x15e: {  	[tilespmem:v4+s14+$0x0] =	vst.idx.add.s32.msk $0xffff, v1  }
0x15f: {  	[tilespmem:v2+s14+$0x0] =	vst.idx.add.s32.msk $0xffff, v1  }
0x160: {  	[tilespmem:v3+s14+$0x0] =	vst.idx.add.s32.msk $0xffff, v1  }
0x161: {  	_ =	swait.ge [sflag:s15], $0x4000  }
0x162: {  	[sflag:s15] =	ssyncset.done $0x0  }
0x163: {  	s18 =	simm.s32 $0xF0;
	[sflag:s15] =	ssyncadd.s32 $0xFFFFC000  }
0x164: {  	v2 =	vld [tilespmem:s18+$0x0]  }
0x165: {  	v3 =	vld [tilespmem:s18+$0xFFFFFFA0]  }
0x166: {  	v4 =	vld [tilespmem:s18+$0xFFFFFFB0]  }
0x167: {  	v5 =	vld [tilespmem:s18+$0xFFFFFFC0]  }
0x168: {  	v6 =	vld [tilespmem:s18+$0xFFFFFFD0]  }
0x169: {  	v2 =	vshrl.u32 v2, $0xF  }
0x16a: {  	v3 =	vshrl.u32 v3, $0xF;
	v2 =	vand.u32 $0xFFFF, v2  }
0x16b: {  	v7 =	vld [tilespmem:s18+$0xFFFFFFE0];
	v4 =	vshrl.u32 v4, $0xF;
	v3 =	vand.u32 $0xFFFF, v3  }
0x16c: {  	v8 =	vld [tilespmem:s18+$0xFFFFFFF0];
	v5 =	vshrl.u32 v5, $0xF;
	v4 =	vand.u32 $0xFFFF, v4  }
0x16d: {  	v9 =	vld [tilespmem:s18+$0xFFFFFF90];
	v6 =	vshrl.u32 v6, $0xF;
	v5 =	vand.u32 $0xFFFF, v5  }
0x16e: {  	v6 =	vand.u32 $0xFFFF, v6  }
0x16f: {  	[tilespmem:v2+s14+$0x0] =	vst.idx.add.s32.msk $0xffff, v1  }
0x170: {  	[tilespmem:v3+s14+$0x0] =	vst.idx.add.s32.msk $0xffff, v1  }
0x171: {  	[tilespmem:v4+s14+$0x0] =	vst.idx.add.s32.msk $0xffff, v1  }
0x172: {  	v2 =	vshrl.u32 v7, $0xF;
	v3 =	vshrl.u32 v8, $0xF;
	v4 =	vshrl.u32 v9, $0xF;
	[tilespmem:v5+s14+$0x0] =	vst.idx.add.s32.msk $0xffff, v1  }
0x173: {  	s19 =	simm.s32 $0x1F0;
	s18 =	simm.s32 $0x0;
	[tilespmem:v6+s14+$0x0] =	vst.idx.add.s32.msk $0xffff, v1;
	v2 =	vand.u32 $0xFFFF, v2;
	v3 =	vand.u32 $0xFFFF, v3;
	v4 =	vand.u32 $0xFFFF, v4  }
.LBB2_34:
0x174: {  	v5 =	vld [tilespmem:s19+$0x0];
	s18 =	sadd.s32 $0x8, s18  }
0x175: {  	v6 =	vld [tilespmem:s19+$0xFFFFFFA0];
	p0 =	slt.u32 s18, $0x3F8  }
0x176: {  	v7 =	vld [tilespmem:s19+$0xFFFFFFB0]  }
0x177: {  	v8 =	vld [tilespmem:s19+$0xFFFFFFC0]  }
0x178: {  	v9 =	vld [tilespmem:s19+$0xFFFFFFD0]  }
0x179: {  	v10 =	vld [tilespmem:s19+$0xFFFFFFE0];
	v5 =	vshrl.u32 v5, $0xF  }
0x17a: {  	v6 =	vshrl.u32 v6, $0xF;
	v11 =	vld [tilespmem:s19+$0xFFFFFFF0];
	v5 =	vand.u32 $0xFFFF, v5  }
0x17b: {  	v12 =	vld [tilespmem:s19+$0xFFFFFF90];
	v6 =	vand.u32 $0xFFFF, v6;
	v7 =	vshrl.u32 v7, $0xF  }
0x17c: {  	v7 =	vand.u32 $0xFFFF, v7;
	v8 =	vshrl.u32 v8, $0xF;
	[tilespmem:v4+s14+$0x0] =	vst.idx.add.s32.msk $0xffff, v1  }
0x17d: {  	v8 =	vand.u32 $0xFFFF, v8;
	v4 =	vshrl.u32 v9, $0xF;
	[tilespmem:v2+s14+$0x0] =	vst.idx.add.s32.msk $0xffff, v1  }
0x17e: {  	v9 =	vand.u32 $0xFFFF, v4;
	v2 =	vshrl.u32 v10, $0xF;
	[tilespmem:v3+s14+$0x0] =	vst.idx.add.s32.msk $0xffff, v1  }
.Ltmp16:
0x17f: {  	v2 =	vand.u32 $0xFFFF, v2;
	v3 =	vshrl.u32 v11, $0xF;
	[tilespmem:v5+s14+$0x0] =	vst.idx.add.s32.msk $0xffff, v1;
	(pc) =	sbr.rel @p0 .LBB2_34-.Ltmp16, $4  }
0x180: {  	v4 =	vshrl.u32 v12, $0xF;
	[tilespmem:v6+s14+$0x0] =	vst.idx.add.s32.msk $0xffff, v1;
	v3 =	vand.u32 $0xFFFF, v3  }
0x181: {  	v4 =	vand.u32 $0xFFFF, v4;
	[tilespmem:v7+s14+$0x0] =	vst.idx.add.s32.msk $0xffff, v1  }
0x182: {  	[tilespmem:v8+s14+$0x0] =	vst.idx.add.s32.msk $0xffff, v1  }
0x183: {  	s19 =	sadd.s32 $0x100, s19;
	[tilespmem:v9+s14+$0x0] =	vst.idx.add.s32.msk $0xffff, v1  }
0x184: {  	_ =	sdelay $0x3  }
0x185: {  	[tilespmem:v4+s14+$0x0] =	vst.idx.add.s32.msk $0xffff, v1;
	s17 =	sadd.s32 $0x1, s17  }
0x186: {  	[tilespmem:v2+s14+$0x0] =	vst.idx.add.s32.msk $0xffff, v1;
	p0 =	sne.s32 s17, s12  }
.Ltmp17:
0x187: {  	[tilespmem:v3+s14+$0x0] =	vst.idx.add.s32.msk $0xffff, v1;
	(pc) =	sbr.rel @p0 .LBB2_1-.Ltmp17, $4  }
0x188: {  	[hbm4b:s11+s2] =	stream.linear.scatter [tilespmem:s14], [sflag:$0x3], $0x10000, $0x38;
	[tilespmem:$0x18000] =	vst v63  }
0x189: {  	_ =	swait.ge [sflag:s16], $0x10000  }
0x18a: {  	[sflag:s16] =	ssyncset.done $0x0  }
0x18b: {  	[sflag:s16] =	ssyncadd.s32 $0xFFFF0000  }
0x18c: {  	_ =	sfence.sel $0x180000  }
0x18d: {  	[bflag:$0x0] =	sbarrier.arrive $0xFFFF  }
0x18e: {  	p0 =	sne.s32 s0, $0x0;
	_ =	strace $0x90000047  }
0x18f: {  	s0 =	sadd.s32 @!p0 $0x100000, s1;
	[bflag:$0x2] =	sbarrier.arrive $0xFFFF  }
0x190: {  	[sflag:s0] =	ssyncadd.tile.s32 @!p0 $0x1;
	_ =	shalt  }
.Lfunc_end2:
_tile_overlayer_lowered:
.L_overlay_start_2:
0x191: {  	(tag) =	ssettag $0x2  }
0x192: {  	s0 =	rddreg [dreg:$0x0];
	s2 =	stileid.u32  }
0x193: {  	s1 =	rddreg [dreg:$0x1];
	p0 =	sne.s32 s2, $0x0  }
0x194: {  	s3 =	rddreg [dreg:$0x2];
	[bflag:$0x3] =	sbarrier.arrive $0xFFFF;
	s2 =	simm.s32 @!p0 $0x1C03  }
0x195: {  	[timem:s3], [sflag:s2] =	dma.local @!p0 [hbm:s0], s1  }
0x196: {  	s0 =	simm.s32 @!p0 $0x3  }
0x197: {  	_ =	swait.ge @!p0 [sflag:s0], s1  }
0x198: {  	s1 =	ssub.s32 @!p0 $0x0, s1;
	[sflag:s0] =	ssyncset.done @!p0 $0x0  }
0x199: {  	[sflag:s0] =	ssyncadd.s32 @!p0 s1  }
0x19a: {  	[bflag:$0x3] =	sbarrier.arrive $0xFFFF  }
0x19b: {  	_ =	shalt  }

</sc_bundles>
